<compile_context>
chip_gen: v7x
topology: tpu7x:2x2x1
jax: 0.10.2.dev20260603
libtpu: 0.0.44.dev20260713+nightly
codegen_flags: <defaults>
</compile_context>

<pallas_src>
import functools
from math import sqrt

import jax
import jax.numpy as jnp
from jax import lax
from jax.experimental import pallas as pl
from jax.experimental.pallas import tpu as pltpu
from jax.experimental.pallas import tpu_sc as plsc

D_MODEL = 1024
SCALE = sqrt(D_MODEL)


@functools.cache
def _make_sc_lookup(B: int, D: int):
    info = plsc.get_sparse_core_info()
    NC, NS, L = info.num_cores, info.num_subcores, info.num_lanes
    NW = NC * NS
    assert B % NW == 0 and D % L == 0
    b_per_w = B // NW
    CHUNK = 56
    full, last = divmod(b_per_w, CHUNK)
    sizes = [CHUNK] * full + ([last] if last else [])
    offs = [i * CHUNK for i in range(len(sizes))]
    n_chunks = len(sizes)

    mesh = plsc.VectorSubcoreMesh(core_axis_name="c", subcore_axis_name="s")

    @functools.partial(
        pl.kernel,
        mesh=mesh,
        out_type=jax.ShapeDtypeStruct((B, D), jnp.float32),
        scratch_types=[
            pltpu.VMEM((b_per_w,), jnp.int32),
            pltpu.VMEM((CHUNK, D), jnp.float32),
            pltpu.VMEM((CHUNK, D), jnp.float32),
            pltpu.SemaphoreType.DMA,
            pltpu.SemaphoreType.DMA,
            pltpu.SemaphoreType.DMA,
            pltpu.SemaphoreType.DMA,
        ],
    )
    def k(idx_hbm, lut_hbm, out_hbm, idx_v, rows0, rows1, g0, g1, s0, s1):
        wid = lax.axis_index("s") * NC + lax.axis_index("c")
        base = wid * b_per_w
        pltpu.sync_copy(idx_hbm.at[pl.ds(base, b_per_w)], idx_v)

        bufs = (rows0, rows1)
        gsems = (g0, g1)
        ssems = (s0, s1)

        def gather(c):
            dst = bufs[c % 2]
            if sizes[c] != CHUNK:
                dst = dst.at[pl.ds(0, sizes[c])]
            return pltpu.async_copy(
                lut_hbm.at[idx_v.at[pl.ds(offs[c], sizes[c])]],
                dst,
                gsems[c % 2],
            )

        def scale(buf, rows):
            @plsc.parallel_loop(0, rows * D // L, step=1, unroll=8)
            def scale_body(i):
                r = i // (D // L)
                j = i % (D // L)
                v = buf[r, pl.ds(j * L, L)]
                buf[r, pl.ds(j * L, L)] = v * jnp.float32(SCALE)

        gathers = {0: gather(0)}
        stores = {}
        for c in range(n_chunks):
            if c + 1 < n_chunks:
                if c - 1 >= 0:
                    stores[c - 1].wait()
                gathers[c + 1] = gather(c + 1)
            gathers[c].wait()
            scale(bufs[c % 2], sizes[c])
            src = bufs[c % 2]
            if sizes[c] != CHUNK:
                src = src.at[pl.ds(0, sizes[c])]
            stores[c] = pltpu.async_copy(
                src,
                out_hbm.at[pl.ds(base + offs[c], sizes[c])],
                ssems[c % 2],
            )
        stores[n_chunks - 2].wait()
        stores[n_chunks - 1].wait()

    return k


def kernel(input, lut):
    B = input.shape[0] * input.shape[1]
    idx = input.reshape((B,)).astype(jnp.int32)
    out = _make_sc_lookup(B, lut.shape[1])(idx, lut)
    return out.reshape(input.shape + (lut.shape[1],))

# --- scband reference (transcript-rebuilt; emitter-appended) ---
"""Pipeline reference for scband-embedding-25323127177222 (READ-ONLY COPY).

The authoritative reference and input builder live on the scoring server;
editing this copy changes nothing except your own understanding.
"""

import jax, jax.numpy as jnp
import numpy as np
from math import sqrt

VOCAB_SIZE = 100000
D_MODEL = 1024

def setup_inputs(seed: int = 0) -> dict:
    key = jax.random.key(seed)
    k1, k2 = jax.random.split(key)
    input_ids = jax.random.randint(k1, (4, 4096), 0, VOCAB_SIZE, dtype=jnp.int64 if jax.config.jax_enable_x64 else jnp.int32)
    lut = jax.random.normal(k2, (VOCAB_SIZE, D_MODEL), dtype=jnp.float32)
    return {"input": input_ids, "lut": lut}

def reference(input, lut):
    assert input.ndim == 2
    emb = jnp.take(lut, input, axis=0)
    return emb * sqrt(D_MODEL)

if __name__ == "__main__":
    import jax
    _d = setup_inputs()
    print(jax.jit(kernel)(*tuple(_d.values())))

</pallas_src>

<mosaic_0001>
#map = affine_map<(d0, d1) -> (0)>
#map1 = affine_map<(d0, d1) -> (0, 0)>
module attributes {stable_mosaic.version = 14 : i64} {
  func.func @k(%arg0: i32, %arg1: i32, %arg2: memref<16384xi32, #tpu.memory_space<hbm>>, %arg3: memref<100000x1024xf32, #tpu.memory_space<hbm>>, %arg4: memref<16384x1024xf32, #tpu.memory_space<hbm>>, %arg5: memref<512xi32, #tpu.memory_space<vmem>>, %arg6: memref<56x1024xf32, #tpu.memory_space<vmem>>, %arg7: memref<56x1024xf32, #tpu.memory_space<vmem>>, %arg8: memref<!tpu.dma_semaphore, #tpu.memory_space<semaphore_mem>>, %arg9: memref<!tpu.dma_semaphore, #tpu.memory_space<semaphore_mem>>, %arg10: memref<!tpu.dma_semaphore, #tpu.memory_space<semaphore_mem>>, %arg11: memref<!tpu.dma_semaphore, #tpu.memory_space<semaphore_mem>>) attributes {dimension_semantics = [#tpu.dimension_semantics<core_parallel>, #tpu.dimension_semantics<subcore_parallel>], iteration_bounds = array<i64: 2, 16>, scalar_prefetch = 0 : i64, scratch_operands = 7 : i64, tpu.core_type = #tpu.core_type<sc_vector_subcore>, window_params = [{transform_indices = #map}, {transform_indices = #map1}, {transform_indices = #map1}]} {
    %mul3A = arith.constant 2 : i32
    %mul3A_0 = arith.muli %arg1, %mul3A : i32
    %add3A = arith.addi %mul3A_0, %arg0 : i32
    %mul3A_1 = arith.constant 512 : i32
    %mul3A_2 = arith.muli %add3A, %mul3A_1 : i32
    "tpu.region"() ({
      %run_scoped3A = tpu.sem_alloc : memref<!tpu.dma_semaphore, #tpu.memory_space<semaphore_mem>>
      %dma_start3A_248 = tpu.memref_slice %arg2[%mul3A_2] : memref<16384xi32, #tpu.memory_space<hbm>> -> memref<512xi32, #tpu.memory_space<hbm>>
      %dma_start3A_249 = tpu.memref_slice %arg2[%mul3A_2] : memref<16384xi32, #tpu.memory_space<hbm>> -> memref<512xi32, #tpu.memory_space<hbm>>
      tpu.enqueue_dma source(%dma_start3A_249 : memref<512xi32, #tpu.memory_space<hbm>>) target(%arg5 : memref<512xi32, #tpu.memory_space<vmem>>) target_semaphore(%run_scoped3A : memref<!tpu.dma_semaphore, #tpu.memory_space<semaphore_mem>>)
      %dma_wait3A_250 = tpu.memref_slice %arg2[%mul3A_2] : memref<16384xi32, #tpu.memory_space<hbm>> -> memref<512xi32, #tpu.memory_space<hbm>>
      %dma_wait3A_251 = tpu.memref_slice %arg2[%mul3A_2] : memref<16384xi32, #tpu.memory_space<hbm>> -> memref<512xi32, #tpu.memory_space<hbm>>
      tpu.wait_dma2 semaphore(%run_scoped3A : memref<!tpu.dma_semaphore, #tpu.memory_space<semaphore_mem>>) src(%dma_wait3A_251 : memref<512xi32, #tpu.memory_space<hbm>>) dst(%arg5 : memref<512xi32, #tpu.memory_space<vmem>>)
      tpu.yield
    }) : () -> ()
    %dma_start3A = arith.constant 0 : i32
    %dma_start3A_3 = tpu.memref_slice %arg5[%dma_start3A] : memref<512xi32, #tpu.memory_space<vmem>> -> memref<56xi32, #tpu.memory_space<vmem>>
    %dma_start3A_4 = arith.constant 0 : i32
    %dma_start3A_5 = arith.constant 0 : i32
    %dma_start3A_6 = tpu.memref_slice %arg3[%dma_start3A_4, %dma_start3A_5] : memref<100000x1024xf32, #tpu.memory_space<hbm>> -> memref<100000x1024xf32, #tpu.memory_space<hbm>>
    tpu.enqueue_indirect_dma source(%dma_start3A_6 : memref<100000x1024xf32, #tpu.memory_space<hbm>>) target(%arg6 : memref<56x1024xf32, #tpu.memory_space<vmem>>) offsets(%dma_start3A_3 : memref<56xi32, #tpu.memory_space<vmem>>) semaphore(%arg8 : memref<!tpu.dma_semaphore, #tpu.memory_space<semaphore_mem>>)
    %dma_start3A_7 = arith.constant 56 : i32
    %dma_start3A_8 = tpu.memref_slice %arg5[%dma_start3A_7] : memref<512xi32, #tpu.memory_space<vmem>> -> memref<56xi32, #tpu.memory_space<vmem>>
    %dma_start3A_9 = arith.constant 0 : i32
    %dma_start3A_10 = arith.constant 0 : i32
    %dma_start3A_11 = tpu.memref_slice %arg3[%dma_start3A_9, %dma_start3A_10] : memref<100000x1024xf32, #tpu.memory_space<hbm>> -> memref<100000x1024xf32, #tpu.memory_space<hbm>>
    tpu.enqueue_indirect_dma source(%dma_start3A_11 : memref<100000x1024xf32, #tpu.memory_space<hbm>>) target(%arg7 : memref<56x1024xf32, #tpu.memory_space<vmem>>) offsets(%dma_start3A_8 : memref<56xi32, #tpu.memory_space<vmem>>) semaphore(%arg9 : memref<!tpu.dma_semaphore, #tpu.memory_space<semaphore_mem>>)
    %dma_wait3A = arith.constant 0 : i32
    %dma_wait3A_12 = tpu.memref_slice %arg5[%dma_wait3A] : memref<512xi32, #tpu.memory_space<vmem>> -> memref<56xi32, #tpu.memory_space<vmem>>
    %dma_wait3A_13 = arith.constant 0 : i32
    %dma_wait3A_14 = arith.constant 0 : i32
    %dma_wait3A_15 = tpu.memref_slice %arg3[%dma_wait3A_13, %dma_wait3A_14] : memref<100000x1024xf32, #tpu.memory_space<hbm>> -> memref<100000x1024xf32, #tpu.memory_space<hbm>>
    tpu.wait_indirect_dma semaphore(%arg8 : memref<!tpu.dma_semaphore, #tpu.memory_space<semaphore_mem>>) src(%dma_wait3A_15 : memref<100000x1024xf32, #tpu.memory_space<hbm>>) dst(%arg6 : memref<56x1024xf32, #tpu.memory_space<vmem>>)
    %parallel_loop3A = arith.constant 0 : i32
    %parallel_loop3A_16 = arith.constant 3584 : i32
    %parallel_loop3A_17 = arith.constant 1 : i32
    scf.for %parallel_loop3A_248 = %parallel_loop3A to %parallel_loop3A_16 step %parallel_loop3A_17  : i32 {
      %parallel_loop3A_249 = arith.constant 64 : i32
      %parallel_loop3A_250 = arith.divsi %parallel_loop3A_248, %parallel_loop3A_249 : i32
      %parallel_loop3A_251 = arith.constant 0 : i32
      %parallel_loop3A_252 = arith.cmpi sgt, %parallel_loop3A_248, %parallel_loop3A_251 : i32
      %parallel_loop3A_253 = arith.extui %parallel_loop3A_252 : i1 to i32
      %parallel_loop3A_254 = arith.constant 0 : i32
      %parallel_loop3A_255 = arith.cmpi slt, %parallel_loop3A_248, %parallel_loop3A_254 : i32
      %parallel_loop3A_256 = arith.extui %parallel_loop3A_255 : i1 to i32
      %parallel_loop3A_257 = arith.subi %parallel_loop3A_253, %parallel_loop3A_256 : i32
      %parallel_loop3A_258 = arith.constant 0 : i32
      %parallel_loop3A_259 = arith.cmpi sgt, %parallel_loop3A_249, %parallel_loop3A_258 : i32
      %parallel_loop3A_260 = arith.extui %parallel_loop3A_259 : i1 to i32
      %parallel_loop3A_261 = arith.constant 0 : i32
      %parallel_loop3A_262 = arith.cmpi slt, %parallel_loop3A_249, %parallel_loop3A_261 : i32
      %parallel_loop3A_263 = arith.extui %parallel_loop3A_262 : i1 to i32
      %parallel_loop3A_264 = arith.subi %parallel_loop3A_260, %parallel_loop3A_263 : i32
      %parallel_loop3A_265 = arith.cmpi ne, %parallel_loop3A_257, %parallel_loop3A_264 : i32
      %parallel_loop3A_266 = arith.remsi %parallel_loop3A_248, %parallel_loop3A_249 : i32
      %parallel_loop3A_267 = arith.constant 0 : i32
      %parallel_loop3A_268 = arith.cmpi ne, %parallel_loop3A_266, %parallel_loop3A_267 : i32
      %parallel_loop3A_269 = arith.andi %parallel_loop3A_265, %parallel_loop3A_268 : i1
      %parallel_loop3A_270 = arith.constant 1 : i32
      %parallel_loop3A_271 = arith.subi %parallel_loop3A_250, %parallel_loop3A_270 : i32
      %parallel_loop3A_272 = arith.select %parallel_loop3A_269, %parallel_loop3A_271, %parallel_loop3A_250 : i32
      %parallel_loop3A_273 = arith.constant 64 : i32
      %parallel_loop3A_274 = arith.constant 0 : i32
      %parallel_loop3A_275 = arith.cmpi eq, %parallel_loop3A_273, %parallel_loop3A_274 : i32
      %parallel_loop3A_276 = arith.constant 1 : i32
      %parallel_loop3A_277 = arith.select %parallel_loop3A_275, %parallel_loop3A_276, %parallel_loop3A_273 : i32
      %parallel_loop3A_278 = arith.remsi %parallel_loop3A_248, %parallel_loop3A_277 : i32
      %parallel_loop3A_279 = arith.constant 0 : i32
      %parallel_loop3A_280 = arith.cmpi ne, %parallel_loop3A_278, %parallel_loop3A_279 : i32
      %parallel_loop3A_281 = arith.constant 0 : i32
      %parallel_loop3A_282 = arith.cmpi slt, %parallel_loop3A_278, %parallel_loop3A_281 : i32
      %parallel_loop3A_283 = arith.constant 0 : i32
      %parallel_loop3A_284 = arith.cmpi slt, %parallel_loop3A_277, %parallel_loop3A_283 : i32
      %parallel_loop3A_285 = arith.xori %parallel_loop3A_282, %parallel_loop3A_284 : i1
      %parallel_loop3A_286 = arith.andi %parallel_loop3A_285, %parallel_loop3A_280 : i1
      %parallel_loop3A_287 = arith.addi %parallel_loop3A_278, %parallel_loop3A_277 : i32
      %parallel_loop3A_288 = arith.select %parallel_loop3A_286, %parallel_loop3A_287, %parallel_loop3A_278 : i32
      %parallel_loop3A_289 = arith.constant 16 : i32
      %parallel_loop3A_290 = arith.muli %parallel_loop3A_288, %parallel_loop3A_289 : i32
      %parallel_loop3A_291 = arith.index_cast %parallel_loop3A_272 : i32 to index
      %parallel_loop3A_292 = arith.index_cast %parallel_loop3A_290 : i32 to index
      %parallel_loop3A_293 = tpu.vector_load %arg6[%parallel_loop3A_291, %parallel_loop3A_292] {strides = array<i32>} : memref<56x1024xf32, #tpu.memory_space<vmem>>, vector<1x16xf32>,
      %parallel_loop3A_294 = vector.shape_cast %parallel_loop3A_293 : vector<1x16xf32> to vector<16xf32>
      %parallel_loop3A_295 = arith.constant 3.200000e+01 : f32
      %parallel_loop3A_296 = vector.broadcast %parallel_loop3A_295 : f32 to vector<16xf32>
      %parallel_loop3A_297 = arith.mulf %parallel_loop3A_294, %parallel_loop3A_296 : vector<16xf32>
      %parallel_loop3A_298 = arith.constant 16 : i32
      %parallel_loop3A_299 = arith.muli %parallel_loop3A_288, %parallel_loop3A_298 : i32
      %parallel_loop3A_300 = arith.index_cast %parallel_loop3A_272 : i32 to index
      %parallel_loop3A_301 = arith.index_cast %parallel_loop3A_299 : i32 to index
      %parallel_loop3A_302 = tpu.vector_load %arg6[%parallel_loop3A_300, %parallel_loop3A_301] {strides = array<i32>} : memref<56x1024xf32, #tpu.memory_space<vmem>>, vector<1x16xf32>,
      %parallel_loop3A_303 = vector.shape_cast %parallel_loop3A_302 : vector<1x16xf32> to vector<16xf32>
      %parallel_loop3A_304 = vector.shape_cast %parallel_loop3A_297 : vector<16xf32> to vector<1x16xf32>
      tpu.vector_store %arg6[%parallel_loop3A_300, %parallel_loop3A_301], %parallel_loop3A_304 {strides = array<i32>} : memref<56x1024xf32, #tpu.memory_space<vmem>>, vector<1x16xf32>,
    } {sc.loop_unroll_factor = 8 : i64, sc.parallel_access}
    %add3A_18 = arith.constant 0 : i32
    %add3A_19 = arith.addi %mul3A_2, %add3A_18 : i32
    %dma_start3A_20 = arith.constant 0 : i32
    %dma_start3A_21 = tpu.memref_slice %arg4[%add3A_19, %dma_start3A_20] : memref<16384x1024xf32, #tpu.memory_space<hbm>> -> memref<56x1024xf32, #tpu.memory_space<hbm>>
    %dma_start3A_22 = arith.constant 0 : i32
    %dma_start3A_23 = tpu.memref_slice %arg4[%add3A_19, %dma_start3A_22] : memref<16384x1024xf32, #tpu.memory_space<hbm>> -> memref<56x1024xf32, #tpu.memory_space<hbm>>
    tpu.enqueue_dma source(%arg6 : memref<56x1024xf32, #tpu.memory_space<vmem>>) target(%dma_start3A_23 : memref<56x1024xf32, #tpu.memory_space<hbm>>) target_semaphore(%arg10 : memref<!tpu.dma_semaphore, #tpu.memory_space<semaphore_mem>>)
    %dma_wait3A_24 = arith.constant 0 : i32
    %dma_wait3A_25 = tpu.memref_slice %arg4[%add3A_19, %dma_wait3A_24] : memref<16384x1024xf32, #tpu.memory_space<hbm>> -> memref<56x1024xf32, #tpu.memory_space<hbm>>
    %dma_wait3A_26 = arith.constant 0 : i32
    %dma_wait3A_27 = tpu.memref_slice %arg4[%add3A_19, %dma_wait3A_26] : memref<16384x1024xf32, #tpu.memory_space<hbm>> -> memref<56x1024xf32, #tpu.memory_space<hbm>>
    tpu.wait_dma2 semaphore(%arg10 : memref<!tpu.dma_semaphore, #tpu.memory_space<semaphore_mem>>) src(%arg6 : memref<56x1024xf32, #tpu.memory_space<vmem>>) dst(%dma_wait3A_27 : memref<56x1024xf32, #tpu.memory_space<hbm>>)
    %dma_start3A_28 = arith.constant 112 : i32
    %dma_start3A_29 = tpu.memref_slice %arg5[%dma_start3A_28] : memref<512xi32, #tpu.memory_space<vmem>> -> memref<56xi32, #tpu.memory_space<vmem>>
    %dma_start3A_30 = arith.constant 0 : i32
    %dma_start3A_31 = arith.constant 0 : i32
    %dma_start3A_32 = tpu.memref_slice %arg3[%dma_start3A_30, %dma_start3A_31] : memref<100000x1024xf32, #tpu.memory_space<hbm>> -> memref<100000x1024xf32, #tpu.memory_space<hbm>>
    tpu.enqueue_indirect_dma source(%dma_start3A_32 : memref<100000x1024xf32, #tpu.memory_space<hbm>>) target(%arg6 : memref<56x1024xf32, #tpu.memory_space<vmem>>) offsets(%dma_start3A_29 : memref<56xi32, #tpu.memory_space<vmem>>) semaphore(%arg8 : memref<!tpu.dma_semaphore, #tpu.memory_space<semaphore_mem>>)
    %dma_wait3A_33 = arith.constant 56 : i32
    %dma_wait3A_34 = tpu.memref_slice %arg5[%dma_wait3A_33] : memref<512xi32, #tpu.memory_space<vmem>> -> memref<56xi32, #tpu.memory_space<vmem>>
    %dma_wait3A_35 = arith.constant 0 : i32
    %dma_wait3A_36 = arith.constant 0 : i32
    %dma_wait3A_37 = tpu.memref_slice %arg3[%dma_wait3A_35, %dma_wait3A_36] : memref<100000x1024xf32, #tpu.memory_space<hbm>> -> memref<100000x1024xf32, #tpu.memory_space<hbm>>
    tpu.wait_indirect_dma semaphore(%arg9 : memref<!tpu.dma_semaphore, #tpu.memory_space<semaphore_mem>>) src(%dma_wait3A_37 : memref<100000x1024xf32, #tpu.memory_space<hbm>>) dst(%arg7 : memref<56x1024xf32, #tpu.memory_space<vmem>>)
    %parallel_loop3A_38 = arith.constant 0 : i32
    %parallel_loop3A_39 = arith.constant 3584 : i32
    %parallel_loop3A_40 = arith.constant 1 : i32
    scf.for %parallel_loop3A_248 = %parallel_loop3A_38 to %parallel_loop3A_39 step %parallel_loop3A_40  : i32 {
      %parallel_loop3A_249 = arith.constant 64 : i32
      %parallel_loop3A_250 = arith.divsi %parallel_loop3A_248, %parallel_loop3A_249 : i32
      %parallel_loop3A_251 = arith.constant 0 : i32
      %parallel_loop3A_252 = arith.cmpi sgt, %parallel_loop3A_248, %parallel_loop3A_251 : i32
      %parallel_loop3A_253 = arith.extui %parallel_loop3A_252 : i1 to i32
      %parallel_loop3A_254 = arith.constant 0 : i32
      %parallel_loop3A_255 = arith.cmpi slt, %parallel_loop3A_248, %parallel_loop3A_254 : i32
      %parallel_loop3A_256 = arith.extui %parallel_loop3A_255 : i1 to i32
      %parallel_loop3A_257 = arith.subi %parallel_loop3A_253, %parallel_loop3A_256 : i32
      %parallel_loop3A_258 = arith.constant 0 : i32
      %parallel_loop3A_259 = arith.cmpi sgt, %parallel_loop3A_249, %parallel_loop3A_258 : i32
      %parallel_loop3A_260 = arith.extui %parallel_loop3A_259 : i1 to i32
      %parallel_loop3A_261 = arith.constant 0 : i32
      %parallel_loop3A_262 = arith.cmpi slt, %parallel_loop3A_249, %parallel_loop3A_261 : i32
      %parallel_loop3A_263 = arith.extui %parallel_loop3A_262 : i1 to i32
      %parallel_loop3A_264 = arith.subi %parallel_loop3A_260, %parallel_loop3A_263 : i32
      %parallel_loop3A_265 = arith.cmpi ne, %parallel_loop3A_257, %parallel_loop3A_264 : i32
      %parallel_loop3A_266 = arith.remsi %parallel_loop3A_248, %parallel_loop3A_249 : i32
      %parallel_loop3A_267 = arith.constant 0 : i32
      %parallel_loop3A_268 = arith.cmpi ne, %parallel_loop3A_266, %parallel_loop3A_267 : i32
      %parallel_loop3A_269 = arith.andi %parallel_loop3A_265, %parallel_loop3A_268 : i1
      %parallel_loop3A_270 = arith.constant 1 : i32
      %parallel_loop3A_271 = arith.subi %parallel_loop3A_250, %parallel_loop3A_270 : i32
      %parallel_loop3A_272 = arith.select %parallel_loop3A_269, %parallel_loop3A_271, %parallel_loop3A_250 : i32
      %parallel_loop3A_273 = arith.constant 64 : i32
      %parallel_loop3A_274 = arith.constant 0 : i32
      %parallel_loop3A_275 = arith.cmpi eq, %parallel_loop3A_273, %parallel_loop3A_274 : i32
      %parallel_loop3A_276 = arith.constant 1 : i32
      %parallel_loop3A_277 = arith.select %parallel_loop3A_275, %parallel_loop3A_276, %parallel_loop3A_273 : i32
      %parallel_loop3A_278 = arith.remsi %parallel_loop3A_248, %parallel_loop3A_277 : i32
      %parallel_loop3A_279 = arith.constant 0 : i32
      %parallel_loop3A_280 = arith.cmpi ne, %parallel_loop3A_278, %parallel_loop3A_279 : i32
      %parallel_loop3A_281 = arith.constant 0 : i32
      %parallel_loop3A_282 = arith.cmpi slt, %parallel_loop3A_278, %parallel_loop3A_281 : i32
      %parallel_loop3A_283 = arith.constant 0 : i32
      %parallel_loop3A_284 = arith.cmpi slt, %parallel_loop3A_277, %parallel_loop3A_283 : i32
      %parallel_loop3A_285 = arith.xori %parallel_loop3A_282, %parallel_loop3A_284 : i1
      %parallel_loop3A_286 = arith.andi %parallel_loop3A_285, %parallel_loop3A_280 : i1
      %parallel_loop3A_287 = arith.addi %parallel_loop3A_278, %parallel_loop3A_277 : i32
      %parallel_loop3A_288 = arith.select %parallel_loop3A_286, %parallel_loop3A_287, %parallel_loop3A_278 : i32
      %parallel_loop3A_289 = arith.constant 16 : i32
      %parallel_loop3A_290 = arith.muli %parallel_loop3A_288, %parallel_loop3A_289 : i32
      %parallel_loop3A_291 = arith.index_cast %parallel_loop3A_272 : i32 to index
      %parallel_loop3A_292 = arith.index_cast %parallel_loop3A_290 : i32 to index
      %parallel_loop3A_293 = tpu.vector_load %arg7[%parallel_loop3A_291, %parallel_loop3A_292] {strides = array<i32>} : memref<56x1024xf32, #tpu.memory_space<vmem>>, vector<1x16xf32>,
      %parallel_loop3A_294 = vector.shape_cast %parallel_loop3A_293 : vector<1x16xf32> to vector<16xf32>
      %parallel_loop3A_295 = arith.constant 3.200000e+01 : f32
      %parallel_loop3A_296 = vector.broadcast %parallel_loop3A_295 : f32 to vector<16xf32>
      %parallel_loop3A_297 = arith.mulf %parallel_loop3A_294, %parallel_loop3A_296 : vector<16xf32>
      %parallel_loop3A_298 = arith.constant 16 : i32
      %parallel_loop3A_299 = arith.muli %parallel_loop3A_288, %parallel_loop3A_298 : i32
      %parallel_loop3A_300 = arith.index_cast %parallel_loop3A_272 : i32 to index
      %parallel_loop3A_301 = arith.index_cast %parallel_loop3A_299 : i32 to index
      %parallel_loop3A_302 = tpu.vector_load %arg7[%parallel_loop3A_300, %parallel_loop3A_301] {strides = array<i32>} : memref<56x1024xf32, #tpu.memory_space<vmem>>, vector<1x16xf32>,
      %parallel_loop3A_303 = vector.shape_cast %parallel_loop3A_302 : vector<1x16xf32> to vector<16xf32>
      %parallel_loop3A_304 = vector.shape_cast %parallel_loop3A_297 : vector<16xf32> to vector<1x16xf32>
      tpu.vector_store %arg7[%parallel_loop3A_300, %parallel_loop3A_301], %parallel_loop3A_304 {strides = array<i32>} : memref<56x1024xf32, #tpu.memory_space<vmem>>, vector<1x16xf32>,
    } {sc.loop_unroll_factor = 8 : i64, sc.parallel_access}
    %add3A_41 = arith.constant 56 : i32
    %add3A_42 = arith.addi %mul3A_2, %add3A_41 : i32
    %dma_start3A_43 = arith.constant 0 : i32
    %dma_start3A_44 = tpu.memref_slice %arg4[%add3A_42, %dma_start3A_43] : memref<16384x1024xf32, #tpu.memory_space<hbm>> -> memref<56x1024xf32, #tpu.memory_space<hbm>>
    %dma_start3A_45 = arith.constant 0 : i32
    %dma_start3A_46 = tpu.memref_slice %arg4[%add3A_42, %dma_start3A_45] : memref<16384x1024xf32, #tpu.memory_space<hbm>> -> memref<56x1024xf32, #tpu.memory_space<hbm>>
    tpu.enqueue_dma source(%arg7 : memref<56x1024xf32, #tpu.memory_space<vmem>>) target(%dma_start3A_46 : memref<56x1024xf32, #tpu.memory_space<hbm>>) target_semaphore(%arg11 : memref<!tpu.dma_semaphore, #tpu.memory_space<semaphore_mem>>)
    %dma_wait3A_47 = arith.constant 0 : i32
    %dma_wait3A_48 = tpu.memref_slice %arg4[%add3A_42, %dma_wait3A_47] : memref<16384x1024xf32, #tpu.memory_space<hbm>> -> memref<56x1024xf32, #tpu.memory_space<hbm>>
    %dma_wait3A_49 = arith.constant 0 : i32
    %dma_wait3A_50 = tpu.memref_slice %arg4[%add3A_42, %dma_wait3A_49] : memref<16384x1024xf32, #tpu.memory_space<hbm>> -> memref<56x1024xf32, #tpu.memory_space<hbm>>
    tpu.wait_dma2 semaphore(%arg11 : memref<!tpu.dma_semaphore, #tpu.memory_space<semaphore_mem>>) src(%arg7 : memref<56x1024xf32, #tpu.memory_space<vmem>>) dst(%dma_wait3A_50 : memref<56x1024xf32, #tpu.memory_space<hbm>>)
    %dma_start3A_51 = arith.constant 168 : i32
    %dma_start3A_52 = tpu.memref_slice %arg5[%dma_start3A_51] : memref<512xi32, #tpu.memory_space<vmem>> -> memref<56xi32, #tpu.memory_space<vmem>>
    %dma_start3A_53 = arith.constant 0 : i32
    %dma_start3A_54 = arith.constant 0 : i32
    %dma_start3A_55 = tpu.memref_slice %arg3[%dma_start3A_53, %dma_start3A_54] : memref<100000x1024xf32, #tpu.memory_space<hbm>> -> memref<100000x1024xf32, #tpu.memory_space<hbm>>
    tpu.enqueue_indirect_dma source(%dma_start3A_55 : memref<100000x1024xf32, #tpu.memory_space<hbm>>) target(%arg7 : memref<56x1024xf32, #tpu.memory_space<vmem>>) offsets(%dma_start3A_52 : memref<56xi32, #tpu.memory_space<vmem>>) semaphore(%arg9 : memref<!tpu.dma_semaphore, #tpu.memory_space<semaphore_mem>>)
    %dma_wait3A_56 = arith.constant 112 : i32
    %dma_wait3A_57 = tpu.memref_slice %arg5[%dma_wait3A_56] : memref<512xi32, #tpu.memory_space<vmem>> -> memref<56xi32, #tpu.memory_space<vmem>>
    %dma_wait3A_58 = arith.constant 0 : i32
    %dma_wait3A_59 = arith.constant 0 : i32
    %dma_wait3A_60 = tpu.memref_slice %arg3[%dma_wait3A_58, %dma_wait3A_59] : memref<100000x1024xf32, #tpu.memory_space<hbm>> -> memref<100000x1024xf32, #tpu.memory_space<hbm>>
    tpu.wait_indirect_dma semaphore(%arg8 : memref<!tpu.dma_semaphore, #tpu.memory_space<semaphore_mem>>) src(%dma_wait3A_60 : memref<100000x1024xf32, #tpu.memory_space<hbm>>) dst(%arg6 : memref<56x1024xf32, #tpu.memory_space<vmem>>)
    %parallel_loop3A_61 = arith.constant 0 : i32
    %parallel_loop3A_62 = arith.constant 3584 : i32
    %parallel_loop3A_63 = arith.constant 1 : i32
    scf.for %parallel_loop3A_248 = %parallel_loop3A_61 to %parallel_loop3A_62 step %parallel_loop3A_63  : i32 {
      %parallel_loop3A_249 = arith.constant 64 : i32
      %parallel_loop3A_250 = arith.divsi %parallel_loop3A_248, %parallel_loop3A_249 : i32
      %parallel_loop3A_251 = arith.constant 0 : i32
      %parallel_loop3A_252 = arith.cmpi sgt, %parallel_loop3A_248, %parallel_loop3A_251 : i32
      %parallel_loop3A_253 = arith.extui %parallel_loop3A_252 : i1 to i32
      %parallel_loop3A_254 = arith.constant 0 : i32
      %parallel_loop3A_255 = arith.cmpi slt, %parallel_loop3A_248, %parallel_loop3A_254 : i32
      %parallel_loop3A_256 = arith.extui %parallel_loop3A_255 : i1 to i32
      %parallel_loop3A_257 = arith.subi %parallel_loop3A_253, %parallel_loop3A_256 : i32
      %parallel_loop3A_258 = arith.constant 0 : i32
      %parallel_loop3A_259 = arith.cmpi sgt, %parallel_loop3A_249, %parallel_loop3A_258 : i32
      %parallel_loop3A_260 = arith.extui %parallel_loop3A_259 : i1 to i32
      %parallel_loop3A_261 = arith.constant 0 : i32
      %parallel_loop3A_262 = arith.cmpi slt, %parallel_loop3A_249, %parallel_loop3A_261 : i32
      %parallel_loop3A_263 = arith.extui %parallel_loop3A_262 : i1 to i32
      %parallel_loop3A_264 = arith.subi %parallel_loop3A_260, %parallel_loop3A_263 : i32
      %parallel_loop3A_265 = arith.cmpi ne, %parallel_loop3A_257, %parallel_loop3A_264 : i32
      %parallel_loop3A_266 = arith.remsi %parallel_loop3A_248, %parallel_loop3A_249 : i32
      %parallel_loop3A_267 = arith.constant 0 : i32
      %parallel_loop3A_268 = arith.cmpi ne, %parallel_loop3A_266, %parallel_loop3A_267 : i32
      %parallel_loop3A_269 = arith.andi %parallel_loop3A_265, %parallel_loop3A_268 : i1
      %parallel_loop3A_270 = arith.constant 1 : i32
      %parallel_loop3A_271 = arith.subi %parallel_loop3A_250, %parallel_loop3A_270 : i32
      %parallel_loop3A_272 = arith.select %parallel_loop3A_269, %parallel_loop3A_271, %parallel_loop3A_250 : i32
      %parallel_loop3A_273 = arith.constant 64 : i32
      %parallel_loop3A_274 = arith.constant 0 : i32
      %parallel_loop3A_275 = arith.cmpi eq, %parallel_loop3A_273, %parallel_loop3A_274 : i32
      %parallel_loop3A_276 = arith.constant 1 : i32
      %parallel_loop3A_277 = arith.select %parallel_loop3A_275, %parallel_loop3A_276, %parallel_loop3A_273 : i32
      %parallel_loop3A_278 = arith.remsi %parallel_loop3A_248, %parallel_loop3A_277 : i32
      %parallel_loop3A_279 = arith.constant 0 : i32
      %parallel_loop3A_280 = arith.cmpi ne, %parallel_loop3A_278, %parallel_loop3A_279 : i32
      %parallel_loop3A_281 = arith.constant 0 : i32
      %parallel_loop3A_282 = arith.cmpi slt, %parallel_loop3A_278, %parallel_loop3A_281 : i32
      %parallel_loop3A_283 = arith.constant 0 : i32
      %parallel_loop3A_284 = arith.cmpi slt, %parallel_loop3A_277, %parallel_loop3A_283 : i32
      %parallel_loop3A_285 = arith.xori %parallel_loop3A_282, %parallel_loop3A_284 : i1
      %parallel_loop3A_286 = arith.andi %parallel_loop3A_285, %parallel_loop3A_280 : i1
      %parallel_loop3A_287 = arith.addi %parallel_loop3A_278, %parallel_loop3A_277 : i32
      %parallel_loop3A_288 = arith.select %parallel_loop3A_286, %parallel_loop3A_287, %parallel_loop3A_278 : i32
      %parallel_loop3A_289 = arith.constant 16 : i32
      %parallel_loop3A_290 = arith.muli %parallel_loop3A_288, %parallel_loop3A_289 : i32
      %parallel_loop3A_291 = arith.index_cast %parallel_loop3A_272 : i32 to index
      %parallel_loop3A_292 = arith.index_cast %parallel_loop3A_290 : i32 to index
      %parallel_loop3A_293 = tpu.vector_load %arg6[%parallel_loop3A_291, %parallel_loop3A_292] {strides = array<i32>} : memref<56x1024xf32, #tpu.memory_space<vmem>>, vector<1x16xf32>,
      %parallel_loop3A_294 = vector.shape_cast %parallel_loop3A_293 : vector<1x16xf32> to vector<16xf32>
      %parallel_loop3A_295 = arith.constant 3.200000e+01 : f32
      %parallel_loop3A_296 = vector.broadcast %parallel_loop3A_295 : f32 to vector<16xf32>
      %parallel_loop3A_297 = arith.mulf %parallel_loop3A_294, %parallel_loop3A_296 : vector<16xf32>
      %parallel_loop3A_298 = arith.constant 16 : i32
      %parallel_loop3A_299 = arith.muli %parallel_loop3A_288, %parallel_loop3A_298 : i32
      %parallel_loop3A_300 = arith.index_cast %parallel_loop3A_272 : i32 to index
      %parallel_loop3A_301 = arith.index_cast %parallel_loop3A_299 : i32 to index
      %parallel_loop3A_302 = tpu.vector_load %arg6[%parallel_loop3A_300, %parallel_loop3A_301] {strides = array<i32>} : memref<56x1024xf32, #tpu.memory_space<vmem>>, vector<1x16xf32>,
      %parallel_loop3A_303 = vector.shape_cast %parallel_loop3A_302 : vector<1x16xf32> to vector<16xf32>
      %parallel_loop3A_304 = vector.shape_cast %parallel_loop3A_297 : vector<16xf32> to vector<1x16xf32>
      tpu.vector_store %arg6[%parallel_loop3A_300, %parallel_loop3A_301], %parallel_loop3A_304 {strides = array<i32>} : memref<56x1024xf32, #tpu.memory_space<vmem>>, vector<1x16xf32>,
    } {sc.loop_unroll_factor = 8 : i64, sc.parallel_access}
    %add3A_64 = arith.constant 112 : i32
    %add3A_65 = arith.addi %mul3A_2, %add3A_64 : i32
    %dma_start3A_66 = arith.constant 0 : i32
    %dma_start3A_67 = tpu.memref_slice %arg4[%add3A_65, %dma_start3A_66] : memref<16384x1024xf32, #tpu.memory_space<hbm>> -> memref<56x1024xf32, #tpu.memory_space<hbm>>
    %dma_start3A_68 = arith.constant 0 : i32
    %dma_start3A_69 = tpu.memref_slice %arg4[%add3A_65, %dma_start3A_68] : memref<16384x1024xf32, #tpu.memory_space<hbm>> -> memref<56x1024xf32, #tpu.memory_space<hbm>>
    tpu.enqueue_dma source(%arg6 : memref<56x1024xf32, #tpu.memory_space<vmem>>) target(%dma_start3A_69 : memref<56x1024xf32, #tpu.memory_space<hbm>>) target_semaphore(%arg10 : memref<!tpu.dma_semaphore, #tpu.memory_space<semaphore_mem>>)
    %dma_wait3A_70 = arith.constant 0 : i32
    %dma_wait3A_71 = tpu.memref_slice %arg4[%add3A_65, %dma_wait3A_70] : memref<16384x1024xf32, #tpu.memory_space<hbm>> -> memref<56x1024xf32, #tpu.memory_space<hbm>>
    %dma_wait3A_72 = arith.constant 0 : i32
    %dma_wait3A_73 = tpu.memref_slice %arg4[%add3A_65, %dma_wait3A_72] : memref<16384x1024xf32, #tpu.memory_space<hbm>> -> memref<56x1024xf32, #tpu.memory_space<hbm>>
    tpu.wait_dma2 semaphore(%arg10 : memref<!tpu.dma_semaphore, #tpu.memory_space<semaphore_mem>>) src(%arg6 : memref<56x1024xf32, #tpu.memory_space<vmem>>) dst(%dma_wait3A_73 : memref<56x1024xf32, #tpu.memory_space<hbm>>)
    %dma_start3A_74 = arith.constant 224 : i32
    %dma_start3A_75 = tpu.memref_slice %arg5[%dma_start3A_74] : memref<512xi32, #tpu.memory_space<vmem>> -> memref<56xi32, #tpu.memory_space<vmem>>
    %dma_start3A_76 = arith.constant 0 : i32
    %dma_start3A_77 = arith.constant 0 : i32
    %dma_start3A_78 = tpu.memref_slice %arg3[%dma_start3A_76, %dma_start3A_77] : memref<100000x1024xf32, #tpu.memory_space<hbm>> -> memref<100000x1024xf32, #tpu.memory_space<hbm>>
    tpu.enqueue_indirect_dma source(%dma_start3A_78 : memref<100000x1024xf32, #tpu.memory_space<hbm>>) target(%arg6 : memref<56x1024xf32, #tpu.memory_space<vmem>>) offsets(%dma_start3A_75 : memref<56xi32, #tpu.memory_space<vmem>>) semaphore(%arg8 : memref<!tpu.dma_semaphore, #tpu.memory_space<semaphore_mem>>)
    %dma_wait3A_79 = arith.constant 168 : i32
    %dma_wait3A_80 = tpu.memref_slice %arg5[%dma_wait3A_79] : memref<512xi32, #tpu.memory_space<vmem>> -> memref<56xi32, #tpu.memory_space<vmem>>
    %dma_wait3A_81 = arith.constant 0 : i32
    %dma_wait3A_82 = arith.constant 0 : i32
    %dma_wait3A_83 = tpu.memref_slice %arg3[%dma_wait3A_81, %dma_wait3A_82] : memref<100000x1024xf32, #tpu.memory_space<hbm>> -> memref<100000x1024xf32, #tpu.memory_space<hbm>>
    tpu.wait_indirect_dma semaphore(%arg9 : memref<!tpu.dma_semaphore, #tpu.memory_space<semaphore_mem>>) src(%dma_wait3A_83 : memref<100000x1024xf32, #tpu.memory_space<hbm>>) dst(%arg7 : memref<56x1024xf32, #tpu.memory_space<vmem>>)
    %parallel_loop3A_84 = arith.constant 0 : i32
    %parallel_loop3A_85 = arith.constant 3584 : i32
    %parallel_loop3A_86 = arith.constant 1 : i32
    scf.for %parallel_loop3A_248 = %parallel_loop3A_84 to %parallel_loop3A_85 step %parallel_loop3A_86  : i32 {
      %parallel_loop3A_249 = arith.constant 64 : i32
      %parallel_loop3A_250 = arith.divsi %parallel_loop3A_248, %parallel_loop3A_249 : i32
      %parallel_loop3A_251 = arith.constant 0 : i32
      %parallel_loop3A_252 = arith.cmpi sgt, %parallel_loop3A_248, %parallel_loop3A_251 : i32
      %parallel_loop3A_253 = arith.extui %parallel_loop3A_252 : i1 to i32
      %parallel_loop3A_254 = arith.constant 0 : i32
      %parallel_loop3A_255 = arith.cmpi slt, %parallel_loop3A_248, %parallel_loop3A_254 : i32
      %parallel_loop3A_256 = arith.extui %parallel_loop3A_255 : i1 to i32
      %parallel_loop3A_257 = arith.subi %parallel_loop3A_253, %parallel_loop3A_256 : i32
      %parallel_loop3A_258 = arith.constant 0 : i32
      %parallel_loop3A_259 = arith.cmpi sgt, %parallel_loop3A_249, %parallel_loop3A_258 : i32
      %parallel_loop3A_260 = arith.extui %parallel_loop3A_259 : i1 to i32
      %parallel_loop3A_261 = arith.constant 0 : i32
      %parallel_loop3A_262 = arith.cmpi slt, %parallel_loop3A_249, %parallel_loop3A_261 : i32
      %parallel_loop3A_263 = arith.extui %parallel_loop3A_262 : i1 to i32
      %parallel_loop3A_264 = arith.subi %parallel_loop3A_260, %parallel_loop3A_263 : i32
      %parallel_loop3A_265 = arith.cmpi ne, %parallel_loop3A_257, %parallel_loop3A_264 : i32
      %parallel_loop3A_266 = arith.remsi %parallel_loop3A_248, %parallel_loop3A_249 : i32
      %parallel_loop3A_267 = arith.constant 0 : i32
      %parallel_loop3A_268 = arith.cmpi ne, %parallel_loop3A_266, %parallel_loop3A_267 : i32
      %parallel_loop3A_269 = arith.andi %parallel_loop3A_265, %parallel_loop3A_268 : i1
      %parallel_loop3A_270 = arith.constant 1 : i32
      %parallel_loop3A_271 = arith.subi %parallel_loop3A_250, %parallel_loop3A_270 : i32
      %parallel_loop3A_272 = arith.select %parallel_loop3A_269, %parallel_loop3A_271, %parallel_loop3A_250 : i32
      %parallel_loop3A_273 = arith.constant 64 : i32
      %parallel_loop3A_274 = arith.constant 0 : i32
      %parallel_loop3A_275 = arith.cmpi eq, %parallel_loop3A_273, %parallel_loop3A_274 : i32
      %parallel_loop3A_276 = arith.constant 1 : i32
      %parallel_loop3A_277 = arith.select %parallel_loop3A_275, %parallel_loop3A_276, %parallel_loop3A_273 : i32
      %parallel_loop3A_278 = arith.remsi %parallel_loop3A_248, %parallel_loop3A_277 : i32
      %parallel_loop3A_279 = arith.constant 0 : i32
      %parallel_loop3A_280 = arith.cmpi ne, %parallel_loop3A_278, %parallel_loop3A_279 : i32
      %parallel_loop3A_281 = arith.constant 0 : i32
      %parallel_loop3A_282 = arith.cmpi slt, %parallel_loop3A_278, %parallel_loop3A_281 : i32
      %parallel_loop3A_283 = arith.constant 0 : i32
      %parallel_loop3A_284 = arith.cmpi slt, %parallel_loop3A_277, %parallel_loop3A_283 : i32
      %parallel_loop3A_285 = arith.xori %parallel_loop3A_282, %parallel_loop3A_284 : i1
      %parallel_loop3A_286 = arith.andi %parallel_loop3A_285, %parallel_loop3A_280 : i1
      %parallel_loop3A_287 = arith.addi %parallel_loop3A_278, %parallel_loop3A_277 : i32
      %parallel_loop3A_288 = arith.select %parallel_loop3A_286, %parallel_loop3A_287, %parallel_loop3A_278 : i32
      %parallel_loop3A_289 = arith.constant 16 : i32
      %parallel_loop3A_290 = arith.muli %parallel_loop3A_288, %parallel_loop3A_289 : i32
      %parallel_loop3A_291 = arith.index_cast %parallel_loop3A_272 : i32 to index
      %parallel_loop3A_292 = arith.index_cast %parallel_loop3A_290 : i32 to index
      %parallel_loop3A_293 = tpu.vector_load %arg7[%parallel_loop3A_291, %parallel_loop3A_292] {strides = array<i32>} : memref<56x1024xf32, #tpu.memory_space<vmem>>, vector<1x16xf32>,
      %parallel_loop3A_294 = vector.shape_cast %parallel_loop3A_293 : vector<1x16xf32> to vector<16xf32>
      %parallel_loop3A_295 = arith.constant 3.200000e+01 : f32
      %parallel_loop3A_296 = vector.broadcast %parallel_loop3A_295 : f32 to vector<16xf32>
      %parallel_loop3A_297 = arith.mulf %parallel_loop3A_294, %parallel_loop3A_296 : vector<16xf32>
      %parallel_loop3A_298 = arith.constant 16 : i32
      %parallel_loop3A_299 = arith.muli %parallel_loop3A_288, %parallel_loop3A_298 : i32
      %parallel_loop3A_300 = arith.index_cast %parallel_loop3A_272 : i32 to index
      %parallel_loop3A_301 = arith.index_cast %parallel_loop3A_299 : i32 to index
      %parallel_loop3A_302 = tpu.vector_load %arg7[%parallel_loop3A_300, %parallel_loop3A_301] {strides = array<i32>} : memref<56x1024xf32, #tpu.memory_space<vmem>>, vector<1x16xf32>,
      %parallel_loop3A_303 = vector.shape_cast %parallel_loop3A_302 : vector<1x16xf32> to vector<16xf32>
      %parallel_loop3A_304 = vector.shape_cast %parallel_loop3A_297 : vector<16xf32> to vector<1x16xf32>
      tpu.vector_store %arg7[%parallel_loop3A_300, %parallel_loop3A_301], %parallel_loop3A_304 {strides = array<i32>} : memref<56x1024xf32, #tpu.memory_space<vmem>>, vector<1x16xf32>,
    } {sc.loop_unroll_factor = 8 : i64, sc.parallel_access}
    %add3A_87 = arith.constant 168 : i32
    %add3A_88 = arith.addi %mul3A_2, %add3A_87 : i32
    %dma_start3A_89 = arith.constant 0 : i32
    %dma_start3A_90 = tpu.memref_slice %arg4[%add3A_88, %dma_start3A_89] : memref<16384x1024xf32, #tpu.memory_space<hbm>> -> memref<56x1024xf32, #tpu.memory_space<hbm>>
    %dma_start3A_91 = arith.constant 0 : i32
    %dma_start3A_92 = tpu.memref_slice %arg4[%add3A_88, %dma_start3A_91] : memref<16384x1024xf32, #tpu.memory_space<hbm>> -> memref<56x1024xf32, #tpu.memory_space<hbm>>
    tpu.enqueue_dma source(%arg7 : memref<56x1024xf32, #tpu.memory_space<vmem>>) target(%dma_start3A_92 : memref<56x1024xf32, #tpu.memory_space<hbm>>) target_semaphore(%arg11 : memref<!tpu.dma_semaphore, #tpu.memory_space<semaphore_mem>>)
    %dma_wait3A_93 = arith.constant 0 : i32
    %dma_wait3A_94 = tpu.memref_slice %arg4[%add3A_88, %dma_wait3A_93] : memref<16384x1024xf32, #tpu.memory_space<hbm>> -> memref<56x1024xf32, #tpu.memory_space<hbm>>
    %dma_wait3A_95 = arith.constant 0 : i32
    %dma_wait3A_96 = tpu.memref_slice %arg4[%add3A_88, %dma_wait3A_95] : memref<16384x1024xf32, #tpu.memory_space<hbm>> -> memref<56x1024xf32, #tpu.memory_space<hbm>>
    tpu.wait_dma2 semaphore(%arg11 : memref<!tpu.dma_semaphore, #tpu.memory_space<semaphore_mem>>) src(%arg7 : memref<56x1024xf32, #tpu.memory_space<vmem>>) dst(%dma_wait3A_96 : memref<56x1024xf32, #tpu.memory_space<hbm>>)
    %dma_start3A_97 = arith.constant 280 : i32
    %dma_start3A_98 = tpu.memref_slice %arg5[%dma_start3A_97] : memref<512xi32, #tpu.memory_space<vmem>> -> memref<56xi32, #tpu.memory_space<vmem>>
    %dma_start3A_99 = arith.constant 0 : i32
    %dma_start3A_100 = arith.constant 0 : i32
    %dma_start3A_101 = tpu.memref_slice %arg3[%dma_start3A_99, %dma_start3A_100] : memref<100000x1024xf32, #tpu.memory_space<hbm>> -> memref<100000x1024xf32, #tpu.memory_space<hbm>>
    tpu.enqueue_indirect_dma source(%dma_start3A_101 : memref<100000x1024xf32, #tpu.memory_space<hbm>>) target(%arg7 : memref<56x1024xf32, #tpu.memory_space<vmem>>) offsets(%dma_start3A_98 : memref<56xi32, #tpu.memory_space<vmem>>) semaphore(%arg9 : memref<!tpu.dma_semaphore, #tpu.memory_space<semaphore_mem>>)
    %dma_wait3A_102 = arith.constant 224 : i32
    %dma_wait3A_103 = tpu.memref_slice %arg5[%dma_wait3A_102] : memref<512xi32, #tpu.memory_space<vmem>> -> memref<56xi32, #tpu.memory_space<vmem>>
    %dma_wait3A_104 = arith.constant 0 : i32
    %dma_wait3A_105 = arith.constant 0 : i32
    %dma_wait3A_106 = tpu.memref_slice %arg3[%dma_wait3A_104, %dma_wait3A_105] : memref<100000x1024xf32, #tpu.memory_space<hbm>> -> memref<100000x1024xf32, #tpu.memory_space<hbm>>
    tpu.wait_indirect_dma semaphore(%arg8 : memref<!tpu.dma_semaphore, #tpu.memory_space<semaphore_mem>>) src(%dma_wait3A_106 : memref<100000x1024xf32, #tpu.memory_space<hbm>>) dst(%arg6 : memref<56x1024xf32, #tpu.memory_space<vmem>>)
    %parallel_loop3A_107 = arith.constant 0 : i32
    %parallel_loop3A_108 = arith.constant 3584 : i32
    %parallel_loop3A_109 = arith.constant 1 : i32
    scf.for %parallel_loop3A_248 = %parallel_loop3A_107 to %parallel_loop3A_108 step %parallel_loop3A_109  : i32 {
      %parallel_loop3A_249 = arith.constant 64 : i32
      %parallel_loop3A_250 = arith.divsi %parallel_loop3A_248, %parallel_loop3A_249 : i32
      %parallel_loop3A_251 = arith.constant 0 : i32
      %parallel_loop3A_252 = arith.cmpi sgt, %parallel_loop3A_248, %parallel_loop3A_251 : i32
      %parallel_loop3A_253 = arith.extui %parallel_loop3A_252 : i1 to i32
      %parallel_loop3A_254 = arith.constant 0 : i32
      %parallel_loop3A_255 = arith.cmpi slt, %parallel_loop3A_248, %parallel_loop3A_254 : i32
      %parallel_loop3A_256 = arith.extui %parallel_loop3A_255 : i1 to i32
      %parallel_loop3A_257 = arith.subi %parallel_loop3A_253, %parallel_loop3A_256 : i32
      %parallel_loop3A_258 = arith.constant 0 : i32
      %parallel_loop3A_259 = arith.cmpi sgt, %parallel_loop3A_249, %parallel_loop3A_258 : i32
      %parallel_loop3A_260 = arith.extui %parallel_loop3A_259 : i1 to i32
      %parallel_loop3A_261 = arith.constant 0 : i32
      %parallel_loop3A_262 = arith.cmpi slt, %parallel_loop3A_249, %parallel_loop3A_261 : i32
      %parallel_loop3A_263 = arith.extui %parallel_loop3A_262 : i1 to i32
      %parallel_loop3A_264 = arith.subi %parallel_loop3A_260, %parallel_loop3A_263 : i32
      %parallel_loop3A_265 = arith.cmpi ne, %parallel_loop3A_257, %parallel_loop3A_264 : i32
      %parallel_loop3A_266 = arith.remsi %parallel_loop3A_248, %parallel_loop3A_249 : i32
      %parallel_loop3A_267 = arith.constant 0 : i32
      %parallel_loop3A_268 = arith.cmpi ne, %parallel_loop3A_266, %parallel_loop3A_267 : i32
      %parallel_loop3A_269 = arith.andi %parallel_loop3A_265, %parallel_loop3A_268 : i1
      %parallel_loop3A_270 = arith.constant 1 : i32
      %parallel_loop3A_271 = arith.subi %parallel_loop3A_250, %parallel_loop3A_270 : i32
      %parallel_loop3A_272 = arith.select %parallel_loop3A_269, %parallel_loop3A_271, %parallel_loop3A_250 : i32
      %parallel_loop3A_273 = arith.constant 64 : i32
      %parallel_loop3A_274 = arith.constant 0 : i32
      %parallel_loop3A_275 = arith.cmpi eq, %parallel_loop3A_273, %parallel_loop3A_274 : i32
      %parallel_loop3A_276 = arith.constant 1 : i32
      %parallel_loop3A_277 = arith.select %parallel_loop3A_275, %parallel_loop3A_276, %parallel_loop3A_273 : i32
      %parallel_loop3A_278 = arith.remsi %parallel_loop3A_248, %parallel_loop3A_277 : i32
      %parallel_loop3A_279 = arith.constant 0 : i32
      %parallel_loop3A_280 = arith.cmpi ne, %parallel_loop3A_278, %parallel_loop3A_279 : i32
      %parallel_loop3A_281 = arith.constant 0 : i32
      %parallel_loop3A_282 = arith.cmpi slt, %parallel_loop3A_278, %parallel_loop3A_281 : i32
      %parallel_loop3A_283 = arith.constant 0 : i32
      %parallel_loop3A_284 = arith.cmpi slt, %parallel_loop3A_277, %parallel_loop3A_283 : i32
      %parallel_loop3A_285 = arith.xori %parallel_loop3A_282, %parallel_loop3A_284 : i1
      %parallel_loop3A_286 = arith.andi %parallel_loop3A_285, %parallel_loop3A_280 : i1
      %parallel_loop3A_287 = arith.addi %parallel_loop3A_278, %parallel_loop3A_277 : i32
      %parallel_loop3A_288 = arith.select %parallel_loop3A_286, %parallel_loop3A_287, %parallel_loop3A_278 : i32
      %parallel_loop3A_289 = arith.constant 16 : i32
      %parallel_loop3A_290 = arith.muli %parallel_loop3A_288, %parallel_loop3A_289 : i32
      %parallel_loop3A_291 = arith.index_cast %parallel_loop3A_272 : i32 to index
      %parallel_loop3A_292 = arith.index_cast %parallel_loop3A_290 : i32 to index
      %parallel_loop3A_293 = tpu.vector_load %arg6[%parallel_loop3A_291, %parallel_loop3A_292] {strides = array<i32>} : memref<56x1024xf32, #tpu.memory_space<vmem>>, vector<1x16xf32>,
      %parallel_loop3A_294 = vector.shape_cast %parallel_loop3A_293 : vector<1x16xf32> to vector<16xf32>
      %parallel_loop3A_295 = arith.constant 3.200000e+01 : f32
      %parallel_loop3A_296 = vector.broadcast %parallel_loop3A_295 : f32 to vector<16xf32>
      %parallel_loop3A_297 = arith.mulf %parallel_loop3A_294, %parallel_loop3A_296 : vector<16xf32>
      %parallel_loop3A_298 = arith.constant 16 : i32
      %parallel_loop3A_299 = arith.muli %parallel_loop3A_288, %parallel_loop3A_298 : i32
      %parallel_loop3A_300 = arith.index_cast %parallel_loop3A_272 : i32 to index
      %parallel_loop3A_301 = arith.index_cast %parallel_loop3A_299 : i32 to index
      %parallel_loop3A_302 = tpu.vector_load %arg6[%parallel_loop3A_300, %parallel_loop3A_301] {strides = array<i32>} : memref<56x1024xf32, #tpu.memory_space<vmem>>, vector<1x16xf32>,
      %parallel_loop3A_303 = vector.shape_cast %parallel_loop3A_302 : vector<1x16xf32> to vector<16xf32>
      %parallel_loop3A_304 = vector.shape_cast %parallel_loop3A_297 : vector<16xf32> to vector<1x16xf32>
      tpu.vector_store %arg6[%parallel_loop3A_300, %parallel_loop3A_301], %parallel_loop3A_304 {strides = array<i32>} : memref<56x1024xf32, #tpu.memory_space<vmem>>, vector<1x16xf32>,
    } {sc.loop_unroll_factor = 8 : i64, sc.parallel_access}
    %add3A_110 = arith.constant 224 : i32
    %add3A_111 = arith.addi %mul3A_2, %add3A_110 : i32
    %dma_start3A_112 = arith.constant 0 : i32
    %dma_start3A_113 = tpu.memref_slice %arg4[%add3A_111, %dma_start3A_112] : memref<16384x1024xf32, #tpu.memory_space<hbm>> -> memref<56x1024xf32, #tpu.memory_space<hbm>>
    %dma_start3A_114 = arith.constant 0 : i32
    %dma_start3A_115 = tpu.memref_slice %arg4[%add3A_111, %dma_start3A_114] : memref<16384x1024xf32, #tpu.memory_space<hbm>> -> memref<56x1024xf32, #tpu.memory_space<hbm>>
    tpu.enqueue_dma source(%arg6 : memref<56x1024xf32, #tpu.memory_space<vmem>>) target(%dma_start3A_115 : memref<56x1024xf32, #tpu.memory_space<hbm>>) target_semaphore(%arg10 : memref<!tpu.dma_semaphore, #tpu.memory_space<semaphore_mem>>)
    %dma_wait3A_116 = arith.constant 0 : i32
    %dma_wait3A_117 = tpu.memref_slice %arg4[%add3A_111, %dma_wait3A_116] : memref<16384x1024xf32, #tpu.memory_space<hbm>> -> memref<56x1024xf32, #tpu.memory_space<hbm>>
    %dma_wait3A_118 = arith.constant 0 : i32
    %dma_wait3A_119 = tpu.memref_slice %arg4[%add3A_111, %dma_wait3A_118] : memref<16384x1024xf32, #tpu.memory_space<hbm>> -> memref<56x1024xf32, #tpu.memory_space<hbm>>
    tpu.wait_dma2 semaphore(%arg10 : memref<!tpu.dma_semaphore, #tpu.memory_space<semaphore_mem>>) src(%arg6 : memref<56x1024xf32, #tpu.memory_space<vmem>>) dst(%dma_wait3A_119 : memref<56x1024xf32, #tpu.memory_space<hbm>>)
    %dma_start3A_120 = arith.constant 336 : i32
    %dma_start3A_121 = tpu.memref_slice %arg5[%dma_start3A_120] : memref<512xi32, #tpu.memory_space<vmem>> -> memref<56xi32, #tpu.memory_space<vmem>>
    %dma_start3A_122 = arith.constant 0 : i32
    %dma_start3A_123 = arith.constant 0 : i32
    %dma_start3A_124 = tpu.memref_slice %arg3[%dma_start3A_122, %dma_start3A_123] : memref<100000x1024xf32, #tpu.memory_space<hbm>> -> memref<100000x1024xf32, #tpu.memory_space<hbm>>
    tpu.enqueue_indirect_dma source(%dma_start3A_124 : memref<100000x1024xf32, #tpu.memory_space<hbm>>) target(%arg6 : memref<56x1024xf32, #tpu.memory_space<vmem>>) offsets(%dma_start3A_121 : memref<56xi32, #tpu.memory_space<vmem>>) semaphore(%arg8 : memref<!tpu.dma_semaphore, #tpu.memory_space<semaphore_mem>>)
    %dma_wait3A_125 = arith.constant 280 : i32
    %dma_wait3A_126 = tpu.memref_slice %arg5[%dma_wait3A_125] : memref<512xi32, #tpu.memory_space<vmem>> -> memref<56xi32, #tpu.memory_space<vmem>>
    %dma_wait3A_127 = arith.constant 0 : i32
    %dma_wait3A_128 = arith.constant 0 : i32
    %dma_wait3A_129 = tpu.memref_slice %arg3[%dma_wait3A_127, %dma_wait3A_128] : memref<100000x1024xf32, #tpu.memory_space<hbm>> -> memref<100000x1024xf32, #tpu.memory_space<hbm>>
    tpu.wait_indirect_dma semaphore(%arg9 : memref<!tpu.dma_semaphore, #tpu.memory_space<semaphore_mem>>) src(%dma_wait3A_129 : memref<100000x1024xf32, #tpu.memory_space<hbm>>) dst(%arg7 : memref<56x1024xf32, #tpu.memory_space<vmem>>)
    %parallel_loop3A_130 = arith.constant 0 : i32
    %parallel_loop3A_131 = arith.constant 3584 : i32
    %parallel_loop3A_132 = arith.constant 1 : i32
    scf.for %parallel_loop3A_248 = %parallel_loop3A_130 to %parallel_loop3A_131 step %parallel_loop3A_132  : i32 {
      %parallel_loop3A_249 = arith.constant 64 : i32
      %parallel_loop3A_250 = arith.divsi %parallel_loop3A_248, %parallel_loop3A_249 : i32
      %parallel_loop3A_251 = arith.constant 0 : i32
      %parallel_loop3A_252 = arith.cmpi sgt, %parallel_loop3A_248, %parallel_loop3A_251 : i32
      %parallel_loop3A_253 = arith.extui %parallel_loop3A_252 : i1 to i32
      %parallel_loop3A_254 = arith.constant 0 : i32
      %parallel_loop3A_255 = arith.cmpi slt, %parallel_loop3A_248, %parallel_loop3A_254 : i32
      %parallel_loop3A_256 = arith.extui %parallel_loop3A_255 : i1 to i32
      %parallel_loop3A_257 = arith.subi %parallel_loop3A_253, %parallel_loop3A_256 : i32
      %parallel_loop3A_258 = arith.constant 0 : i32
      %parallel_loop3A_259 = arith.cmpi sgt, %parallel_loop3A_249, %parallel_loop3A_258 : i32
      %parallel_loop3A_260 = arith.extui %parallel_loop3A_259 : i1 to i32
      %parallel_loop3A_261 = arith.constant 0 : i32
      %parallel_loop3A_262 = arith.cmpi slt, %parallel_loop3A_249, %parallel_loop3A_261 : i32
      %parallel_loop3A_263 = arith.extui %parallel_loop3A_262 : i1 to i32
      %parallel_loop3A_264 = arith.subi %parallel_loop3A_260, %parallel_loop3A_263 : i32
      %parallel_loop3A_265 = arith.cmpi ne, %parallel_loop3A_257, %parallel_loop3A_264 : i32
      %parallel_loop3A_266 = arith.remsi %parallel_loop3A_248, %parallel_loop3A_249 : i32
      %parallel_loop3A_267 = arith.constant 0 : i32
      %parallel_loop3A_268 = arith.cmpi ne, %parallel_loop3A_266, %parallel_loop3A_267 : i32
      %parallel_loop3A_269 = arith.andi %parallel_loop3A_265, %parallel_loop3A_268 : i1
      %parallel_loop3A_270 = arith.constant 1 : i32
      %parallel_loop3A_271 = arith.subi %parallel_loop3A_250, %parallel_loop3A_270 : i32
      %parallel_loop3A_272 = arith.select %parallel_loop3A_269, %parallel_loop3A_271, %parallel_loop3A_250 : i32
      %parallel_loop3A_273 = arith.constant 64 : i32
      %parallel_loop3A_274 = arith.constant 0 : i32
      %parallel_loop3A_275 = arith.cmpi eq, %parallel_loop3A_273, %parallel_loop3A_274 : i32
      %parallel_loop3A_276 = arith.constant 1 : i32
      %parallel_loop3A_277 = arith.select %parallel_loop3A_275, %parallel_loop3A_276, %parallel_loop3A_273 : i32
      %parallel_loop3A_278 = arith.remsi %parallel_loop3A_248, %parallel_loop3A_277 : i32
      %parallel_loop3A_279 = arith.constant 0 : i32
      %parallel_loop3A_280 = arith.cmpi ne, %parallel_loop3A_278, %parallel_loop3A_279 : i32
      %parallel_loop3A_281 = arith.constant 0 : i32
      %parallel_loop3A_282 = arith.cmpi slt, %parallel_loop3A_278, %parallel_loop3A_281 : i32
      %parallel_loop3A_283 = arith.constant 0 : i32
      %parallel_loop3A_284 = arith.cmpi slt, %parallel_loop3A_277, %parallel_loop3A_283 : i32
      %parallel_loop3A_285 = arith.xori %parallel_loop3A_282, %parallel_loop3A_284 : i1
      %parallel_loop3A_286 = arith.andi %parallel_loop3A_285, %parallel_loop3A_280 : i1
      %parallel_loop3A_287 = arith.addi %parallel_loop3A_278, %parallel_loop3A_277 : i32
      %parallel_loop3A_288 = arith.select %parallel_loop3A_286, %parallel_loop3A_287, %parallel_loop3A_278 : i32
      %parallel_loop3A_289 = arith.constant 16 : i32
      %parallel_loop3A_290 = arith.muli %parallel_loop3A_288, %parallel_loop3A_289 : i32
      %parallel_loop3A_291 = arith.index_cast %parallel_loop3A_272 : i32 to index
      %parallel_loop3A_292 = arith.index_cast %parallel_loop3A_290 : i32 to index
      %parallel_loop3A_293 = tpu.vector_load %arg7[%parallel_loop3A_291, %parallel_loop3A_292] {strides = array<i32>} : memref<56x1024xf32, #tpu.memory_space<vmem>>, vector<1x16xf32>,
      %parallel_loop3A_294 = vector.shape_cast %parallel_loop3A_293 : vector<1x16xf32> to vector<16xf32>
      %parallel_loop3A_295 = arith.constant 3.200000e+01 : f32
      %parallel_loop3A_296 = vector.broadcast %parallel_loop3A_295 : f32 to vector<16xf32>
      %parallel_loop3A_297 = arith.mulf %parallel_loop3A_294, %parallel_loop3A_296 : vector<16xf32>
      %parallel_loop3A_298 = arith.constant 16 : i32
      %parallel_loop3A_299 = arith.muli %parallel_loop3A_288, %parallel_loop3A_298 : i32
      %parallel_loop3A_300 = arith.index_cast %parallel_loop3A_272 : i32 to index
      %parallel_loop3A_301 = arith.index_cast %parallel_loop3A_299 : i32 to index
      %parallel_loop3A_302 = tpu.vector_load %arg7[%parallel_loop3A_300, %parallel_loop3A_301] {strides = array<i32>} : memref<56x1024xf32, #tpu.memory_space<vmem>>, vector<1x16xf32>,
      %parallel_loop3A_303 = vector.shape_cast %parallel_loop3A_302 : vector<1x16xf32> to vector<16xf32>
      %parallel_loop3A_304 = vector.shape_cast %parallel_loop3A_297 : vector<16xf32> to vector<1x16xf32>
      tpu.vector_store %arg7[%parallel_loop3A_300, %parallel_loop3A_301], %parallel_loop3A_304 {strides = array<i32>} : memref<56x1024xf32, #tpu.memory_space<vmem>>, vector<1x16xf32>,
    } {sc.loop_unroll_factor = 8 : i64, sc.parallel_access}
    %add3A_133 = arith.constant 280 : i32
    %add3A_134 = arith.addi %mul3A_2, %add3A_133 : i32
    %dma_start3A_135 = arith.constant 0 : i32
    %dma_start3A_136 = tpu.memref_slice %arg4[%add3A_134, %dma_start3A_135] : memref<16384x1024xf32, #tpu.memory_space<hbm>> -> memref<56x1024xf32, #tpu.memory_space<hbm>>
    %dma_start3A_137 = arith.constant 0 : i32
    %dma_start3A_138 = tpu.memref_slice %arg4[%add3A_134, %dma_start3A_137] : memref<16384x1024xf32, #tpu.memory_space<hbm>> -> memref<56x1024xf32, #tpu.memory_space<hbm>>
    tpu.enqueue_dma source(%arg7 : memref<56x1024xf32, #tpu.memory_space<vmem>>) target(%dma_start3A_138 : memref<56x1024xf32, #tpu.memory_space<hbm>>) target_semaphore(%arg11 : memref<!tpu.dma_semaphore, #tpu.memory_space<semaphore_mem>>)
    %dma_wait3A_139 = arith.constant 0 : i32
    %dma_wait3A_140 = tpu.memref_slice %arg4[%add3A_134, %dma_wait3A_139] : memref<16384x1024xf32, #tpu.memory_space<hbm>> -> memref<56x1024xf32, #tpu.memory_space<hbm>>
    %dma_wait3A_141 = arith.constant 0 : i32
    %dma_wait3A_142 = tpu.memref_slice %arg4[%add3A_134, %dma_wait3A_141] : memref<16384x1024xf32, #tpu.memory_space<hbm>> -> memref<56x1024xf32, #tpu.memory_space<hbm>>
    tpu.wait_dma2 semaphore(%arg11 : memref<!tpu.dma_semaphore, #tpu.memory_space<semaphore_mem>>) src(%arg7 : memref<56x1024xf32, #tpu.memory_space<vmem>>) dst(%dma_wait3A_142 : memref<56x1024xf32, #tpu.memory_space<hbm>>)
    %dma_start3A_143 = arith.constant 392 : i32
    %dma_start3A_144 = tpu.memref_slice %arg5[%dma_start3A_143] : memref<512xi32, #tpu.memory_space<vmem>> -> memref<56xi32, #tpu.memory_space<vmem>>
    %dma_start3A_145 = arith.constant 0 : i32
    %dma_start3A_146 = arith.constant 0 : i32
    %dma_start3A_147 = tpu.memref_slice %arg3[%dma_start3A_145, %dma_start3A_146] : memref<100000x1024xf32, #tpu.memory_space<hbm>> -> memref<100000x1024xf32, #tpu.memory_space<hbm>>
    tpu.enqueue_indirect_dma source(%dma_start3A_147 : memref<100000x1024xf32, #tpu.memory_space<hbm>>) target(%arg7 : memref<56x1024xf32, #tpu.memory_space<vmem>>) offsets(%dma_start3A_144 : memref<56xi32, #tpu.memory_space<vmem>>) semaphore(%arg9 : memref<!tpu.dma_semaphore, #tpu.memory_space<semaphore_mem>>)
    %dma_wait3A_148 = arith.constant 336 : i32
    %dma_wait3A_149 = tpu.memref_slice %arg5[%dma_wait3A_148] : memref<512xi32, #tpu.memory_space<vmem>> -> memref<56xi32, #tpu.memory_space<vmem>>
    %dma_wait3A_150 = arith.constant 0 : i32
    %dma_wait3A_151 = arith.constant 0 : i32
    %dma_wait3A_152 = tpu.memref_slice %arg3[%dma_wait3A_150, %dma_wait3A_151] : memref<100000x1024xf32, #tpu.memory_space<hbm>> -> memref<100000x1024xf32, #tpu.memory_space<hbm>>
    tpu.wait_indirect_dma semaphore(%arg8 : memref<!tpu.dma_semaphore, #tpu.memory_space<semaphore_mem>>) src(%dma_wait3A_152 : memref<100000x1024xf32, #tpu.memory_space<hbm>>) dst(%arg6 : memref<56x1024xf32, #tpu.memory_space<vmem>>)
    %parallel_loop3A_153 = arith.constant 0 : i32
    %parallel_loop3A_154 = arith.constant 3584 : i32
    %parallel_loop3A_155 = arith.constant 1 : i32
    scf.for %parallel_loop3A_248 = %parallel_loop3A_153 to %parallel_loop3A_154 step %parallel_loop3A_155  : i32 {
      %parallel_loop3A_249 = arith.constant 64 : i32
      %parallel_loop3A_250 = arith.divsi %parallel_loop3A_248, %parallel_loop3A_249 : i32
      %parallel_loop3A_251 = arith.constant 0 : i32
      %parallel_loop3A_252 = arith.cmpi sgt, %parallel_loop3A_248, %parallel_loop3A_251 : i32
      %parallel_loop3A_253 = arith.extui %parallel_loop3A_252 : i1 to i32
      %parallel_loop3A_254 = arith.constant 0 : i32
      %parallel_loop3A_255 = arith.cmpi slt, %parallel_loop3A_248, %parallel_loop3A_254 : i32
      %parallel_loop3A_256 = arith.extui %parallel_loop3A_255 : i1 to i32
      %parallel_loop3A_257 = arith.subi %parallel_loop3A_253, %parallel_loop3A_256 : i32
      %parallel_loop3A_258 = arith.constant 0 : i32
      %parallel_loop3A_259 = arith.cmpi sgt, %parallel_loop3A_249, %parallel_loop3A_258 : i32
      %parallel_loop3A_260 = arith.extui %parallel_loop3A_259 : i1 to i32
      %parallel_loop3A_261 = arith.constant 0 : i32
      %parallel_loop3A_262 = arith.cmpi slt, %parallel_loop3A_249, %parallel_loop3A_261 : i32
      %parallel_loop3A_263 = arith.extui %parallel_loop3A_262 : i1 to i32
      %parallel_loop3A_264 = arith.subi %parallel_loop3A_260, %parallel_loop3A_263 : i32
      %parallel_loop3A_265 = arith.cmpi ne, %parallel_loop3A_257, %parallel_loop3A_264 : i32
      %parallel_loop3A_266 = arith.remsi %parallel_loop3A_248, %parallel_loop3A_249 : i32
      %parallel_loop3A_267 = arith.constant 0 : i32
      %parallel_loop3A_268 = arith.cmpi ne, %parallel_loop3A_266, %parallel_loop3A_267 : i32
      %parallel_loop3A_269 = arith.andi %parallel_loop3A_265, %parallel_loop3A_268 : i1
      %parallel_loop3A_270 = arith.constant 1 : i32
      %parallel_loop3A_271 = arith.subi %parallel_loop3A_250, %parallel_loop3A_270 : i32
      %parallel_loop3A_272 = arith.select %parallel_loop3A_269, %parallel_loop3A_271, %parallel_loop3A_250 : i32
      %parallel_loop3A_273 = arith.constant 64 : i32
      %parallel_loop3A_274 = arith.constant 0 : i32
      %parallel_loop3A_275 = arith.cmpi eq, %parallel_loop3A_273, %parallel_loop3A_274 : i32
      %parallel_loop3A_276 = arith.constant 1 : i32
      %parallel_loop3A_277 = arith.select %parallel_loop3A_275, %parallel_loop3A_276, %parallel_loop3A_273 : i32
      %parallel_loop3A_278 = arith.remsi %parallel_loop3A_248, %parallel_loop3A_277 : i32
      %parallel_loop3A_279 = arith.constant 0 : i32
      %parallel_loop3A_280 = arith.cmpi ne, %parallel_loop3A_278, %parallel_loop3A_279 : i32
      %parallel_loop3A_281 = arith.constant 0 : i32
      %parallel_loop3A_282 = arith.cmpi slt, %parallel_loop3A_278, %parallel_loop3A_281 : i32
      %parallel_loop3A_283 = arith.constant 0 : i32
      %parallel_loop3A_284 = arith.cmpi slt, %parallel_loop3A_277, %parallel_loop3A_283 : i32
      %parallel_loop3A_285 = arith.xori %parallel_loop3A_282, %parallel_loop3A_284 : i1
      %parallel_loop3A_286 = arith.andi %parallel_loop3A_285, %parallel_loop3A_280 : i1
      %parallel_loop3A_287 = arith.addi %parallel_loop3A_278, %parallel_loop3A_277 : i32
      %parallel_loop3A_288 = arith.select %parallel_loop3A_286, %parallel_loop3A_287, %parallel_loop3A_278 : i32
      %parallel_loop3A_289 = arith.constant 16 : i32
      %parallel_loop3A_290 = arith.muli %parallel_loop3A_288, %parallel_loop3A_289 : i32
      %parallel_loop3A_291 = arith.index_cast %parallel_loop3A_272 : i32 to index
      %parallel_loop3A_292 = arith.index_cast %parallel_loop3A_290 : i32 to index
      %parallel_loop3A_293 = tpu.vector_load %arg6[%parallel_loop3A_291, %parallel_loop3A_292] {strides = array<i32>} : memref<56x1024xf32, #tpu.memory_space<vmem>>, vector<1x16xf32>,
      %parallel_loop3A_294 = vector.shape_cast %parallel_loop3A_293 : vector<1x16xf32> to vector<16xf32>
      %parallel_loop3A_295 = arith.constant 3.200000e+01 : f32
      %parallel_loop3A_296 = vector.broadcast %parallel_loop3A_295 : f32 to vector<16xf32>
      %parallel_loop3A_297 = arith.mulf %parallel_loop3A_294, %parallel_loop3A_296 : vector<16xf32>
      %parallel_loop3A_298 = arith.constant 16 : i32
      %parallel_loop3A_299 = arith.muli %parallel_loop3A_288, %parallel_loop3A_298 : i32
      %parallel_loop3A_300 = arith.index_cast %parallel_loop3A_272 : i32 to index
      %parallel_loop3A_301 = arith.index_cast %parallel_loop3A_299 : i32 to index
      %parallel_loop3A_302 = tpu.vector_load %arg6[%parallel_loop3A_300, %parallel_loop3A_301] {strides = array<i32>} : memref<56x1024xf32, #tpu.memory_space<vmem>>, vector<1x16xf32>,
      %parallel_loop3A_303 = vector.shape_cast %parallel_loop3A_302 : vector<1x16xf32> to vector<16xf32>
      %parallel_loop3A_304 = vector.shape_cast %parallel_loop3A_297 : vector<16xf32> to vector<1x16xf32>
      tpu.vector_store %arg6[%parallel_loop3A_300, %parallel_loop3A_301], %parallel_loop3A_304 {strides = array<i32>} : memref<56x1024xf32, #tpu.memory_space<vmem>>, vector<1x16xf32>,
    } {sc.loop_unroll_factor = 8 : i64, sc.parallel_access}
    %add3A_156 = arith.constant 336 : i32
    %add3A_157 = arith.addi %mul3A_2, %add3A_156 : i32
    %dma_start3A_158 = arith.constant 0 : i32
    %dma_start3A_159 = tpu.memref_slice %arg4[%add3A_157, %dma_start3A_158] : memref<16384x1024xf32, #tpu.memory_space<hbm>> -> memref<56x1024xf32, #tpu.memory_space<hbm>>
    %dma_start3A_160 = arith.constant 0 : i32
    %dma_start3A_161 = tpu.memref_slice %arg4[%add3A_157, %dma_start3A_160] : memref<16384x1024xf32, #tpu.memory_space<hbm>> -> memref<56x1024xf32, #tpu.memory_space<hbm>>
    tpu.enqueue_dma source(%arg6 : memref<56x1024xf32, #tpu.memory_space<vmem>>) target(%dma_start3A_161 : memref<56x1024xf32, #tpu.memory_space<hbm>>) target_semaphore(%arg10 : memref<!tpu.dma_semaphore, #tpu.memory_space<semaphore_mem>>)
    %dma_wait3A_162 = arith.constant 0 : i32
    %dma_wait3A_163 = tpu.memref_slice %arg4[%add3A_157, %dma_wait3A_162] : memref<16384x1024xf32, #tpu.memory_space<hbm>> -> memref<56x1024xf32, #tpu.memory_space<hbm>>
    %dma_wait3A_164 = arith.constant 0 : i32
    %dma_wait3A_165 = tpu.memref_slice %arg4[%add3A_157, %dma_wait3A_164] : memref<16384x1024xf32, #tpu.memory_space<hbm>> -> memref<56x1024xf32, #tpu.memory_space<hbm>>
    tpu.wait_dma2 semaphore(%arg10 : memref<!tpu.dma_semaphore, #tpu.memory_space<semaphore_mem>>) src(%arg6 : memref<56x1024xf32, #tpu.memory_space<vmem>>) dst(%dma_wait3A_165 : memref<56x1024xf32, #tpu.memory_space<hbm>>)
    %dma_start3A_166 = arith.constant 448 : i32
    %dma_start3A_167 = tpu.memref_slice %arg5[%dma_start3A_166] : memref<512xi32, #tpu.memory_space<vmem>> -> memref<56xi32, #tpu.memory_space<vmem>>
    %dma_start3A_168 = arith.constant 0 : i32
    %dma_start3A_169 = arith.constant 0 : i32
    %dma_start3A_170 = tpu.memref_slice %arg3[%dma_start3A_168, %dma_start3A_169] : memref<100000x1024xf32, #tpu.memory_space<hbm>> -> memref<100000x1024xf32, #tpu.memory_space<hbm>>
    tpu.enqueue_indirect_dma source(%dma_start3A_170 : memref<100000x1024xf32, #tpu.memory_space<hbm>>) target(%arg6 : memref<56x1024xf32, #tpu.memory_space<vmem>>) offsets(%dma_start3A_167 : memref<56xi32, #tpu.memory_space<vmem>>) semaphore(%arg8 : memref<!tpu.dma_semaphore, #tpu.memory_space<semaphore_mem>>)
    %dma_wait3A_171 = arith.constant 392 : i32
    %dma_wait3A_172 = tpu.memref_slice %arg5[%dma_wait3A_171] : memref<512xi32, #tpu.memory_space<vmem>> -> memref<56xi32, #tpu.memory_space<vmem>>
    %dma_wait3A_173 = arith.constant 0 : i32
    %dma_wait3A_174 = arith.constant 0 : i32
    %dma_wait3A_175 = tpu.memref_slice %arg3[%dma_wait3A_173, %dma_wait3A_174] : memref<100000x1024xf32, #tpu.memory_space<hbm>> -> memref<100000x1024xf32, #tpu.memory_space<hbm>>
    tpu.wait_indirect_dma semaphore(%arg9 : memref<!tpu.dma_semaphore, #tpu.memory_space<semaphore_mem>>) src(%dma_wait3A_175 : memref<100000x1024xf32, #tpu.memory_space<hbm>>) dst(%arg7 : memref<56x1024xf32, #tpu.memory_space<vmem>>)
    %parallel_loop3A_176 = arith.constant 0 : i32
    %parallel_loop3A_177 = arith.constant 3584 : i32
    %parallel_loop3A_178 = arith.constant 1 : i32
    scf.for %parallel_loop3A_248 = %parallel_loop3A_176 to %parallel_loop3A_177 step %parallel_loop3A_178  : i32 {
      %parallel_loop3A_249 = arith.constant 64 : i32
      %parallel_loop3A_250 = arith.divsi %parallel_loop3A_248, %parallel_loop3A_249 : i32
      %parallel_loop3A_251 = arith.constant 0 : i32
      %parallel_loop3A_252 = arith.cmpi sgt, %parallel_loop3A_248, %parallel_loop3A_251 : i32
      %parallel_loop3A_253 = arith.extui %parallel_loop3A_252 : i1 to i32
      %parallel_loop3A_254 = arith.constant 0 : i32
      %parallel_loop3A_255 = arith.cmpi slt, %parallel_loop3A_248, %parallel_loop3A_254 : i32
      %parallel_loop3A_256 = arith.extui %parallel_loop3A_255 : i1 to i32
      %parallel_loop3A_257 = arith.subi %parallel_loop3A_253, %parallel_loop3A_256 : i32
      %parallel_loop3A_258 = arith.constant 0 : i32
      %parallel_loop3A_259 = arith.cmpi sgt, %parallel_loop3A_249, %parallel_loop3A_258 : i32
      %parallel_loop3A_260 = arith.extui %parallel_loop3A_259 : i1 to i32
      %parallel_loop3A_261 = arith.constant 0 : i32
      %parallel_loop3A_262 = arith.cmpi slt, %parallel_loop3A_249, %parallel_loop3A_261 : i32
      %parallel_loop3A_263 = arith.extui %parallel_loop3A_262 : i1 to i32
      %parallel_loop3A_264 = arith.subi %parallel_loop3A_260, %parallel_loop3A_263 : i32
      %parallel_loop3A_265 = arith.cmpi ne, %parallel_loop3A_257, %parallel_loop3A_264 : i32
      %parallel_loop3A_266 = arith.remsi %parallel_loop3A_248, %parallel_loop3A_249 : i32
      %parallel_loop3A_267 = arith.constant 0 : i32
      %parallel_loop3A_268 = arith.cmpi ne, %parallel_loop3A_266, %parallel_loop3A_267 : i32
      %parallel_loop3A_269 = arith.andi %parallel_loop3A_265, %parallel_loop3A_268 : i1
      %parallel_loop3A_270 = arith.constant 1 : i32
      %parallel_loop3A_271 = arith.subi %parallel_loop3A_250, %parallel_loop3A_270 : i32
      %parallel_loop3A_272 = arith.select %parallel_loop3A_269, %parallel_loop3A_271, %parallel_loop3A_250 : i32
      %parallel_loop3A_273 = arith.constant 64 : i32
      %parallel_loop3A_274 = arith.constant 0 : i32
      %parallel_loop3A_275 = arith.cmpi eq, %parallel_loop3A_273, %parallel_loop3A_274 : i32
      %parallel_loop3A_276 = arith.constant 1 : i32
      %parallel_loop3A_277 = arith.select %parallel_loop3A_275, %parallel_loop3A_276, %parallel_loop3A_273 : i32
      %parallel_loop3A_278 = arith.remsi %parallel_loop3A_248, %parallel_loop3A_277 : i32
      %parallel_loop3A_279 = arith.constant 0 : i32
      %parallel_loop3A_280 = arith.cmpi ne, %parallel_loop3A_278, %parallel_loop3A_279 : i32
      %parallel_loop3A_281 = arith.constant 0 : i32
      %parallel_loop3A_282 = arith.cmpi slt, %parallel_loop3A_278, %parallel_loop3A_281 : i32
      %parallel_loop3A_283 = arith.constant 0 : i32
      %parallel_loop3A_284 = arith.cmpi slt, %parallel_loop3A_277, %parallel_loop3A_283 : i32
      %parallel_loop3A_285 = arith.xori %parallel_loop3A_282, %parallel_loop3A_284 : i1
      %parallel_loop3A_286 = arith.andi %parallel_loop3A_285, %parallel_loop3A_280 : i1
      %parallel_loop3A_287 = arith.addi %parallel_loop3A_278, %parallel_loop3A_277 : i32
      %parallel_loop3A_288 = arith.select %parallel_loop3A_286, %parallel_loop3A_287, %parallel_loop3A_278 : i32
      %parallel_loop3A_289 = arith.constant 16 : i32
      %parallel_loop3A_290 = arith.muli %parallel_loop3A_288, %parallel_loop3A_289 : i32
      %parallel_loop3A_291 = arith.index_cast %parallel_loop3A_272 : i32 to index
      %parallel_loop3A_292 = arith.index_cast %parallel_loop3A_290 : i32 to index
      %parallel_loop3A_293 = tpu.vector_load %arg7[%parallel_loop3A_291, %parallel_loop3A_292] {strides = array<i32>} : memref<56x1024xf32, #tpu.memory_space<vmem>>, vector<1x16xf32>,
      %parallel_loop3A_294 = vector.shape_cast %parallel_loop3A_293 : vector<1x16xf32> to vector<16xf32>
      %parallel_loop3A_295 = arith.constant 3.200000e+01 : f32
      %parallel_loop3A_296 = vector.broadcast %parallel_loop3A_295 : f32 to vector<16xf32>
      %parallel_loop3A_297 = arith.mulf %parallel_loop3A_294, %parallel_loop3A_296 : vector<16xf32>
      %parallel_loop3A_298 = arith.constant 16 : i32
      %parallel_loop3A_299 = arith.muli %parallel_loop3A_288, %parallel_loop3A_298 : i32
      %parallel_loop3A_300 = arith.index_cast %parallel_loop3A_272 : i32 to index
      %parallel_loop3A_301 = arith.index_cast %parallel_loop3A_299 : i32 to index
      %parallel_loop3A_302 = tpu.vector_load %arg7[%parallel_loop3A_300, %parallel_loop3A_301] {strides = array<i32>} : memref<56x1024xf32, #tpu.memory_space<vmem>>, vector<1x16xf32>,
      %parallel_loop3A_303 = vector.shape_cast %parallel_loop3A_302 : vector<1x16xf32> to vector<16xf32>
      %parallel_loop3A_304 = vector.shape_cast %parallel_loop3A_297 : vector<16xf32> to vector<1x16xf32>
      tpu.vector_store %arg7[%parallel_loop3A_300, %parallel_loop3A_301], %parallel_loop3A_304 {strides = array<i32>} : memref<56x1024xf32, #tpu.memory_space<vmem>>, vector<1x16xf32>,
    } {sc.loop_unroll_factor = 8 : i64, sc.parallel_access}
    %add3A_179 = arith.constant 392 : i32
    %add3A_180 = arith.addi %mul3A_2, %add3A_179 : i32
    %dma_start3A_181 = arith.constant 0 : i32
    %dma_start3A_182 = tpu.memref_slice %arg4[%add3A_180, %dma_start3A_181] : memref<16384x1024xf32, #tpu.memory_space<hbm>> -> memref<56x1024xf32, #tpu.memory_space<hbm>>
    %dma_start3A_183 = arith.constant 0 : i32
    %dma_start3A_184 = tpu.memref_slice %arg4[%add3A_180, %dma_start3A_183] : memref<16384x1024xf32, #tpu.memory_space<hbm>> -> memref<56x1024xf32, #tpu.memory_space<hbm>>
    tpu.enqueue_dma source(%arg7 : memref<56x1024xf32, #tpu.memory_space<vmem>>) target(%dma_start3A_184 : memref<56x1024xf32, #tpu.memory_space<hbm>>) target_semaphore(%arg11 : memref<!tpu.dma_semaphore, #tpu.memory_space<semaphore_mem>>)
    %dma_wait3A_185 = arith.constant 0 : i32
    %dma_wait3A_186 = tpu.memref_slice %arg4[%add3A_180, %dma_wait3A_185] : memref<16384x1024xf32, #tpu.memory_space<hbm>> -> memref<56x1024xf32, #tpu.memory_space<hbm>>
    %dma_wait3A_187 = arith.constant 0 : i32
    %dma_wait3A_188 = tpu.memref_slice %arg4[%add3A_180, %dma_wait3A_187] : memref<16384x1024xf32, #tpu.memory_space<hbm>> -> memref<56x1024xf32, #tpu.memory_space<hbm>>
    tpu.wait_dma2 semaphore(%arg11 : memref<!tpu.dma_semaphore, #tpu.memory_space<semaphore_mem>>) src(%arg7 : memref<56x1024xf32, #tpu.memory_space<vmem>>) dst(%dma_wait3A_188 : memref<56x1024xf32, #tpu.memory_space<hbm>>)
    %dma_start3A_189 = arith.constant 0 : i32
    %dma_start3A_190 = arith.constant 0 : i32
    %dma_start3A_191 = tpu.memref_slice %arg7[%dma_start3A_189, %dma_start3A_190] : memref<56x1024xf32, #tpu.memory_space<vmem>> -> memref<8x1024xf32, #tpu.memory_space<vmem>>
    %dma_start3A_192 = arith.constant 504 : i32
    %dma_start3A_193 = tpu.memref_slice %arg5[%dma_start3A_192] : memref<512xi32, #tpu.memory_space<vmem>> -> memref<8xi32, #tpu.memory_space<vmem>>
    %dma_start3A_194 = arith.constant 0 : i32
    %dma_start3A_195 = arith.constant 0 : i32
    %dma_start3A_196 = tpu.memref_slice %arg3[%dma_start3A_194, %dma_start3A_195] : memref<100000x1024xf32, #tpu.memory_space<hbm>> -> memref<100000x1024xf32, #tpu.memory_space<hbm>>
    tpu.enqueue_indirect_dma source(%dma_start3A_196 : memref<100000x1024xf32, #tpu.memory_space<hbm>>) target(%dma_start3A_191 : memref<8x1024xf32, #tpu.memory_space<vmem>>) offsets(%dma_start3A_193 : memref<8xi32, #tpu.memory_space<vmem>>) semaphore(%arg9 : memref<!tpu.dma_semaphore, #tpu.memory_space<semaphore_mem>>)
    %dma_wait3A_197 = arith.constant 448 : i32
    %dma_wait3A_198 = tpu.memref_slice %arg5[%dma_wait3A_197] : memref<512xi32, #tpu.memory_space<vmem>> -> memref<56xi32, #tpu.memory_space<vmem>>
    %dma_wait3A_199 = arith.constant 0 : i32
    %dma_wait3A_200 = arith.constant 0 : i32
    %dma_wait3A_201 = tpu.memref_slice %arg3[%dma_wait3A_199, %dma_wait3A_200] : memref<100000x1024xf32, #tpu.memory_space<hbm>> -> memref<100000x1024xf32, #tpu.memory_space<hbm>>
    tpu.wait_indirect_dma semaphore(%arg8 : memref<!tpu.dma_semaphore, #tpu.memory_space<semaphore_mem>>) src(%dma_wait3A_201 : memref<100000x1024xf32, #tpu.memory_space<hbm>>) dst(%arg6 : memref<56x1024xf32, #tpu.memory_space<vmem>>)
    %parallel_loop3A_202 = arith.constant 0 : i32
    %parallel_loop3A_203 = arith.constant 3584 : i32
    %parallel_loop3A_204 = arith.constant 1 : i32
    scf.for %parallel_loop3A_248 = %parallel_loop3A_202 to %parallel_loop3A_203 step %parallel_loop3A_204  : i32 {
      %parallel_loop3A_249 = arith.constant 64 : i32
      %parallel_loop3A_250 = arith.divsi %parallel_loop3A_248, %parallel_loop3A_249 : i32
      %parallel_loop3A_251 = arith.constant 0 : i32
      %parallel_loop3A_252 = arith.cmpi sgt, %parallel_loop3A_248, %parallel_loop3A_251 : i32
      %parallel_loop3A_253 = arith.extui %parallel_loop3A_252 : i1 to i32
      %parallel_loop3A_254 = arith.constant 0 : i32
      %parallel_loop3A_255 = arith.cmpi slt, %parallel_loop3A_248, %parallel_loop3A_254 : i32
      %parallel_loop3A_256 = arith.extui %parallel_loop3A_255 : i1 to i32
      %parallel_loop3A_257 = arith.subi %parallel_loop3A_253, %parallel_loop3A_256 : i32
      %parallel_loop3A_258 = arith.constant 0 : i32
      %parallel_loop3A_259 = arith.cmpi sgt, %parallel_loop3A_249, %parallel_loop3A_258 : i32
      %parallel_loop3A_260 = arith.extui %parallel_loop3A_259 : i1 to i32
      %parallel_loop3A_261 = arith.constant 0 : i32
      %parallel_loop3A_262 = arith.cmpi slt, %parallel_loop3A_249, %parallel_loop3A_261 : i32
      %parallel_loop3A_263 = arith.extui %parallel_loop3A_262 : i1 to i32
      %parallel_loop3A_264 = arith.subi %parallel_loop3A_260, %parallel_loop3A_263 : i32
      %parallel_loop3A_265 = arith.cmpi ne, %parallel_loop3A_257, %parallel_loop3A_264 : i32
      %parallel_loop3A_266 = arith.remsi %parallel_loop3A_248, %parallel_loop3A_249 : i32
      %parallel_loop3A_267 = arith.constant 0 : i32
      %parallel_loop3A_268 = arith.cmpi ne, %parallel_loop3A_266, %parallel_loop3A_267 : i32
      %parallel_loop3A_269 = arith.andi %parallel_loop3A_265, %parallel_loop3A_268 : i1
      %parallel_loop3A_270 = arith.constant 1 : i32
      %parallel_loop3A_271 = arith.subi %parallel_loop3A_250, %parallel_loop3A_270 : i32
      %parallel_loop3A_272 = arith.select %parallel_loop3A_269, %parallel_loop3A_271, %parallel_loop3A_250 : i32
      %parallel_loop3A_273 = arith.constant 64 : i32
      %parallel_loop3A_274 = arith.constant 0 : i32
      %parallel_loop3A_275 = arith.cmpi eq, %parallel_loop3A_273, %parallel_loop3A_274 : i32
      %parallel_loop3A_276 = arith.constant 1 : i32
      %parallel_loop3A_277 = arith.select %parallel_loop3A_275, %parallel_loop3A_276, %parallel_loop3A_273 : i32
      %parallel_loop3A_278 = arith.remsi %parallel_loop3A_248, %parallel_loop3A_277 : i32
      %parallel_loop3A_279 = arith.constant 0 : i32
      %parallel_loop3A_280 = arith.cmpi ne, %parallel_loop3A_278, %parallel_loop3A_279 : i32
      %parallel_loop3A_281 = arith.constant 0 : i32
      %parallel_loop3A_282 = arith.cmpi slt, %parallel_loop3A_278, %parallel_loop3A_281 : i32
      %parallel_loop3A_283 = arith.constant 0 : i32
      %parallel_loop3A_284 = arith.cmpi slt, %parallel_loop3A_277, %parallel_loop3A_283 : i32
      %parallel_loop3A_285 = arith.xori %parallel_loop3A_282, %parallel_loop3A_284 : i1
      %parallel_loop3A_286 = arith.andi %parallel_loop3A_285, %parallel_loop3A_280 : i1
      %parallel_loop3A_287 = arith.addi %parallel_loop3A_278, %parallel_loop3A_277 : i32
      %parallel_loop3A_288 = arith.select %parallel_loop3A_286, %parallel_loop3A_287, %parallel_loop3A_278 : i32
      %parallel_loop3A_289 = arith.constant 16 : i32
      %parallel_loop3A_290 = arith.muli %parallel_loop3A_288, %parallel_loop3A_289 : i32
      %parallel_loop3A_291 = arith.index_cast %parallel_loop3A_272 : i32 to index
      %parallel_loop3A_292 = arith.index_cast %parallel_loop3A_290 : i32 to index
      %parallel_loop3A_293 = tpu.vector_load %arg6[%parallel_loop3A_291, %parallel_loop3A_292] {strides = array<i32>} : memref<56x1024xf32, #tpu.memory_space<vmem>>, vector<1x16xf32>,
      %parallel_loop3A_294 = vector.shape_cast %parallel_loop3A_293 : vector<1x16xf32> to vector<16xf32>
      %parallel_loop3A_295 = arith.constant 3.200000e+01 : f32
      %parallel_loop3A_296 = vector.broadcast %parallel_loop3A_295 : f32 to vector<16xf32>
      %parallel_loop3A_297 = arith.mulf %parallel_loop3A_294, %parallel_loop3A_296 : vector<16xf32>
      %parallel_loop3A_298 = arith.constant 16 : i32
      %parallel_loop3A_299 = arith.muli %parallel_loop3A_288, %parallel_loop3A_298 : i32
      %parallel_loop3A_300 = arith.index_cast %parallel_loop3A_272 : i32 to index
      %parallel_loop3A_301 = arith.index_cast %parallel_loop3A_299 : i32 to index
      %parallel_loop3A_302 = tpu.vector_load %arg6[%parallel_loop3A_300, %parallel_loop3A_301] {strides = array<i32>} : memref<56x1024xf32, #tpu.memory_space<vmem>>, vector<1x16xf32>,
      %parallel_loop3A_303 = vector.shape_cast %parallel_loop3A_302 : vector<1x16xf32> to vector<16xf32>
      %parallel_loop3A_304 = vector.shape_cast %parallel_loop3A_297 : vector<16xf32> to vector<1x16xf32>
      tpu.vector_store %arg6[%parallel_loop3A_300, %parallel_loop3A_301], %parallel_loop3A_304 {strides = array<i32>} : memref<56x1024xf32, #tpu.memory_space<vmem>>, vector<1x16xf32>,
    } {sc.loop_unroll_factor = 8 : i64, sc.parallel_access}
    %add3A_205 = arith.constant 448 : i32
    %add3A_206 = arith.addi %mul3A_2, %add3A_205 : i32
    %dma_start3A_207 = arith.constant 0 : i32
    %dma_start3A_208 = tpu.memref_slice %arg4[%add3A_206, %dma_start3A_207] : memref<16384x1024xf32, #tpu.memory_space<hbm>> -> memref<56x1024xf32, #tpu.memory_space<hbm>>
    %dma_start3A_209 = arith.constant 0 : i32
    %dma_start3A_210 = tpu.memref_slice %arg4[%add3A_206, %dma_start3A_209] : memref<16384x1024xf32, #tpu.memory_space<hbm>> -> memref<56x1024xf32, #tpu.memory_space<hbm>>
    tpu.enqueue_dma source(%arg6 : memref<56x1024xf32, #tpu.memory_space<vmem>>) target(%dma_start3A_210 : memref<56x1024xf32, #tpu.memory_space<hbm>>) target_semaphore(%arg10 : memref<!tpu.dma_semaphore, #tpu.memory_space<semaphore_mem>>)
    %dma_wait3A_211 = arith.constant 0 : i32
    %dma_wait3A_212 = arith.constant 0 : i32
    %dma_wait3A_213 = tpu.memref_slice %arg7[%dma_wait3A_211, %dma_wait3A_212] : memref<56x1024xf32, #tpu.memory_space<vmem>> -> memref<8x1024xf32, #tpu.memory_space<vmem>>
    %dma_wait3A_214 = arith.constant 504 : i32
    %dma_wait3A_215 = tpu.memref_slice %arg5[%dma_wait3A_214] : memref<512xi32, #tpu.memory_space<vmem>> -> memref<8xi32, #tpu.memory_space<vmem>>
    %dma_wait3A_216 = arith.constant 0 : i32
    %dma_wait3A_217 = arith.constant 0 : i32
    %dma_wait3A_218 = tpu.memref_slice %arg3[%dma_wait3A_216, %dma_wait3A_217] : memref<100000x1024xf32, #tpu.memory_space<hbm>> -> memref<100000x1024xf32, #tpu.memory_space<hbm>>
    tpu.wait_indirect_dma semaphore(%arg9 : memref<!tpu.dma_semaphore, #tpu.memory_space<semaphore_mem>>) src(%dma_wait3A_218 : memref<100000x1024xf32, #tpu.memory_space<hbm>>) dst(%dma_wait3A_213 : memref<8x1024xf32, #tpu.memory_space<vmem>>)
    %parallel_loop3A_219 = arith.constant 0 : i32
    %parallel_loop3A_220 = arith.constant 512 : i32
    %parallel_loop3A_221 = arith.constant 1 : i32
    scf.for %parallel_loop3A_248 = %parallel_loop3A_219 to %parallel_loop3A_220 step %parallel_loop3A_221  : i32 {
      %parallel_loop3A_249 = arith.constant 64 : i32
      %parallel_loop3A_250 = arith.divsi %parallel_loop3A_248, %parallel_loop3A_249 : i32
      %parallel_loop3A_251 = arith.constant 0 : i32
      %parallel_loop3A_252 = arith.cmpi sgt, %parallel_loop3A_248, %parallel_loop3A_251 : i32
      %parallel_loop3A_253 = arith.extui %parallel_loop3A_252 : i1 to i32
      %parallel_loop3A_254 = arith.constant 0 : i32
      %parallel_loop3A_255 = arith.cmpi slt, %parallel_loop3A_248, %parallel_loop3A_254 : i32
      %parallel_loop3A_256 = arith.extui %parallel_loop3A_255 : i1 to i32
      %parallel_loop3A_257 = arith.subi %parallel_loop3A_253, %parallel_loop3A_256 : i32
      %parallel_loop3A_258 = arith.constant 0 : i32
      %parallel_loop3A_259 = arith.cmpi sgt, %parallel_loop3A_249, %parallel_loop3A_258 : i32
      %parallel_loop3A_260 = arith.extui %parallel_loop3A_259 : i1 to i32
      %parallel_loop3A_261 = arith.constant 0 : i32
      %parallel_loop3A_262 = arith.cmpi slt, %parallel_loop3A_249, %parallel_loop3A_261 : i32
      %parallel_loop3A_263 = arith.extui %parallel_loop3A_262 : i1 to i32
      %parallel_loop3A_264 = arith.subi %parallel_loop3A_260, %parallel_loop3A_263 : i32
      %parallel_loop3A_265 = arith.cmpi ne, %parallel_loop3A_257, %parallel_loop3A_264 : i32
      %parallel_loop3A_266 = arith.remsi %parallel_loop3A_248, %parallel_loop3A_249 : i32
      %parallel_loop3A_267 = arith.constant 0 : i32
      %parallel_loop3A_268 = arith.cmpi ne, %parallel_loop3A_266, %parallel_loop3A_267 : i32
      %parallel_loop3A_269 = arith.andi %parallel_loop3A_265, %parallel_loop3A_268 : i1
      %parallel_loop3A_270 = arith.constant 1 : i32
      %parallel_loop3A_271 = arith.subi %parallel_loop3A_250, %parallel_loop3A_270 : i32
      %parallel_loop3A_272 = arith.select %parallel_loop3A_269, %parallel_loop3A_271, %parallel_loop3A_250 : i32
      %parallel_loop3A_273 = arith.constant 64 : i32
      %parallel_loop3A_274 = arith.constant 0 : i32
      %parallel_loop3A_275 = arith.cmpi eq, %parallel_loop3A_273, %parallel_loop3A_274 : i32
      %parallel_loop3A_276 = arith.constant 1 : i32
      %parallel_loop3A_277 = arith.select %parallel_loop3A_275, %parallel_loop3A_276, %parallel_loop3A_273 : i32
      %parallel_loop3A_278 = arith.remsi %parallel_loop3A_248, %parallel_loop3A_277 : i32
      %parallel_loop3A_279 = arith.constant 0 : i32
      %parallel_loop3A_280 = arith.cmpi ne, %parallel_loop3A_278, %parallel_loop3A_279 : i32
      %parallel_loop3A_281 = arith.constant 0 : i32
      %parallel_loop3A_282 = arith.cmpi slt, %parallel_loop3A_278, %parallel_loop3A_281 : i32
      %parallel_loop3A_283 = arith.constant 0 : i32
      %parallel_loop3A_284 = arith.cmpi slt, %parallel_loop3A_277, %parallel_loop3A_283 : i32
      %parallel_loop3A_285 = arith.xori %parallel_loop3A_282, %parallel_loop3A_284 : i1
      %parallel_loop3A_286 = arith.andi %parallel_loop3A_285, %parallel_loop3A_280 : i1
      %parallel_loop3A_287 = arith.addi %parallel_loop3A_278, %parallel_loop3A_277 : i32
      %parallel_loop3A_288 = arith.select %parallel_loop3A_286, %parallel_loop3A_287, %parallel_loop3A_278 : i32
      %parallel_loop3A_289 = arith.constant 16 : i32
      %parallel_loop3A_290 = arith.muli %parallel_loop3A_288, %parallel_loop3A_289 : i32
      %parallel_loop3A_291 = arith.index_cast %parallel_loop3A_272 : i32 to index
      %parallel_loop3A_292 = arith.index_cast %parallel_loop3A_290 : i32 to index
      %parallel_loop3A_293 = tpu.vector_load %arg7[%parallel_loop3A_291, %parallel_loop3A_292] {strides = array<i32>} : memref<56x1024xf32, #tpu.memory_space<vmem>>, vector<1x16xf32>,
      %parallel_loop3A_294 = vector.shape_cast %parallel_loop3A_293 : vector<1x16xf32> to vector<16xf32>
      %parallel_loop3A_295 = arith.constant 3.200000e+01 : f32
      %parallel_loop3A_296 = vector.broadcast %parallel_loop3A_295 : f32 to vector<16xf32>
      %parallel_loop3A_297 = arith.mulf %parallel_loop3A_294, %parallel_loop3A_296 : vector<16xf32>
      %parallel_loop3A_298 = arith.constant 16 : i32
      %parallel_loop3A_299 = arith.muli %parallel_loop3A_288, %parallel_loop3A_298 : i32
      %parallel_loop3A_300 = arith.index_cast %parallel_loop3A_272 : i32 to index
      %parallel_loop3A_301 = arith.index_cast %parallel_loop3A_299 : i32 to index
      %parallel_loop3A_302 = tpu.vector_load %arg7[%parallel_loop3A_300, %parallel_loop3A_301] {strides = array<i32>} : memref<56x1024xf32, #tpu.memory_space<vmem>>, vector<1x16xf32>,
      %parallel_loop3A_303 = vector.shape_cast %parallel_loop3A_302 : vector<1x16xf32> to vector<16xf32>
      %parallel_loop3A_304 = vector.shape_cast %parallel_loop3A_297 : vector<16xf32> to vector<1x16xf32>
      tpu.vector_store %arg7[%parallel_loop3A_300, %parallel_loop3A_301], %parallel_loop3A_304 {strides = array<i32>} : memref<56x1024xf32, #tpu.memory_space<vmem>>, vector<1x16xf32>,
    } {sc.loop_unroll_factor = 8 : i64, sc.parallel_access}
    %add3A_222 = arith.constant 504 : i32
    %add3A_223 = arith.addi %mul3A_2, %add3A_222 : i32
    %dma_start3A_224 = arith.constant 0 : i32
    %dma_start3A_225 = arith.constant 0 : i32
    %dma_start3A_226 = tpu.memref_slice %arg7[%dma_start3A_224, %dma_start3A_225] : memref<56x1024xf32, #tpu.memory_space<vmem>> -> memref<8x1024xf32, #tpu.memory_space<vmem>>
    %dma_start3A_227 = arith.constant 0 : i32
    %dma_start3A_228 = tpu.memref_slice %arg4[%add3A_223, %dma_start3A_227] : memref<16384x1024xf32, #tpu.memory_space<hbm>> -> memref<8x1024xf32, #tpu.memory_space<hbm>>
    %dma_start3A_229 = arith.constant 0 : i32
    %dma_start3A_230 = tpu.memref_slice %arg4[%add3A_223, %dma_start3A_229] : memref<16384x1024xf32, #tpu.memory_space<hbm>> -> memref<8x1024xf32, #tpu.memory_space<hbm>>
    %dma_start3A_231 = arith.constant 0 : i32
    %dma_start3A_232 = arith.constant 0 : i32
    %dma_start3A_233 = tpu.memref_slice %arg7[%dma_start3A_231, %dma_start3A_232] : memref<56x1024xf32, #tpu.memory_space<vmem>> -> memref<8x1024xf32, #tpu.memory_space<vmem>>
    tpu.enqueue_dma source(%dma_start3A_233 : memref<8x1024xf32, #tpu.memory_space<vmem>>) target(%dma_start3A_230 : memref<8x1024xf32, #tpu.memory_space<hbm>>) target_semaphore(%arg11 : memref<!tpu.dma_semaphore, #tpu.memory_space<semaphore_mem>>)
    %dma_wait3A_234 = arith.constant 0 : i32
    %dma_wait3A_235 = tpu.memref_slice %arg4[%add3A_206, %dma_wait3A_234] : memref<16384x1024xf32, #tpu.memory_space<hbm>> -> memref<56x1024xf32, #tpu.memory_space<hbm>>
    %dma_wait3A_236 = arith.constant 0 : i32
    %dma_wait3A_237 = tpu.memref_slice %arg4[%add3A_206, %dma_wait3A_236] : memref<16384x1024xf32, #tpu.memory_space<hbm>> -> memref<56x1024xf32, #tpu.memory_space<hbm>>
    tpu.wait_dma2 semaphore(%arg10 : memref<!tpu.dma_semaphore, #tpu.memory_space<semaphore_mem>>) src(%arg6 : memref<56x1024xf32, #tpu.memory_space<vmem>>) dst(%dma_wait3A_237 : memref<56x1024xf32, #tpu.memory_space<hbm>>)
    %dma_wait3A_238 = arith.constant 0 : i32
    %dma_wait3A_239 = arith.constant 0 : i32
    %dma_wait3A_240 = tpu.memref_slice %arg7[%dma_wait3A_238, %dma_wait3A_239] : memref<56x1024xf32, #tpu.memory_space<vmem>> -> memref<8x1024xf32, #tpu.memory_space<vmem>>
    %dma_wait3A_241 = arith.constant 0 : i32
    %dma_wait3A_242 = tpu.memref_slice %arg4[%add3A_223, %dma_wait3A_241] : memref<16384x1024xf32, #tpu.memory_space<hbm>> -> memref<8x1024xf32, #tpu.memory_space<hbm>>
    %dma_wait3A_243 = arith.constant 0 : i32
    %dma_wait3A_244 = tpu.memref_slice %arg4[%add3A_223, %dma_wait3A_243] : memref<16384x1024xf32, #tpu.memory_space<hbm>> -> memref<8x1024xf32, #tpu.memory_space<hbm>>
    %dma_wait3A_245 = arith.constant 0 : i32
    %dma_wait3A_246 = arith.constant 0 : i32
    %dma_wait3A_247 = tpu.memref_slice %arg7[%dma_wait3A_245, %dma_wait3A_246] : memref<56x1024xf32, #tpu.memory_space<vmem>> -> memref<8x1024xf32, #tpu.memory_space<vmem>>
    tpu.wait_dma2 semaphore(%arg11 : memref<!tpu.dma_semaphore, #tpu.memory_space<semaphore_mem>>) src(%dma_wait3A_247 : memref<8x1024xf32, #tpu.memory_space<vmem>>) dst(%dma_wait3A_244 : memref<8x1024xf32, #tpu.memory_space<hbm>>)
    return
  }
}

</mosaic_0001>

<sc_bundles>
// kernel: kernel.3.cloned.1.call-start
scs
__scs_entry_jumppad:
0x0: {  	(pc) =	sbr.rel $0x88, $3  }
0x1: {  	(tag) =	ssettag $0x0;
	lr =	simm.s32 $0x1  }
0x2: {  	[smem:$0x3F9F] =	sst lr;
	_ =	strace $0xD0000000  }
0x3: {  	_ = 	snop  }
0x4: {  	_ = 	snop  }
0x5: {  	_ = 	snop  }
0x6: {  	_ = 	snop  }
0x7: {  	_ = 	snop  }
__scs_overlays_trampoline_lowered:
0x8: {  	[smem:$0x3FAE] =	sst s0  }
0x9: {  	[smem:$0x3FAF] =	sst s1  }
0xa: {  	[smem:$0x3FB0] =	sst s2  }
0xb: {  	[smem:$0x3FB1] =	sst s3  }
0xc: {  	[smem:$0x3FB2] =	sst s4  }
0xd: {  	[smem:$0x3FB3] =	sst s5  }
0xe: {  	[smem:$0x3FB4] =	sst s6  }
0xf: {  	[smem:$0x3FB5] =	sst s7  }
0x10: {  	[smem:$0x3FB6] =	sst s8  }
0x11: {  	[smem:$0x3FB7] =	sst s9;
	s0 =	simm.s32 @!p0 $0x0  }
0x12: {  	s1 =	sld [smem:$0x3F9D];
	s0 =	simm.s32 @p0 $0x1  }
0x13: {  	[smem:$0x3FB8] =	sst s0;
	s0 =	simm.s32 @!p1 $0x0  }
0x14: {  	s2 =	sld [smem:$0x3F9C];
	s0 =	simm.s32 @p1 $0x1  }
0x15: {  	[smem:$0x3FB9] =	sst s0;
	s0 =	simm.s32 @!p2 $0x0  }
0x16: {  	s3 =	sld [smem:$0x3FDB];
	s0 =	simm.s32 @p2 $0x1  }
0x17: {  	s4 =	simm.s32 $0x1BF5;
	[smem:$0x3FBB] =	sst s0  }
0x18: {  	s0 =	sld [smem:$0x3F9E];
	_ =	swait.ge [sflag:s4], $0x0  }
0x19: {  	s7 =	sld [smem:$0x3F9F]  }
0x1a: {  	s8 =	sadd.s32 $0xFFFFE003, lr  }
0x1b: {  	s9 =	sadd.s32 $0xFFFFFEF7, lr;
	s5 =	simm.s32 $0xFFFFFFFF;
	p2 =	slt.u32 s8, $0xFFFFF086  }
0x1c: {  	p1 =	slt.u32 s9, $0xF7A;
	s5 =	simm.s32 @!p2 $0x0  }
0x1d: {  	s5 =	simm.s32 @p1 $0x1;
	p0 =	seq.s32 s7, s2  }
0x1e: {  	s7 =	smul.u32 @!p0 $0xF7A, s2;
	p2 =	seq.s32 @!p0 s5, $0x0  }
0x1f: {  	s9 =	smul.u32 $0xF7A, s1;
	s8 =	simm.s32 @!p0 $0x1BF5;
	p2 =	por !p2, p0  }
0x20: {  	[sflag:s8] =	ssyncset.s32 @!p0 $0xFFFFF086;
	s6 =	sadd.s32 @!p0 s3, s7;
	s7 =	simm.s32 @!p0 $0x108  }
0x21: {  	s3 =	sadd.s32 s3, s9;
	s6 =	sadd.s32 @!p0 $0x88, s6;
	s7 =	simm.s32 @p2 $0x1082  }
0x22: {  	[simem:s7], [sflag:s8] =	dma.local @!p0 [hbm:s6], $0xF7A  }
0x23: {  	s9 =	sor.u32 $0xD0000000, s2;
	s6 =	simm.s32 $0x108;
	_ =	swait.ge @!p0 [sflag:s8], $0x0  }
0x24: {  	s3 =	sadd.s32 $0x88, s3;
	s6 =	simm.s32 @!p1 $0x1082;
	[sflag:s4] =	ssyncset.s32 $0xFFFFF086  }
0x25: {  	[simem:s6], [sflag:s4] =	dma.local [hbm:s3], $0xF7A  }
0x26: {  	[smem:$0x3F9F] =	sst s1;
	(tag) =	ssettag s2;
	_ =	strace s9  }
0x27: {  	s1 =	sld [smem:$0x3FAF]  }
0x28: {  	s2 =	sld [smem:$0x3FB0]  }
0x29: {  	s4 =	sld [smem:$0x3FB2]  }
0x2a: {  	p0 =	seq.s32 s5, $0x0;
	s5 =	sld [smem:$0x3FB3]  }
0x2b: {  	s6 =	sld [smem:$0x3FB4]  }
0x2c: {  	s7 =	sld [smem:$0x3FB5]  }
0x2d: {  	s3 =	simm.s32 $0x108;
	s8 =	sld [smem:$0x3FB6]  }
0x2e: {  	s3 =	simm.s32 @!p0 $0x1082;
	s9 =	sld [smem:$0x3FB7]  }
0x2f: {  	lr =	sadd.s32 s0, s3;
	s0 =	sld [smem:$0x3FAE]  }
0x30: {  	s3 =	sld [smem:$0x3FB1]  }
0x31: {  	[smem:$0x3FBA] =	sst s10  }
0x32: {  	s10 =	sld [smem:$0x3FB8];
	_ =	sdelay $0x3  }
0x33: {  	p0 =	seq.s32 s10, $0x1;
	s10 =	sld [smem:$0x3FBA];
	_ =	sdelay $0x3  }
0x34: {  	[smem:$0x3FBA] =	sst s10  }
0x35: {  	s10 =	sld [smem:$0x3FB9];
	_ =	sdelay $0x3  }
0x36: {  	p1 =	seq.s32 s10, $0x1;
	s10 =	sld [smem:$0x3FBA];
	_ =	sdelay $0x3  }
0x37: {  	[smem:$0x3FBA] =	sst s10  }
0x38: {  	s10 =	sld [smem:$0x3FBB]  }
0x39: {  	_ = 	snop;
	(pc) =	sbr.ind lr, $3  }
0x3a: {  	_ = 	snop  }
0x3b: {  	_ = 	snop  }
0x3c: {  	p2 =	seq.s32 s10, $0x1;
	s10 =	sld [smem:$0x3FBA]  }
0x3d: {  	_ =	shalt  }
0x3e: {  	_ =	shalt  }
0x3f: {  	_ =	shalt  }
0x40: {  	_ =	shalt  }
0x41: {  	_ =	shalt  }
0x42: {  	_ =	shalt  }
0x43: {  	_ =	shalt  }
0x44: {  	_ =	shalt  }
0x45: {  	_ =	shalt  }
0x46: {  	_ =	shalt  }
0x47: {  	_ =	shalt  }
0x48: {  	_ =	shalt  }
0x49: {  	_ =	shalt  }
0x4a: {  	_ =	shalt  }
0x4b: {  	_ =	shalt  }
0x4c: {  	_ =	shalt  }
0x4d: {  	_ =	shalt  }
0x4e: {  	_ =	shalt  }
0x4f: {  	_ =	shalt  }
0x50: {  	_ =	shalt  }
0x51: {  	_ =	shalt  }
0x52: {  	_ =	shalt  }
0x53: {  	_ =	shalt  }
0x54: {  	_ =	shalt  }
0x55: {  	_ =	shalt  }
0x56: {  	_ =	shalt  }
0x57: {  	_ =	shalt  }
0x58: {  	_ =	shalt  }
0x59: {  	_ =	shalt  }
0x5a: {  	_ =	shalt  }
0x5b: {  	_ =	shalt  }
0x5c: {  	_ =	shalt  }
0x5d: {  	_ =	shalt  }
0x5e: {  	_ =	shalt  }
0x5f: {  	_ =	shalt  }
0x60: {  	_ =	shalt  }
0x61: {  	_ =	shalt  }
0x62: {  	_ =	shalt  }
0x63: {  	_ =	shalt  }
0x64: {  	_ =	shalt  }
0x65: {  	_ =	shalt  }
0x66: {  	_ =	shalt  }
0x67: {  	_ =	shalt  }
0x68: {  	_ =	shalt  }
0x69: {  	_ =	shalt  }
0x6a: {  	_ =	shalt  }
0x6b: {  	_ =	shalt  }
0x6c: {  	_ =	shalt  }
0x6d: {  	_ =	shalt  }
0x6e: {  	_ =	shalt  }
0x6f: {  	_ =	shalt  }
0x70: {  	_ =	shalt  }
0x71: {  	_ =	shalt  }
0x72: {  	_ =	shalt  }
0x73: {  	_ =	shalt  }
0x74: {  	_ =	shalt  }
0x75: {  	_ =	shalt  }
0x76: {  	_ =	shalt  }
0x77: {  	_ =	shalt  }
0x78: {  	_ =	shalt  }
0x79: {  	_ =	shalt  }
0x7a: {  	_ =	shalt  }
0x7b: {  	_ =	shalt  }
0x7c: {  	_ =	shalt  }
0x7d: {  	_ =	shalt  }
0x7e: {  	_ =	shalt  }
0x7f: {  	_ =	shalt  }
0x80: {  	_ =	shalt  }
0x81: {  	_ =	shalt  }
0x82: {  	_ =	shalt  }
0x83: {  	_ =	shalt  }
0x84: {  	_ =	shalt  }
0x85: {  	_ =	shalt  }
0x86: {  	_ =	shalt  }
0x87: {  	_ =	shalt  }
.Lfunc_end0:
.L_simem_size_0:
called_computation_lowered:
.L_overlay_start_0:
0x88: {  	s2 =	sld [smem:$0x3FD9]  }
0x89: {  	s3 =	sld [smem:$0x3FFE];
	_ =	sdelay $0x1  }
0x8a: {  	s1 =	srdreg.scid  }
0x8b: {  	s0 =	sand.u32 $0x1, s1  }
0x8c: {  	s17 =	sshll.u32 s0, $0xA;
	s2 =	sadd.s32 s3, s2  }
0x8d: {  	s2 =	sadd.s32 s2, s17  }
0x8e: {  	[smem:$0x3FC6] =	sst s2  }
0x8f: {  	_ = 	snop  }
0x90: {  	s2 =	sld [smem:$0x3FC8]  }
0x91: {  	s18 =	sld [smem:$0x3FD0];
	(tm) =	ssettm $0x1  }
0x92: {  	s4 =	sld [smem:$0x3FFB];
	_ =	sdelay $0x3  }
0x93: {  	_ =	strace s4  }
0x94: {  	s4 =	sld [smem:$0x3FFC];
	_ =	sdelay $0x3  }
0x95: {  	_ =	strace s4  }
0x96: {  	s4 =	sld [smem:$0x3FFD];
	_ =	sdelay $0x3  }
0x97: {  	_ =	strace s4  }
0x98: {  	_ =	strace $0x8FFFFFFF  }
0x99: {  	s19 =	sld [smem:$0x3FDB];
	_ =	sdelay $0x1  }
0x9a: {  	s5 =	simm.s32 $_scs_section_size  }
0x9b: {  	s6 =	simm.s32 $_size__tile_overlayer_lowered;
	s7 =	simm.s32 $_tile_overlayer_lowered  }
0x9c: {  	s22 =	simm.s32 $0x1BFF;
	s21 =	sshll.u32 s7, $0x1;
	s4 =	sadd.s32 s5, s19  }
0x9d: {  	s8 =	simm.s32 $0x0;
	s20 =	sshll.u32 s6, $0x1;
	s6 =	sadd.s32 s21, s4  }
0x9e: {  	[timem:s8], [sflag:s22] =	dma.local [hbm:s6], s20  }
0x9f: {  	_ =	swait.ge [sflag:s22], s20  }
0xa0: {  	s5 =	ssub.s32 $0x0, s20;
	[sflag:s22] =	ssyncset.done $0x0  }
0xa1: {  	[sflag:s22] =	ssyncadd.s32 s5;
	_ =	sdelay $0x1  }
0xa2: {  	s23 =	simm.s32 $0x1B8B  }
0xa3: {  	_ =	swait.ge [sflag:s23], $0x1  }
0xa4: {  	[sflag:s23] =	ssyncset.done $0x0  }
0xa5: {  	s25 =	simm.s32 $0x1B8E;
	s24 =	sld [smem:$0x3FFE];
	[sflag:s23] =	ssyncadd.s32 $0xFFFFFFFF  }
0xa6: {  	s26 =	simm.s32 $execute0_lowered;
	[smem:$0x3FD2] =	sst s25  }
0xa7: {  	s6 =	sshll.u32 s26, $0x1;
	_ =	strace $0x80000046;
	[dreg:$0x1] =	wrdreg $0xFFFFFFFF  }
0xa8: {  	s28 =	simm.s32 $_size_execute0_lowered;
	s4 =	sadd.s32 s4, s6;
	[dreg:$0x0] =	wrdreg $0x0  }
0xa9: {  	s6 =	sshll.u32 s28, $0x1;
	[dreg:$0x2] =	wrdreg s4  }
0xaa: {  	[dreg:$0x3] =	wrdreg s6  }
0xab: {  	[dreg:$0x4] =	wrdreg $0xC0  }
0xac: {  	_ =	task [dreg:s8], $0x5FFFF  }
0xad: {  	[dreg:$0x1] =	wrdreg $0xFFFFFFFF  }
0xae: {  	[dreg:$0x0] =	wrdreg $0x60  }
0xaf: {  	[dreg:$0x2] =	wrdreg s24  }
0xb0: {  	[dreg:$0x3] =	wrdreg s2  }
0xb1: {  	[dreg:$0x4] =	wrdreg s18  }
0xb2: {  	[dreg:$0x5] =	wrdreg $0x9  }
0xb3: {  	_ =	task.clear_ibuf [dreg:s8], $0x6FFFF;
	_ =	strace $0x90000046  }
0xb4: {  	s29 =	simm.s32 $0x9;
	_ =	strace $0x80000048  }
0xb5: {  	_ =	swait.ge [sflag:s29], $0x1  }
0xb6: {  	[sflag:s29] =	ssyncadd.s32 $0xFFFFFFFF  }
0xb7: {  	_ =	strace $0x90000048  }
0xb8: {  	_ =	sfence  }
0xb9: {  	s30 =	sld [smem:$0x0];
	_ =	sdelay $0x2  }
0xba: {  	s31 =	sshll.u32 s1, $0xD;
	s1 =	sshrl.u32 s1, $0x2  }
0xbb: {  	s3 =	sand.u32 $0x4000, s31;
	s1 =	sadd.s32 s1, s30  }
0xbc: {  	s0 =	sor.u32 s3, s0;
	s1 =	sshll.u32 s1, $0x11  }
0xbd: {  	s0 =	sor.u32 s1, s0  }
0xbe: {  	s0 =	sadd.s32 $0x8F2B, s0  }
0xbf: {  	[sflag:s0] =	ssyncadd.remote.s32 $0x1  }
0xc0: {  	_ =	sfence.sel $0xFFFF  }
0xc1: {  	[dreg:$0x0] =	wrdreg $0xFFFFFFFF;
	(pc) =	sbr.abs _section_cstart, $3  }
0xc2: {  	[dreg:$0x1] =	wrdreg $0xFFFFFFFF  }
0xc3: {  	_ =	task.clear_ibuf [dreg:s8], $0x2FFFF;
	_ =	strace $0x9FFFFFFF  }
0xc4: {  	(tm) =	ssettm $0x7FFFFFFF  }
0xc5: {  	_ =	shalt  }
tec
execute0_lowered:
.L_overlay_start_1:
0x0: {  	(tag) =	ssettag $0x1  }
0x1: {  	s0 =	rddreg [dreg:$0x0]  }
0x2: {  	s2 =	rddreg [dreg:$0x1]  }
0x3: {  	s1 =	srdreg.scid;
	s4 =	rddreg [dreg:$0x2]  }
0x4: {  	s3 =	stileid.u32;
	s14 =	simm.s32 $0x9A00;
	s15 =	simm.s32 $0xA200  }
0x5: {  	s16 =	simm.s32 $0xAA00;
	s17 =	simm.s32 $0xB200;
	s1 =	sand.u32 $0x1, s1  }
0x6: {  	s5 =	sshll.u32 s3, $0xA;
	s6 =	sshll.u32 s1, $0x9;
	s1 =	ssub.s32 $0x2, s1  }
0x7: {  	s3 =	simm.s32 $0x0;
	s6 =	sor.u32 s6, s5;
	s7 =	sshrl.u32 s1, $0x1  }
0x8: {  	[smem:$0x7FF] =	sst s3;
	s5 =	sshrl.u32 s6, $0x3;
	s1 =	ssub.s32 s1, s7  }
0x9: {  	_ =	strace $0x80000047;
	s0 =	sadd.s32 s5, s0;
	s26 =	smax.u32 s1, $0x1  }
0xa: {  	s18 =	sshll.u32 s6, $0x7;
	s0 =	sadd.s32 $0x400, s0;
	[dreg:$0xf] =	wrdreg s26  }
0xb: {  	s8 =	simm.s32 $0xC200;
	[dreg:$0x4] =	wrdreg s0;
	s0 =	sadd.s32 s4, s18  }
0xc: {  	s28 =	simm.s32 $0x1;
	s4 =	sadd.s32 $0x1C00, s0;
	[dreg:$0x5] =	wrdreg s0  }
0xd: {  	s29 =	simm.s32 $0x3;
	s19 =	sadd.s32 $0x3800, s0;
	[dreg:$0x6] =	wrdreg s4  }
0xe: {  	s30 =	simm.s32 $0x2;
	s20 =	sadd.s32 $0x5400, s0;
	[dreg:$0x7] =	wrdreg s19  }
0xf: {  	s31 =	simm.s32 $0x4;
	s21 =	sadd.s32 $0x7000, s0;
	[dreg:$0x8] =	wrdreg s20  }
0x10: {  	s6 =	sadd.s32 $0x200, s2;
	s22 =	sadd.s32 $0x8C00, s0;
	[dreg:$0x9] =	wrdreg s21  }
0x11: {  	s7 =	sadd.s32 $0x300, s2;
	s23 =	sadd.s32 $0xA800, s0;
	[dreg:$0xa] =	wrdreg s22  }
0x12: {  	s5 =	sadd.s32 $0x100, s2;
	s24 =	sadd.s32 $0xC400, s0;
	[dreg:$0xb] =	wrdreg s23  }
0x13: {  	s26 =	simm.s32 $0xFA00;
	s25 =	sadd.s32 $0xE000, s0;
	[dreg:$0xc] =	wrdreg s24  }
0x14: {  	s18 =	simm.s32 $0xBA00;
	s0 =	sadd.s32 $0xFC00, s0;
	[dreg:$0xd] =	wrdreg s25  }
0x15: {  	v2 =	vlaneseq.u32;
	[dreg:$0xe] =	wrdreg s0;
	s20 =	simm.s32 $0x200;
	s19 =	simm.s32 $0xCA00  }
0x16: {  	vm0 =	vmmov $0xffff;
	v1 =	vshrl.u32 v2, $0x3;
	s21 =	simm.s32 $0xD200;
	s22 =	simm.s32 $0xDA00;
	s23 =	simm.s32 $0xE200  }
0x17: {  	v0 =	vand.u32 $0x7, v2;
	v2 =	vor.u32 $0x8, v2;
	v1 =	vmul.u32 $0x8, v1;
	s24 =	simm.s32 $0xEA00;
	s25 =	simm.s32 $0xF200;
	s0 =	simm.s32 $0x0  }
.LBB2_1:
0x18: {  	s1 =	rddreg [dreg:$0x4];
	s10 =	simm.s32 $0x5  }
0x19: {  	[tilespmem:s3], [sflag:$0x5] =	stream.linear.gather [hbm4b:s1+s3], $0x200, $0x38;
	[tilespmem:$0x1C200] =	vst v63  }
0x1a: {  	_ =	swait.ge [sflag:s10], $0x200  }
0x1b: {  	[sflag:s10] =	ssyncset.done $0x0  }
0x1c: {  	[sflag:s10] =	ssyncadd.s32 $0xFFFFFE00  }
0x1d: {  	v3 =	vld [tilespmem:$0x0];
	_ =	sdelay $0x4  }
0x1e: {  	v4 =	vshll.u32 v3, $0x3  }
0x1f: {  	v3 =	vand.u32 $0x7, v3;
	v4 =	vand.u32 $0xFFFFFFC0, v4  }
0x20: {  	v3 =	vor.u32 v3, v4  }
0x21: {  	v4 =	vperm.xlane v3, v0;
	_ =	sdelay $0x1  }
0x22: {  	v4 =	vadd.s32 v1, v4;
	_ =	sdelay $0x4  }
0x23: {  	[tilespmem:s20], [sflag:$0x1] =	stream.indirect_vreg.gather [hbm4b:s2+s3], $0x80, v4, vm0, $0xb8;
	[tilespmem:$0x1C200] =	vst v63  }
0x24: {  	s11 =	simm.s32 $0xA00;
	v3 =	vperm.xlane v3, v2  }
0x25: {  	[tilespmem:s11], [sflag:$0x1] =	stream.indirect_vreg.gather [hbm4b:s5+s3], $0x80, v4, vm0, $0xb8;
	[tilespmem:$0x1C200] =	vst v63  }
0x26: {  	s12 =	simm.s32 $0x1200;
	v3 =	vadd.s32 v1, v3  }
0x27: {  	[tilespmem:s12], [sflag:$0x1] =	stream.indirect_vreg.gather [hbm4b:s6+s3], $0x80, v4, vm0, $0xb8;
	[tilespmem:$0x1C200] =	vst v63  }
0x28: {  	s13 =	simm.s32 $0x1A00  }
0x29: {  	[tilespmem:s13], [sflag:$0x1] =	stream.indirect_vreg.gather [hbm4b:s7+s3], $0x80, v4, vm0, $0xb8;
	[tilespmem:$0x1C200] =	vst v63  }
0x2a: {  	s4 =	simm.s32 $0x2200  }
0x2b: {  	[tilespmem:s4], [sflag:$0x1] =	stream.indirect_vreg.gather [hbm4b:s2+s3], $0x80, v3, vm0, $0xb8;
	[tilespmem:$0x1C200] =	vst v63  }
0x2c: {  	s9 =	simm.s32 $0x2A00  }
0x2d: {  	[tilespmem:s9], [sflag:$0x1] =	stream.indirect_vreg.gather [hbm4b:s5+s3], $0x80, v3, vm0, $0xb8;
	[tilespmem:$0x1C200] =	vst v63  }
0x2e: {  	s10 =	simm.s32 $0x3200  }
0x2f: {  	[tilespmem:s10], [sflag:$0x1] =	stream.indirect_vreg.gather [hbm4b:s6+s3], $0x80, v3, vm0, $0xb8;
	[tilespmem:$0x1C200] =	vst v63  }
0x30: {  	s11 =	simm.s32 $0x3A00  }
0x31: {  	[tilespmem:s11], [sflag:$0x1] =	stream.indirect_vreg.gather [hbm4b:s7+s3], $0x80, v3, vm0, $0xb8;
	[tilespmem:$0x1C200] =	vst v63  }
0x32: {  	v3 =	vld [tilespmem:$0x10];
	_ =	sdelay $0x4  }
0x33: {  	v4 =	vshll.u32 v3, $0x3  }
0x34: {  	v3 =	vand.u32 $0x7, v3;
	v4 =	vand.u32 $0xFFFFFFC0, v4  }
0x35: {  	v3 =	vor.u32 v3, v4  }
0x36: {  	v4 =	vperm.xlane v3, v0;
	_ =	sdelay $0x1  }
0x37: {  	v4 =	vadd.s32 v1, v4;
	_ =	sdelay $0x3  }
0x38: {  	s12 =	simm.s32 $0x4200  }
0x39: {  	[tilespmem:s12], [sflag:$0x1] =	stream.indirect_vreg.gather [hbm4b:s2+s3], $0x80, v4, vm0, $0xb8;
	[tilespmem:$0x1C200] =	vst v63  }
0x3a: {  	s13 =	simm.s32 $0x4A00;
	v3 =	vperm.xlane v3, v2  }
0x3b: {  	[tilespmem:s13], [sflag:$0x1] =	stream.indirect_vreg.gather [hbm4b:s5+s3], $0x80, v4, vm0, $0xb8;
	[tilespmem:$0x1C200] =	vst v63  }
0x3c: {  	s4 =	simm.s32 $0x5200;
	v3 =	vadd.s32 v1, v3  }
0x3d: {  	[tilespmem:s4], [sflag:$0x1] =	stream.indirect_vreg.gather [hbm4b:s6+s3], $0x80, v4, vm0, $0xb8;
	[tilespmem:$0x1C200] =	vst v63  }
0x3e: {  	s9 =	simm.s32 $0x5A00  }
0x3f: {  	[tilespmem:s9], [sflag:$0x1] =	stream.indirect_vreg.gather [hbm4b:s7+s3], $0x80, v4, vm0, $0xb8;
	[tilespmem:$0x1C200] =	vst v63  }
0x40: {  	s10 =	simm.s32 $0x6200  }
0x41: {  	[tilespmem:s10], [sflag:$0x1] =	stream.indirect_vreg.gather [hbm4b:s2+s3], $0x80, v3, vm0, $0xb8;
	[tilespmem:$0x1C200] =	vst v63  }
0x42: {  	s11 =	simm.s32 $0x6A00  }
0x43: {  	[tilespmem:s11], [sflag:$0x1] =	stream.indirect_vreg.gather [hbm4b:s5+s3], $0x80, v3, vm0, $0xb8;
	[tilespmem:$0x1C200] =	vst v63  }
0x44: {  	s12 =	simm.s32 $0x7200  }
0x45: {  	[tilespmem:s12], [sflag:$0x1] =	stream.indirect_vreg.gather [hbm4b:s6+s3], $0x80, v3, vm0, $0xb8;
	[tilespmem:$0x1C200] =	vst v63  }
0x46: {  	s13 =	simm.s32 $0x7A00  }
0x47: {  	[tilespmem:s13], [sflag:$0x1] =	stream.indirect_vreg.gather [hbm4b:s7+s3], $0x80, v3, vm0, $0xb8;
	[tilespmem:$0x1C200] =	vst v63  }
0x48: {  	v3 =	vld [tilespmem:$0x20];
	_ =	sdelay $0x4  }
0x49: {  	v4 =	vshll.u32 v3, $0x3  }
0x4a: {  	v3 =	vand.u32 $0x7, v3;
	v4 =	vand.u32 $0xFFFFFFC0, v4  }
0x4b: {  	v3 =	vor.u32 v3, v4  }
0x4c: {  	v4 =	vperm.xlane v3, v0;
	_ =	sdelay $0x1  }
0x4d: {  	v4 =	vadd.s32 v1, v4;
	_ =	sdelay $0x3  }
0x4e: {  	s4 =	simm.s32 $0x8200  }
0x4f: {  	[tilespmem:s4], [sflag:$0x1] =	stream.indirect_vreg.gather [hbm4b:s2+s3], $0x80, v4, vm0, $0xb8;
	[tilespmem:$0x1C200] =	vst v63  }
0x50: {  	s9 =	simm.s32 $0x8A00;
	v3 =	vperm.xlane v3, v2  }
0x51: {  	[tilespmem:s9], [sflag:$0x1] =	stream.indirect_vreg.gather [hbm4b:s5+s3], $0x80, v4, vm0, $0xb8;
	[tilespmem:$0x1C200] =	vst v63  }
0x52: {  	s10 =	simm.s32 $0x9200;
	v3 =	vadd.s32 v1, v3  }
0x53: {  	[tilespmem:s10], [sflag:$0x1] =	stream.indirect_vreg.gather [hbm4b:s6+s3], $0x80, v4, vm0, $0xb8;
	[tilespmem:$0x1C200] =	vst v63  }
0x54: {  	_ = 	snop  }
0x55: {  	[tilespmem:s14], [sflag:$0x1] =	stream.indirect_vreg.gather [hbm4b:s7+s3], $0x80, v4, vm0, $0xb8;
	[tilespmem:$0x1C200] =	vst v63  }
0x56: {  	_ = 	snop  }
0x57: {  	[tilespmem:s15], [sflag:$0x1] =	stream.indirect_vreg.gather [hbm4b:s2+s3], $0x80, v3, vm0, $0xb8;
	[tilespmem:$0x1C200] =	vst v63  }
0x58: {  	_ = 	snop  }
0x59: {  	[tilespmem:s16], [sflag:$0x1] =	stream.indirect_vreg.gather [hbm4b:s5+s3], $0x80, v3, vm0, $0xb8;
	[tilespmem:$0x1C200] =	vst v63  }
0x5a: {  	_ = 	snop  }
0x5b: {  	[tilespmem:s17], [sflag:$0x1] =	stream.indirect_vreg.gather [hbm4b:s6+s3], $0x80, v3, vm0, $0xb8;
	[tilespmem:$0x1C200] =	vst v63  }
0x5c: {  	_ = 	snop  }
0x5d: {  	[tilespmem:s18], [sflag:$0x1] =	stream.indirect_vreg.gather [hbm4b:s7+s3], $0x80, v3, vm0, $0xb8;
	[tilespmem:$0x1C200] =	vst v63  }
0x5e: {  	v3 =	vld.msk [tilespmem:$0x30], $0xff;
	_ =	sdelay $0x4  }
0x5f: {  	v4 =	vshll.u32 v3, $0x3  }
0x60: {  	v3 =	vand.u32 $0x7, v3;
	v4 =	vand.u32 $0xFFFFFFC0, v4  }
0x61: {  	v3 =	vor.u32 v3, v4  }
0x62: {  	v3 =	vperm.xlane v3, v0;
	_ =	sdelay $0x1  }
0x63: {  	v3 =	vadd.s32 v1, v3;
	_ =	sdelay $0x4  }
0x64: {  	[tilespmem:s8], [sflag:$0x1] =	stream.indirect_vreg.gather [hbm4b:s2+s3], $0x80, v3, vm0, $0xb8;
	[tilespmem:$0x1C200] =	vst v63  }
0x65: {  	_ = 	snop  }
0x66: {  	[tilespmem:s19], [sflag:$0x1] =	stream.indirect_vreg.gather [hbm4b:s5+s3], $0x80, v3, vm0, $0xb8;
	[tilespmem:$0x1C200] =	vst v63  }
0x67: {  	_ = 	snop  }
0x68: {  	[tilespmem:s21], [sflag:$0x1] =	stream.indirect_vreg.gather [hbm4b:s6+s3], $0x80, v3, vm0, $0xb8;
	[tilespmem:$0x1C200] =	vst v63  }
0x69: {  	_ = 	snop  }
0x6a: {  	[tilespmem:s22], [sflag:$0x1] =	stream.indirect_vreg.gather [hbm4b:s7+s3], $0x80, v3, vm0, $0xb8;
	[tilespmem:$0x1C200] =	vst v63  }
0x6b: {  	v3 =	vld [tilespmem:$0x38];
	_ =	sdelay $0x4  }
0x6c: {  	v4 =	vshll.u32 v3, $0x3  }
0x6d: {  	v3 =	vand.u32 $0x7, v3;
	v4 =	vand.u32 $0xFFFFFFC0, v4  }
0x6e: {  	v3 =	vor.u32 v3, v4  }
0x6f: {  	v4 =	vperm.xlane v3, v0;
	_ =	sdelay $0x1  }
0x70: {  	v4 =	vadd.s32 v1, v4;
	_ =	sdelay $0x4  }
0x71: {  	[tilespmem:s23], [sflag:$0x2] =	stream.indirect_vreg.gather [hbm4b:s2+s3], $0x80, v4, vm0, $0xb8;
	[tilespmem:$0x1C200] =	vst v63  }
0x72: {  	v3 =	vperm.xlane v3, v2  }
0x73: {  	[tilespmem:s24], [sflag:$0x2] =	stream.indirect_vreg.gather [hbm4b:s5+s3], $0x80, v4, vm0, $0xb8;
	[tilespmem:$0x1C200] =	vst v63  }
0x74: {  	v3 =	vadd.s32 v1, v3  }
0x75: {  	[tilespmem:s25], [sflag:$0x2] =	stream.indirect_vreg.gather [hbm4b:s6+s3], $0x80, v4, vm0, $0xb8;
	[tilespmem:$0x1C200] =	vst v63  }
0x76: {  	_ = 	snop  }
0x77: {  	[tilespmem:s26], [sflag:$0x2] =	stream.indirect_vreg.gather [hbm4b:s7+s3], $0x80, v4, vm0, $0xb8;
	[tilespmem:$0x1C200] =	vst v63  }
0x78: {  	s11 =	simm.s32 $0x10200  }
0x79: {  	[tilespmem:s11], [sflag:$0x2] =	stream.indirect_vreg.gather [hbm4b:s2+s3], $0x80, v3, vm0, $0xb8;
	[tilespmem:$0x1C200] =	vst v63  }
0x7a: {  	s12 =	simm.s32 $0x10A00  }
0x7b: {  	[tilespmem:s12], [sflag:$0x2] =	stream.indirect_vreg.gather [hbm4b:s5+s3], $0x80, v3, vm0, $0xb8;
	[tilespmem:$0x1C200] =	vst v63  }
0x7c: {  	s13 =	simm.s32 $0x11200  }
0x7d: {  	[tilespmem:s13], [sflag:$0x2] =	stream.indirect_vreg.gather [hbm4b:s6+s3], $0x80, v3, vm0, $0xb8;
	[tilespmem:$0x1C200] =	vst v63  }
0x7e: {  	s4 =	simm.s32 $0x11A00  }
0x7f: {  	[tilespmem:s4], [sflag:$0x2] =	stream.indirect_vreg.gather [hbm4b:s7+s3], $0x80, v3, vm0, $0xb8;
	[tilespmem:$0x1C200] =	vst v63  }
0x80: {  	v3 =	vld [tilespmem:$0x48];
	_ =	sdelay $0x4  }
0x81: {  	v4 =	vshll.u32 v3, $0x3  }
0x82: {  	v3 =	vand.u32 $0x7, v3;
	v4 =	vand.u32 $0xFFFFFFC0, v4  }
0x83: {  	v3 =	vor.u32 v3, v4  }
0x84: {  	v4 =	vperm.xlane v3, v0;
	_ =	sdelay $0x1  }
0x85: {  	v4 =	vadd.s32 v1, v4;
	_ =	sdelay $0x3  }
0x86: {  	s9 =	simm.s32 $0x12200  }
0x87: {  	[tilespmem:s9], [sflag:$0x2] =	stream.indirect_vreg.gather [hbm4b:s2+s3], $0x80, v4, vm0, $0xb8;
	[tilespmem:$0x1C200] =	vst v63  }
0x88: {  	s10 =	simm.s32 $0x12A00;
	v3 =	vperm.xlane v3, v2  }
0x89: {  	[tilespmem:s10], [sflag:$0x2] =	stream.indirect_vreg.gather [hbm4b:s5+s3], $0x80, v4, vm0, $0xb8;
	[tilespmem:$0x1C200] =	vst v63  }
0x8a: {  	s11 =	simm.s32 $0x13200;
	v3 =	vadd.s32 v1, v3  }
0x8b: {  	[tilespmem:s11], [sflag:$0x2] =	stream.indirect_vreg.gather [hbm4b:s6+s3], $0x80, v4, vm0, $0xb8;
	[tilespmem:$0x1C200] =	vst v63  }
0x8c: {  	s12 =	simm.s32 $0x13A00  }
0x8d: {  	[tilespmem:s12], [sflag:$0x2] =	stream.indirect_vreg.gather [hbm4b:s7+s3], $0x80, v4, vm0, $0xb8;
	[tilespmem:$0x1C200] =	vst v63  }
0x8e: {  	s13 =	simm.s32 $0x14200  }
0x8f: {  	[tilespmem:s13], [sflag:$0x2] =	stream.indirect_vreg.gather [hbm4b:s2+s3], $0x80, v3, vm0, $0xb8;
	[tilespmem:$0x1C200] =	vst v63  }
0x90: {  	s4 =	simm.s32 $0x14A00  }
0x91: {  	[tilespmem:s4], [sflag:$0x2] =	stream.indirect_vreg.gather [hbm4b:s5+s3], $0x80, v3, vm0, $0xb8;
	[tilespmem:$0x1C200] =	vst v63  }
0x92: {  	s9 =	simm.s32 $0x15200  }
0x93: {  	[tilespmem:s9], [sflag:$0x2] =	stream.indirect_vreg.gather [hbm4b:s6+s3], $0x80, v3, vm0, $0xb8;
	[tilespmem:$0x1C200] =	vst v63  }
0x94: {  	s10 =	simm.s32 $0x15A00  }
0x95: {  	[tilespmem:s10], [sflag:$0x2] =	stream.indirect_vreg.gather [hbm4b:s7+s3], $0x80, v3, vm0, $0xb8;
	[tilespmem:$0x1C200] =	vst v63  }
0x96: {  	v3 =	vld [tilespmem:$0x58];
	_ =	sdelay $0x4  }
0x97: {  	v4 =	vshll.u32 v3, $0x3  }
0x98: {  	v3 =	vand.u32 $0x7, v3;
	v4 =	vand.u32 $0xFFFFFFC0, v4  }
0x99: {  	v3 =	vor.u32 v3, v4  }
0x9a: {  	v4 =	vperm.xlane v3, v0;
	_ =	sdelay $0x1  }
0x9b: {  	v4 =	vadd.s32 v1, v4;
	_ =	sdelay $0x3  }
0x9c: {  	s11 =	simm.s32 $0x16200  }
0x9d: {  	[tilespmem:s11], [sflag:$0x2] =	stream.indirect_vreg.gather [hbm4b:s2+s3], $0x80, v4, vm0, $0xb8;
	[tilespmem:$0x1C200] =	vst v63  }
0x9e: {  	s12 =	simm.s32 $0x16A00;
	v3 =	vperm.xlane v3, v2  }
0x9f: {  	[tilespmem:s12], [sflag:$0x2] =	stream.indirect_vreg.gather [hbm4b:s5+s3], $0x80, v4, vm0, $0xb8;
	[tilespmem:$0x1C200] =	vst v63  }
0xa0: {  	s13 =	simm.s32 $0x17200;
	v3 =	vadd.s32 v1, v3  }
0xa1: {  	[tilespmem:s13], [sflag:$0x2] =	stream.indirect_vreg.gather [hbm4b:s6+s3], $0x80, v4, vm0, $0xb8;
	[tilespmem:$0x1C200] =	vst v63  }
0xa2: {  	s4 =	simm.s32 $0x17A00  }
0xa3: {  	[tilespmem:s4], [sflag:$0x2] =	stream.indirect_vreg.gather [hbm4b:s7+s3], $0x80, v4, vm0, $0xb8;
	[tilespmem:$0x1C200] =	vst v63  }
0xa4: {  	s9 =	simm.s32 $0x18200  }
0xa5: {  	[tilespmem:s9], [sflag:$0x2] =	stream.indirect_vreg.gather [hbm4b:s2+s3], $0x80, v3, vm0, $0xb8;
	[tilespmem:$0x1C200] =	vst v63  }
0xa6: {  	s10 =	simm.s32 $0x18A00  }
0xa7: {  	[tilespmem:s10], [sflag:$0x2] =	stream.indirect_vreg.gather [hbm4b:s5+s3], $0x80, v3, vm0, $0xb8;
	[tilespmem:$0x1C200] =	vst v63  }
0xa8: {  	s11 =	simm.s32 $0x19200  }
0xa9: {  	[tilespmem:s11], [sflag:$0x2] =	stream.indirect_vreg.gather [hbm4b:s6+s3], $0x80, v3, vm0, $0xb8;
	[tilespmem:$0x1C200] =	vst v63  }
0xaa: {  	s12 =	simm.s32 $0x19A00  }
0xab: {  	[tilespmem:s12], [sflag:$0x2] =	stream.indirect_vreg.gather [hbm4b:s7+s3], $0x80, v3, vm0, $0xb8;
	[tilespmem:$0x1C200] =	vst v63  }
0xac: {  	v3 =	vld.msk [tilespmem:$0x68], $0xff;
	_ =	sdelay $0x4  }
0xad: {  	v4 =	vshll.u32 v3, $0x3  }
0xae: {  	v3 =	vand.u32 $0x7, v3;
	v4 =	vand.u32 $0xFFFFFFC0, v4  }
0xaf: {  	v3 =	vor.u32 v3, v4  }
0xb0: {  	v3 =	vperm.xlane v3, v0;
	_ =	sdelay $0x1  }
0xb1: {  	v3 =	vadd.s32 v1, v3;
	_ =	sdelay $0x3  }
0xb2: {  	s13 =	simm.s32 $0x1A200  }
0xb3: {  	[tilespmem:s13], [sflag:$0x2] =	stream.indirect_vreg.gather [hbm4b:s2+s3], $0x80, v3, vm0, $0xb8;
	[tilespmem:$0x1C200] =	vst v63  }
0xb4: {  	s4 =	simm.s32 $0x1AA00  }
0xb5: {  	[tilespmem:s4], [sflag:$0x2] =	stream.indirect_vreg.gather [hbm4b:s5+s3], $0x80, v3, vm0, $0xb8;
	[tilespmem:$0x1C200] =	vst v63  }
0xb6: {  	s9 =	simm.s32 $0x1B200;
	s11 =	simm.s32 $0x0  }
0xb7: {  	[tilespmem:s9], [sflag:$0x2] =	stream.indirect_vreg.gather [hbm4b:s6+s3], $0x80, v3, vm0, $0xb8;
	[tilespmem:$0x1C200] =	vst v63  }
0xb8: {  	s10 =	simm.s32 $0x1BA00;
	s1 =	sand.u32 $0xE000, s11  }
0xb9: {  	[tilespmem:s10], [sflag:$0x2] =	stream.indirect_vreg.gather [hbm4b:s7+s3], $0x80, v3, vm0, $0xb8;
	[tilespmem:$0x1C200] =	vst v63  }
0xba: {  	s4 =	sand.u32 $0x1C00, s3;
	s9 =	simm.s32 $0x0;
	_ =	swait.ge [sflag:s28], $0xE000  }
0xbb: {  	s1 =	sor.u32 s4, s1;
	s9 =	sand.u32 $0x380, s9;
	[sflag:s28] =	ssyncset.done $0x0  }
0xbc: {  	s4 =	sor.u32 s1, s9;
	[sflag:s28] =	ssyncadd.s32 $0xFFFF2000  }
0xbd: {  	v3 =	vld [tilespmem:s4+$0x270]  }
0xbe: {  	v4 =	vld [tilespmem:s4+$0x200]  }
0xbf: {  	v5 =	vld [tilespmem:s4+$0x210]  }
0xc0: {  	v6 =	vld [tilespmem:s4+$0x220]  }
0xc1: {  	s12 =	simm.s32 $0x80;
	s9 =	simm.s32 $0x400;
	v8 =	vld [tilespmem:s4+$0x230]  }
0xc2: {  	s11 =	simm.s32 $0x10;
	s1 =	sand.u32 $0xE000, s12;
	s10 =	sand.u32 $0x1C00, s9;
	v10 =	vld [tilespmem:s4+$0x240];
	v3 =	vmul.f32 $3.200000000e+01, v3  }
0xc3: {  	s13 =	sand.u32 $0x380, s11;
	s1 =	sor.u32 s10, s1;
	v7 =	vld [tilespmem:s4+$0x250];
	v4 =	vmul.f32 $3.200000000e+01, v4  }
0xc4: {  	s1 =	sor.u32 s1, s13;
	v9 =	vmul.f32 $3.200000000e+01, v5;
	v5 =	vld [tilespmem:s4+$0x260];
	[tilespmem:s4+$0x270] =	vst v3  }
0xc5: {  	v11 =	vmul.f32 $3.200000000e+01, v6;
	v3 =	vld [tilespmem:s1+$0x270];
	[tilespmem:s4+$0x200] =	vst v4  }
0xc6: {  	v4 =	vld [tilespmem:s1+$0x200];
	[tilespmem:s4+$0x210] =	vst v9;
	v9 =	vmul.f32 $3.200000000e+01, v8  }
0xc7: {  	s10 =	simm.s32 $0x8;
	v6 =	vld [tilespmem:s1+$0x210];
	[tilespmem:s4+$0x220] =	vst v11;
	v8 =	vmul.f32 $3.200000000e+01, v10  }
.LBB2_2:
0xc8: {  	s10 =	sadd.s32 $0x8, s10;
	v10 =	vld [tilespmem:s1+$0x220];
	[tilespmem:s4+$0x230] =	vst v9;
	v7 =	vmul.f32 $3.200000000e+01, v7  }
0xc9: {  	s9 =	sadd.s32 $0x400, s9;
	s11 =	sshll.u32 s10, $0x4;
	p0 =	slt.u32 s10, $0xDF8;
	v9 =	vld [tilespmem:s1+$0x230];
	[tilespmem:s4+$0x240] =	vst v8;
	v5 =	vmul.f32 $3.200000000e+01, v5  }
0xca: {  	s12 =	sand.u32 $0x1C00, s9;
	s13 =	sshll.u32 s10, $0x1;
	s11 =	sand.u32 $0xE000, s11;
	v8 =	vld [tilespmem:s1+$0x240];
	v3 =	vmul.f32 $3.200000000e+01, v3;
	[tilespmem:s4+$0x250] =	vst v7  }
.Ltmp0:
0xcb: {  	s13 =	sand.u32 $0x380, s13;
	s11 =	sor.u32 s12, s11;
	v4 =	vmul.f32 $3.200000000e+01, v4;
	v7 =	vld [tilespmem:s1+$0x250];
	[tilespmem:s4+$0x260] =	vst v5;
	(pc) =	sbr.rel @p0 .LBB2_2-.Ltmp0, $4  }
0xcc: {  	s4 =	smov.u32 s1;
	v6 =	vmul.f32 $3.200000000e+01, v6;
	v5 =	vld [tilespmem:s1+$0x260];
	[tilespmem:s1+$0x270] =	vst v3;
	s1 =	sor.u32 s11, s13  }
0xcd: {  	v3 =	vld [tilespmem:s1+$0x270];
	[tilespmem:s4+$0x200] =	vst v4;
	v10 =	vmul.f32 $3.200000000e+01, v10  }
0xce: {  	v4 =	vld [tilespmem:s1+$0x200];
	[tilespmem:s4+$0x210] =	vst v6;
	v9 =	vmul.f32 $3.200000000e+01, v9  }
0xcf: {  	v6 =	vld [tilespmem:s1+$0x210];
	[tilespmem:s4+$0x220] =	vst v10;
	v8 =	vmul.f32 $3.200000000e+01, v8  }
0xd0: {  	v10 =	vld [tilespmem:s1+$0x220];
	[tilespmem:s4+$0x230] =	vst v9;
	v7 =	vmul.f32 $3.200000000e+01, v7  }
0xd1: {  	v9 =	vld [tilespmem:s1+$0x230];
	[tilespmem:s4+$0x240] =	vst v8;
	v5 =	vmul.f32 $3.200000000e+01, v5  }
0xd2: {  	v8 =	vld [tilespmem:s1+$0x240];
	v3 =	vmul.f32 $3.200000000e+01, v3;
	[tilespmem:s4+$0x250] =	vst v7  }
0xd3: {  	v7 =	vld [tilespmem:s1+$0x250];
	v4 =	vmul.f32 $3.200000000e+01, v4;
	[tilespmem:s4+$0x260] =	vst v5  }
0xd4: {  	v5 =	vmul.f32 $3.200000000e+01, v6;
	v6 =	vld [tilespmem:s1+$0x260];
	[tilespmem:s1+$0x270] =	vst v3  }
0xd5: {  	[tilespmem:s1+$0x200] =	vst v4;
	v3 =	vmul.f32 $3.200000000e+01, v10  }
0xd6: {  	v4 =	vmul.f32 $3.200000000e+01, v9;
	[tilespmem:s1+$0x210] =	vst v5  }
0xd7: {  	[tilespmem:s1+$0x220] =	vst v3;
	v3 =	vmul.f32 $3.200000000e+01, v8  }
0xd8: {  	[tilespmem:s1+$0x230] =	vst v4;
	v4 =	vmul.f32 $3.200000000e+01, v7  }
0xd9: {  	[tilespmem:s1+$0x240] =	vst v3;
	v3 =	vmul.f32 $3.200000000e+01, v6  }
0xda: {  	[tilespmem:s1+$0x250] =	vst v4  }
0xdb: {  	[tilespmem:s1+$0x260] =	vst v3  }
0xdc: {  	s1 =	simm.s32 $0x0;
	s4 =	rddreg [dreg:$0x5]  }
0xdd: {  	[hbm4b:s4+s1] =	stream.linear.scatter [tilespmem:s20], [sflag:$0x3], $0xE000, $0x38;
	[tilespmem:$0x1C200] =	vst v63  }
0xde: {  	_ =	swait.ge [sflag:s29], $0xE000  }
0xdf: {  	[sflag:s29] =	ssyncset.done $0x0  }
0xe0: {  	[sflag:s29] =	ssyncadd.s32 $0xFFFF2000  }
0xe1: {  	v3 =	vld [tilespmem:$0x70];
	_ =	sdelay $0x4  }
0xe2: {  	v4 =	vshll.u32 v3, $0x3  }
0xe3: {  	v3 =	vand.u32 $0x7, v3;
	v4 =	vand.u32 $0xFFFFFFC0, v4  }
0xe4: {  	v3 =	vor.u32 v3, v4  }
0xe5: {  	v4 =	vperm.xlane v3, v0;
	_ =	sdelay $0x1  }
0xe6: {  	v4 =	vadd.s32 v1, v4;
	_ =	sdelay $0x4  }
0xe7: {  	[tilespmem:s20], [sflag:$0x1] =	stream.indirect_vreg.gather [hbm4b:s2+s1], $0x80, v4, vm0, $0xb8;
	[tilespmem:$0x1C200] =	vst v63  }
0xe8: {  	s13 =	simm.s32 $0xA00;
	v3 =	vperm.xlane v3, v2  }
0xe9: {  	[tilespmem:s13], [sflag:$0x1] =	stream.indirect_vreg.gather [hbm4b:s5+s1], $0x80, v4, vm0, $0xb8;
	[tilespmem:$0x1C200] =	vst v63  }
0xea: {  	s9 =	simm.s32 $0x1200;
	v3 =	vadd.s32 v1, v3  }
0xeb: {  	[tilespmem:s9], [sflag:$0x1] =	stream.indirect_vreg.gather [hbm4b:s6+s1], $0x80, v4, vm0, $0xb8;
	[tilespmem:$0x1C200] =	vst v63  }
0xec: {  	s10 =	simm.s32 $0x1A00  }
0xed: {  	[tilespmem:s10], [sflag:$0x1] =	stream.indirect_vreg.gather [hbm4b:s7+s1], $0x80, v4, vm0, $0xb8;
	[tilespmem:$0x1C200] =	vst v63  }
0xee: {  	s11 =	simm.s32 $0x2200  }
0xef: {  	[tilespmem:s11], [sflag:$0x1] =	stream.indirect_vreg.gather [hbm4b:s2+s1], $0x80, v3, vm0, $0xb8;
	[tilespmem:$0x1C200] =	vst v63  }
0xf0: {  	s12 =	simm.s32 $0x2A00  }
0xf1: {  	[tilespmem:s12], [sflag:$0x1] =	stream.indirect_vreg.gather [hbm4b:s5+s1], $0x80, v3, vm0, $0xb8;
	[tilespmem:$0x1C200] =	vst v63  }
0xf2: {  	s13 =	simm.s32 $0x3200  }
0xf3: {  	[tilespmem:s13], [sflag:$0x1] =	stream.indirect_vreg.gather [hbm4b:s6+s1], $0x80, v3, vm0, $0xb8;
	[tilespmem:$0x1C200] =	vst v63  }
0xf4: {  	s9 =	simm.s32 $0x3A00  }
0xf5: {  	[tilespmem:s9], [sflag:$0x1] =	stream.indirect_vreg.gather [hbm4b:s7+s1], $0x80, v3, vm0, $0xb8;
	[tilespmem:$0x1C200] =	vst v63  }
0xf6: {  	v3 =	vld [tilespmem:$0x80];
	_ =	sdelay $0x4  }
0xf7: {  	v4 =	vshll.u32 v3, $0x3  }
0xf8: {  	v3 =	vand.u32 $0x7, v3;
	v4 =	vand.u32 $0xFFFFFFC0, v4  }
0xf9: {  	v3 =	vor.u32 v3, v4  }
0xfa: {  	v4 =	vperm.xlane v3, v0;
	_ =	sdelay $0x1  }
0xfb: {  	v4 =	vadd.s32 v1, v4;
	_ =	sdelay $0x3  }
0xfc: {  	s10 =	simm.s32 $0x4200  }
0xfd: {  	[tilespmem:s10], [sflag:$0x1] =	stream.indirect_vreg.gather [hbm4b:s2+s1], $0x80, v4, vm0, $0xb8;
	[tilespmem:$0x1C200] =	vst v63  }
0xfe: {  	s11 =	simm.s32 $0x4A00;
	v3 =	vperm.xlane v3, v2  }
0xff: {  	[tilespmem:s11], [sflag:$0x1] =	stream.indirect_vreg.gather [hbm4b:s5+s1], $0x80, v4, vm0, $0xb8;
	[tilespmem:$0x1C200] =	vst v63  }
0x100: {  	s12 =	simm.s32 $0x5200;
	v3 =	vadd.s32 v1, v3  }
0x101: {  	[tilespmem:s12], [sflag:$0x1] =	stream.indirect_vreg.gather [hbm4b:s6+s1], $0x80, v4, vm0, $0xb8;
	[tilespmem:$0x1C200] =	vst v63  }
0x102: {  	s13 =	simm.s32 $0x5A00  }
0x103: {  	[tilespmem:s13], [sflag:$0x1] =	stream.indirect_vreg.gather [hbm4b:s7+s1], $0x80, v4, vm0, $0xb8;
	[tilespmem:$0x1C200] =	vst v63  }
0x104: {  	s9 =	simm.s32 $0x6200  }
0x105: {  	[tilespmem:s9], [sflag:$0x1] =	stream.indirect_vreg.gather [hbm4b:s2+s1], $0x80, v3, vm0, $0xb8;
	[tilespmem:$0x1C200] =	vst v63  }
0x106: {  	s10 =	simm.s32 $0x6A00  }
0x107: {  	[tilespmem:s10], [sflag:$0x1] =	stream.indirect_vreg.gather [hbm4b:s5+s1], $0x80, v3, vm0, $0xb8;
	[tilespmem:$0x1C200] =	vst v63  }
0x108: {  	s11 =	simm.s32 $0x7200  }
0x109: {  	[tilespmem:s11], [sflag:$0x1] =	stream.indirect_vreg.gather [hbm4b:s6+s1], $0x80, v3, vm0, $0xb8;
	[tilespmem:$0x1C200] =	vst v63  }
0x10a: {  	s12 =	simm.s32 $0x7A00  }
0x10b: {  	[tilespmem:s12], [sflag:$0x1] =	stream.indirect_vreg.gather [hbm4b:s7+s1], $0x80, v3, vm0, $0xb8;
	[tilespmem:$0x1C200] =	vst v63  }
0x10c: {  	v3 =	vld [tilespmem:$0x90];
	_ =	sdelay $0x4  }
0x10d: {  	v4 =	vshll.u32 v3, $0x3  }
0x10e: {  	v3 =	vand.u32 $0x7, v3;
	v4 =	vand.u32 $0xFFFFFFC0, v4  }
0x10f: {  	v3 =	vor.u32 v3, v4  }
0x110: {  	v4 =	vperm.xlane v3, v0;
	_ =	sdelay $0x1  }
0x111: {  	v4 =	vadd.s32 v1, v4;
	_ =	sdelay $0x3  }
0x112: {  	s13 =	simm.s32 $0x8200  }
0x113: {  	[tilespmem:s13], [sflag:$0x1] =	stream.indirect_vreg.gather [hbm4b:s2+s1], $0x80, v4, vm0, $0xb8;
	[tilespmem:$0x1C200] =	vst v63  }
0x114: {  	s9 =	simm.s32 $0x8A00;
	v3 =	vperm.xlane v3, v2  }
0x115: {  	[tilespmem:s9], [sflag:$0x1] =	stream.indirect_vreg.gather [hbm4b:s5+s1], $0x80, v4, vm0, $0xb8;
	[tilespmem:$0x1C200] =	vst v63  }
0x116: {  	s10 =	simm.s32 $0x9200;
	v3 =	vadd.s32 v1, v3  }
0x117: {  	[tilespmem:s10], [sflag:$0x1] =	stream.indirect_vreg.gather [hbm4b:s6+s1], $0x80, v4, vm0, $0xb8;
	[tilespmem:$0x1C200] =	vst v63  }
0x118: {  	_ = 	snop  }
0x119: {  	[tilespmem:s14], [sflag:$0x1] =	stream.indirect_vreg.gather [hbm4b:s7+s1], $0x80, v4, vm0, $0xb8;
	[tilespmem:$0x1C200] =	vst v63  }
0x11a: {  	_ = 	snop  }
0x11b: {  	[tilespmem:s15], [sflag:$0x1] =	stream.indirect_vreg.gather [hbm4b:s2+s1], $0x80, v3, vm0, $0xb8;
	[tilespmem:$0x1C200] =	vst v63  }
0x11c: {  	_ = 	snop  }
0x11d: {  	[tilespmem:s16], [sflag:$0x1] =	stream.indirect_vreg.gather [hbm4b:s5+s1], $0x80, v3, vm0, $0xb8;
	[tilespmem:$0x1C200] =	vst v63  }
0x11e: {  	_ = 	snop  }
0x11f: {  	[tilespmem:s17], [sflag:$0x1] =	stream.indirect_vreg.gather [hbm4b:s6+s1], $0x80, v3, vm0, $0xb8;
	[tilespmem:$0x1C200] =	vst v63  }
0x120: {  	_ = 	snop  }
0x121: {  	[tilespmem:s18], [sflag:$0x1] =	stream.indirect_vreg.gather [hbm4b:s7+s1], $0x80, v3, vm0, $0xb8;
	[tilespmem:$0x1C200] =	vst v63  }
0x122: {  	v3 =	vld.msk [tilespmem:$0xA0], $0xff;
	_ =	sdelay $0x4  }
0x123: {  	v4 =	vshll.u32 v3, $0x3  }
0x124: {  	v3 =	vand.u32 $0x7, v3;
	v4 =	vand.u32 $0xFFFFFFC0, v4  }
0x125: {  	v3 =	vor.u32 v3, v4  }
0x126: {  	v3 =	vperm.xlane v3, v0;
	_ =	sdelay $0x1  }
0x127: {  	v3 =	vadd.s32 v1, v3;
	_ =	sdelay $0x4  }
0x128: {  	[tilespmem:s8], [sflag:$0x1] =	stream.indirect_vreg.gather [hbm4b:s2+s1], $0x80, v3, vm0, $0xb8;
	[tilespmem:$0x1C200] =	vst v63  }
0x129: {  	_ = 	snop  }
0x12a: {  	[tilespmem:s19], [sflag:$0x1] =	stream.indirect_vreg.gather [hbm4b:s5+s1], $0x80, v3, vm0, $0xb8;
	[tilespmem:$0x1C200] =	vst v63  }
0x12b: {  	s11 =	simm.s32 $0x0  }
0x12c: {  	[tilespmem:s21], [sflag:$0x1] =	stream.indirect_vreg.gather [hbm4b:s6+s1], $0x80, v3, vm0, $0xb8;
	[tilespmem:$0x1C200] =	vst v63  }
0x12d: {  	s4 =	sand.u32 $0xE000, s11  }
0x12e: {  	[tilespmem:s22], [sflag:$0x1] =	stream.indirect_vreg.gather [hbm4b:s7+s1], $0x80, v3, vm0, $0xb8;
	[tilespmem:$0x1C200] =	vst v63  }
0x12f: {  	s9 =	simm.s32 $0x0;
	s1 =	sand.u32 $0x1C00, s1;
	_ =	swait.ge [sflag:s30], $0xE000  }
0x130: {  	s9 =	sand.u32 $0x380, s9;
	s1 =	sor.u32 s1, s4;
	[sflag:s30] =	ssyncset.done $0x0  }
0x131: {  	s4 =	sor.u32 s9, s1;
	[sflag:s30] =	ssyncadd.s32 $0xFFFF2000  }
0x132: {  	v3 =	vld [tilespmem:s4+$0xE270]  }
0x133: {  	v4 =	vld [tilespmem:s4+$0xE200]  }
0x134: {  	v5 =	vld [tilespmem:s4+$0xE210]  }
0x135: {  	v6 =	vld [tilespmem:s4+$0xE220]  }
0x136: {  	s12 =	simm.s32 $0x80;
	s9 =	simm.s32 $0x400;
	v8 =	vld [tilespmem:s4+$0xE230]  }
0x137: {  	s11 =	simm.s32 $0x10;
	s1 =	sand.u32 $0xE000, s12;
	s10 =	sand.u32 $0x1C00, s9;
	v10 =	vld [tilespmem:s4+$0xE240];
	v3 =	vmul.f32 $3.200000000e+01, v3  }
0x138: {  	s13 =	sand.u32 $0x380, s11;
	s1 =	sor.u32 s10, s1;
	v7 =	vld [tilespmem:s4+$0xE250];
	v4 =	vmul.f32 $3.200000000e+01, v4  }
0x139: {  	s1 =	sor.u32 s13, s1;
	v9 =	vmul.f32 $3.200000000e+01, v5;
	v5 =	vld [tilespmem:s4+$0xE260];
	[tilespmem:s4+$0xE270] =	vst v3  }
0x13a: {  	v11 =	vmul.f32 $3.200000000e+01, v6;
	v3 =	vld [tilespmem:s1+$0xE270];
	[tilespmem:s4+$0xE200] =	vst v4  }
0x13b: {  	v4 =	vld [tilespmem:s1+$0xE200];
	[tilespmem:s4+$0xE210] =	vst v9;
	v9 =	vmul.f32 $3.200000000e+01, v8  }
0x13c: {  	s10 =	simm.s32 $0x8;
	v6 =	vld [tilespmem:s1+$0xE210];
	[tilespmem:s4+$0xE220] =	vst v11;
	v8 =	vmul.f32 $3.200000000e+01, v10  }
.LBB2_4:
0x13d: {  	s10 =	sadd.s32 $0x8, s10;
	v10 =	vld [tilespmem:s1+$0xE220];
	[tilespmem:s4+$0xE230] =	vst v9;
	v7 =	vmul.f32 $3.200000000e+01, v7  }
0x13e: {  	s9 =	sadd.s32 $0x400, s9;
	s11 =	sshll.u32 s10, $0x4;
	p0 =	slt.u32 s10, $0xDF8;
	v9 =	vld [tilespmem:s1+$0xE230];
	[tilespmem:s4+$0xE240] =	vst v8;
	v5 =	vmul.f32 $3.200000000e+01, v5  }
0x13f: {  	s12 =	sand.u32 $0x1C00, s9;
	s13 =	sshll.u32 s10, $0x1;
	s11 =	sand.u32 $0xE000, s11;
	v8 =	vld [tilespmem:s1+$0xE240];
	v3 =	vmul.f32 $3.200000000e+01, v3;
	[tilespmem:s4+$0xE250] =	vst v7  }
.Ltmp1:
0x140: {  	s13 =	sand.u32 $0x380, s13;
	s11 =	sor.u32 s12, s11;
	v4 =	vmul.f32 $3.200000000e+01, v4;
	v7 =	vld [tilespmem:s1+$0xE250];
	[tilespmem:s4+$0xE260] =	vst v5;
	(pc) =	sbr.rel @p0 .LBB2_4-.Ltmp1, $4  }
0x141: {  	s4 =	smov.u32 s1;
	v6 =	vmul.f32 $3.200000000e+01, v6;
	v5 =	vld [tilespmem:s1+$0xE260];
	[tilespmem:s1+$0xE270] =	vst v3;
	s1 =	sor.u32 s13, s11  }
0x142: {  	v3 =	vld [tilespmem:s1+$0xE270];
	[tilespmem:s4+$0xE200] =	vst v4;
	v10 =	vmul.f32 $3.200000000e+01, v10  }
0x143: {  	v4 =	vld [tilespmem:s1+$0xE200];
	[tilespmem:s4+$0xE210] =	vst v6;
	v9 =	vmul.f32 $3.200000000e+01, v9  }
0x144: {  	v6 =	vld [tilespmem:s1+$0xE210];
	[tilespmem:s4+$0xE220] =	vst v10;
	v8 =	vmul.f32 $3.200000000e+01, v8  }
0x145: {  	v10 =	vld [tilespmem:s1+$0xE220];
	[tilespmem:s4+$0xE230] =	vst v9;
	v7 =	vmul.f32 $3.200000000e+01, v7  }
0x146: {  	v9 =	vld [tilespmem:s1+$0xE230];
	[tilespmem:s4+$0xE240] =	vst v8;
	v5 =	vmul.f32 $3.200000000e+01, v5  }
0x147: {  	v8 =	vld [tilespmem:s1+$0xE240];
	v3 =	vmul.f32 $3.200000000e+01, v3;
	[tilespmem:s4+$0xE250] =	vst v7  }
0x148: {  	v7 =	vld [tilespmem:s1+$0xE250];
	v4 =	vmul.f32 $3.200000000e+01, v4;
	[tilespmem:s4+$0xE260] =	vst v5  }
0x149: {  	v5 =	vmul.f32 $3.200000000e+01, v6;
	v6 =	vld [tilespmem:s1+$0xE260];
	[tilespmem:s1+$0xE270] =	vst v3  }
0x14a: {  	[tilespmem:s1+$0xE200] =	vst v4;
	v3 =	vmul.f32 $3.200000000e+01, v10  }
0x14b: {  	v4 =	vmul.f32 $3.200000000e+01, v9;
	[tilespmem:s1+$0xE210] =	vst v5  }
0x14c: {  	[tilespmem:s1+$0xE220] =	vst v3;
	v3 =	vmul.f32 $3.200000000e+01, v8  }
0x14d: {  	[tilespmem:s1+$0xE230] =	vst v4;
	v4 =	vmul.f32 $3.200000000e+01, v7  }
0x14e: {  	[tilespmem:s1+$0xE240] =	vst v3;
	v3 =	vmul.f32 $3.200000000e+01, v6  }
0x14f: {  	[tilespmem:s1+$0xE250] =	vst v4  }
0x150: {  	[tilespmem:s1+$0xE260] =	vst v3  }
0x151: {  	s1 =	simm.s32 $0x0;
	s4 =	rddreg [dreg:$0x6]  }
0x152: {  	[hbm4b:s4+s1] =	stream.linear.scatter [tilespmem:s23], [sflag:$0x4], $0xE000, $0x38;
	[tilespmem:$0x1C200] =	vst v63  }
0x153: {  	_ =	swait.ge [sflag:s31], $0xE000  }
0x154: {  	[sflag:s31] =	ssyncset.done $0x0  }
0x155: {  	[sflag:s31] =	ssyncadd.s32 $0xFFFF2000  }
0x156: {  	v3 =	vld [tilespmem:$0xA8];
	_ =	sdelay $0x4  }
0x157: {  	v4 =	vshll.u32 v3, $0x3  }
0x158: {  	v3 =	vand.u32 $0x7, v3;
	v4 =	vand.u32 $0xFFFFFFC0, v4  }
0x159: {  	v3 =	vor.u32 v3, v4  }
0x15a: {  	v4 =	vperm.xlane v3, v0;
	_ =	sdelay $0x1  }
0x15b: {  	v4 =	vadd.s32 v1, v4;
	_ =	sdelay $0x4  }
0x15c: {  	[tilespmem:s23], [sflag:$0x2] =	stream.indirect_vreg.gather [hbm4b:s2+s1], $0x80, v4, vm0, $0xb8;
	[tilespmem:$0x1C200] =	vst v63  }
0x15d: {  	v3 =	vperm.xlane v3, v2  }
0x15e: {  	[tilespmem:s24], [sflag:$0x2] =	stream.indirect_vreg.gather [hbm4b:s5+s1], $0x80, v4, vm0, $0xb8;
	[tilespmem:$0x1C200] =	vst v63  }
0x15f: {  	v3 =	vadd.s32 v1, v3  }
0x160: {  	[tilespmem:s25], [sflag:$0x2] =	stream.indirect_vreg.gather [hbm4b:s6+s1], $0x80, v4, vm0, $0xb8;
	[tilespmem:$0x1C200] =	vst v63  }
0x161: {  	_ = 	snop  }
0x162: {  	[tilespmem:s26], [sflag:$0x2] =	stream.indirect_vreg.gather [hbm4b:s7+s1], $0x80, v4, vm0, $0xb8;
	[tilespmem:$0x1C200] =	vst v63  }
0x163: {  	s12 =	simm.s32 $0x10200  }
0x164: {  	[tilespmem:s12], [sflag:$0x2] =	stream.indirect_vreg.gather [hbm4b:s2+s1], $0x80, v3, vm0, $0xb8;
	[tilespmem:$0x1C200] =	vst v63  }
0x165: {  	s13 =	simm.s32 $0x10A00  }
0x166: {  	[tilespmem:s13], [sflag:$0x2] =	stream.indirect_vreg.gather [hbm4b:s5+s1], $0x80, v3, vm0, $0xb8;
	[tilespmem:$0x1C200] =	vst v63  }
0x167: {  	s9 =	simm.s32 $0x11200  }
0x168: {  	[tilespmem:s9], [sflag:$0x2] =	stream.indirect_vreg.gather [hbm4b:s6+s1], $0x80, v3, vm0, $0xb8;
	[tilespmem:$0x1C200] =	vst v63  }
0x169: {  	s10 =	simm.s32 $0x11A00  }
0x16a: {  	[tilespmem:s10], [sflag:$0x2] =	stream.indirect_vreg.gather [hbm4b:s7+s1], $0x80, v3, vm0, $0xb8;
	[tilespmem:$0x1C200] =	vst v63  }
0x16b: {  	v3 =	vld [tilespmem:$0xB8];
	_ =	sdelay $0x4  }
0x16c: {  	v4 =	vshll.u32 v3, $0x3  }
0x16d: {  	v3 =	vand.u32 $0x7, v3;
	v4 =	vand.u32 $0xFFFFFFC0, v4  }
0x16e: {  	v3 =	vor.u32 v3, v4  }
0x16f: {  	v4 =	vperm.xlane v3, v0;
	_ =	sdelay $0x1  }
0x170: {  	v4 =	vadd.s32 v1, v4;
	_ =	sdelay $0x3  }
0x171: {  	s11 =	simm.s32 $0x12200  }
0x172: {  	[tilespmem:s11], [sflag:$0x2] =	stream.indirect_vreg.gather [hbm4b:s2+s1], $0x80, v4, vm0, $0xb8;
	[tilespmem:$0x1C200] =	vst v63  }
0x173: {  	s12 =	simm.s32 $0x12A00;
	v3 =	vperm.xlane v3, v2  }
0x174: {  	[tilespmem:s12], [sflag:$0x2] =	stream.indirect_vreg.gather [hbm4b:s5+s1], $0x80, v4, vm0, $0xb8;
	[tilespmem:$0x1C200] =	vst v63  }
0x175: {  	s13 =	simm.s32 $0x13200;
	v3 =	vadd.s32 v1, v3  }
0x176: {  	[tilespmem:s13], [sflag:$0x2] =	stream.indirect_vreg.gather [hbm4b:s6+s1], $0x80, v4, vm0, $0xb8;
	[tilespmem:$0x1C200] =	vst v63  }
0x177: {  	s9 =	simm.s32 $0x13A00  }
0x178: {  	[tilespmem:s9], [sflag:$0x2] =	stream.indirect_vreg.gather [hbm4b:s7+s1], $0x80, v4, vm0, $0xb8;
	[tilespmem:$0x1C200] =	vst v63  }
0x179: {  	s10 =	simm.s32 $0x14200  }
0x17a: {  	[tilespmem:s10], [sflag:$0x2] =	stream.indirect_vreg.gather [hbm4b:s2+s1], $0x80, v3, vm0, $0xb8;
	[tilespmem:$0x1C200] =	vst v63  }
0x17b: {  	s11 =	simm.s32 $0x14A00  }
0x17c: {  	[tilespmem:s11], [sflag:$0x2] =	stream.indirect_vreg.gather [hbm4b:s5+s1], $0x80, v3, vm0, $0xb8;
	[tilespmem:$0x1C200] =	vst v63  }
0x17d: {  	s12 =	simm.s32 $0x15200  }
0x17e: {  	[tilespmem:s12], [sflag:$0x2] =	stream.indirect_vreg.gather [hbm4b:s6+s1], $0x80, v3, vm0, $0xb8;
	[tilespmem:$0x1C200] =	vst v63  }
0x17f: {  	s13 =	simm.s32 $0x15A00  }
0x180: {  	[tilespmem:s13], [sflag:$0x2] =	stream.indirect_vreg.gather [hbm4b:s7+s1], $0x80, v3, vm0, $0xb8;
	[tilespmem:$0x1C200] =	vst v63  }
0x181: {  	v3 =	vld [tilespmem:$0xC8];
	_ =	sdelay $0x4  }
0x182: {  	v4 =	vshll.u32 v3, $0x3  }
0x183: {  	v3 =	vand.u32 $0x7, v3;
	v4 =	vand.u32 $0xFFFFFFC0, v4  }
0x184: {  	v3 =	vor.u32 v3, v4  }
0x185: {  	v4 =	vperm.xlane v3, v0;
	_ =	sdelay $0x1  }
0x186: {  	v4 =	vadd.s32 v1, v4;
	_ =	sdelay $0x3  }
0x187: {  	s9 =	simm.s32 $0x16200  }
0x188: {  	[tilespmem:s9], [sflag:$0x2] =	stream.indirect_vreg.gather [hbm4b:s2+s1], $0x80, v4, vm0, $0xb8;
	[tilespmem:$0x1C200] =	vst v63  }
0x189: {  	s10 =	simm.s32 $0x16A00;
	v3 =	vperm.xlane v3, v2  }
0x18a: {  	[tilespmem:s10], [sflag:$0x2] =	stream.indirect_vreg.gather [hbm4b:s5+s1], $0x80, v4, vm0, $0xb8;
	[tilespmem:$0x1C200] =	vst v63  }
0x18b: {  	s11 =	simm.s32 $0x17200;
	v3 =	vadd.s32 v1, v3  }
0x18c: {  	[tilespmem:s11], [sflag:$0x2] =	stream.indirect_vreg.gather [hbm4b:s6+s1], $0x80, v4, vm0, $0xb8;
	[tilespmem:$0x1C200] =	vst v63  }
0x18d: {  	s12 =	simm.s32 $0x17A00  }
0x18e: {  	[tilespmem:s12], [sflag:$0x2] =	stream.indirect_vreg.gather [hbm4b:s7+s1], $0x80, v4, vm0, $0xb8;
	[tilespmem:$0x1C200] =	vst v63  }
0x18f: {  	s13 =	simm.s32 $0x18200  }
0x190: {  	[tilespmem:s13], [sflag:$0x2] =	stream.indirect_vreg.gather [hbm4b:s2+s1], $0x80, v3, vm0, $0xb8;
	[tilespmem:$0x1C200] =	vst v63  }
0x191: {  	s9 =	simm.s32 $0x18A00  }
0x192: {  	[tilespmem:s9], [sflag:$0x2] =	stream.indirect_vreg.gather [hbm4b:s5+s1], $0x80, v3, vm0, $0xb8;
	[tilespmem:$0x1C200] =	vst v63  }
0x193: {  	s10 =	simm.s32 $0x19200  }
0x194: {  	[tilespmem:s10], [sflag:$0x2] =	stream.indirect_vreg.gather [hbm4b:s6+s1], $0x80, v3, vm0, $0xb8;
	[tilespmem:$0x1C200] =	vst v63  }
0x195: {  	s11 =	simm.s32 $0x19A00  }
0x196: {  	[tilespmem:s11], [sflag:$0x2] =	stream.indirect_vreg.gather [hbm4b:s7+s1], $0x80, v3, vm0, $0xb8;
	[tilespmem:$0x1C200] =	vst v63  }
0x197: {  	v3 =	vld.msk [tilespmem:$0xD8], $0xff;
	_ =	sdelay $0x4  }
0x198: {  	v4 =	vshll.u32 v3, $0x3  }
0x199: {  	v3 =	vand.u32 $0x7, v3;
	v4 =	vand.u32 $0xFFFFFFC0, v4  }
0x19a: {  	v3 =	vor.u32 v3, v4  }
0x19b: {  	v3 =	vperm.xlane v3, v0;
	_ =	sdelay $0x1  }
0x19c: {  	v3 =	vadd.s32 v1, v3;
	_ =	sdelay $0x3  }
0x19d: {  	s12 =	simm.s32 $0x1A200  }
0x19e: {  	[tilespmem:s12], [sflag:$0x2] =	stream.indirect_vreg.gather [hbm4b:s2+s1], $0x80, v3, vm0, $0xb8;
	[tilespmem:$0x1C200] =	vst v63  }
0x19f: {  	s13 =	simm.s32 $0x1AA00  }
0x1a0: {  	[tilespmem:s13], [sflag:$0x2] =	stream.indirect_vreg.gather [hbm4b:s5+s1], $0x80, v3, vm0, $0xb8;
	[tilespmem:$0x1C200] =	vst v63  }
0x1a1: {  	s9 =	simm.s32 $0x1B200;
	s11 =	simm.s32 $0x0  }
0x1a2: {  	[tilespmem:s9], [sflag:$0x2] =	stream.indirect_vreg.gather [hbm4b:s6+s1], $0x80, v3, vm0, $0xb8;
	[tilespmem:$0x1C200] =	vst v63  }
0x1a3: {  	s10 =	simm.s32 $0x1BA00;
	s4 =	sand.u32 $0xE000, s11  }
0x1a4: {  	[tilespmem:s10], [sflag:$0x2] =	stream.indirect_vreg.gather [hbm4b:s7+s1], $0x80, v3, vm0, $0xb8;
	[tilespmem:$0x1C200] =	vst v63  }
0x1a5: {  	s9 =	simm.s32 $0x0;
	s1 =	sand.u32 $0x1C00, s1;
	_ =	swait.ge [sflag:s28], $0xE000  }
0x1a6: {  	s9 =	sand.u32 $0x380, s9;
	s1 =	sor.u32 s1, s4;
	[sflag:s28] =	ssyncset.done $0x0  }
0x1a7: {  	s4 =	sor.u32 s1, s9;
	[sflag:s28] =	ssyncadd.s32 $0xFFFF2000  }
0x1a8: {  	v3 =	vld [tilespmem:s4+$0x270]  }
0x1a9: {  	v4 =	vld [tilespmem:s4+$0x200]  }
0x1aa: {  	v5 =	vld [tilespmem:s4+$0x210]  }
0x1ab: {  	v6 =	vld [tilespmem:s4+$0x220]  }
0x1ac: {  	s12 =	simm.s32 $0x80;
	s9 =	simm.s32 $0x400;
	v8 =	vld [tilespmem:s4+$0x230]  }
0x1ad: {  	s11 =	simm.s32 $0x10;
	s1 =	sand.u32 $0xE000, s12;
	s10 =	sand.u32 $0x1C00, s9;
	v10 =	vld [tilespmem:s4+$0x240];
	v3 =	vmul.f32 $3.200000000e+01, v3  }
0x1ae: {  	s13 =	sand.u32 $0x380, s11;
	s1 =	sor.u32 s10, s1;
	v7 =	vld [tilespmem:s4+$0x250];
	v4 =	vmul.f32 $3.200000000e+01, v4  }
0x1af: {  	s1 =	sor.u32 s1, s13;
	v9 =	vmul.f32 $3.200000000e+01, v5;
	v5 =	vld [tilespmem:s4+$0x260];
	[tilespmem:s4+$0x270] =	vst v3  }
0x1b0: {  	v11 =	vmul.f32 $3.200000000e+01, v6;
	v3 =	vld [tilespmem:s1+$0x270];
	[tilespmem:s4+$0x200] =	vst v4  }
0x1b1: {  	v4 =	vld [tilespmem:s1+$0x200];
	[tilespmem:s4+$0x210] =	vst v9;
	v9 =	vmul.f32 $3.200000000e+01, v8  }
0x1b2: {  	s10 =	simm.s32 $0x8;
	v6 =	vld [tilespmem:s1+$0x210];
	[tilespmem:s4+$0x220] =	vst v11;
	v8 =	vmul.f32 $3.200000000e+01, v10  }
.LBB2_6:
0x1b3: {  	s10 =	sadd.s32 $0x8, s10;
	v10 =	vld [tilespmem:s1+$0x220];
	[tilespmem:s4+$0x230] =	vst v9;
	v7 =	vmul.f32 $3.200000000e+01, v7  }
0x1b4: {  	s9 =	sadd.s32 $0x400, s9;
	s11 =	sshll.u32 s10, $0x4;
	p0 =	slt.u32 s10, $0xDF8;
	v9 =	vld [tilespmem:s1+$0x230];
	[tilespmem:s4+$0x240] =	vst v8;
	v5 =	vmul.f32 $3.200000000e+01, v5  }
0x1b5: {  	s12 =	sand.u32 $0x1C00, s9;
	s13 =	sshll.u32 s10, $0x1;
	s11 =	sand.u32 $0xE000, s11;
	v8 =	vld [tilespmem:s1+$0x240];
	v3 =	vmul.f32 $3.200000000e+01, v3;
	[tilespmem:s4+$0x250] =	vst v7  }
.Ltmp2:
0x1b6: {  	s13 =	sand.u32 $0x380, s13;
	s11 =	sor.u32 s12, s11;
	v4 =	vmul.f32 $3.200000000e+01, v4;
	v7 =	vld [tilespmem:s1+$0x250];
	[tilespmem:s4+$0x260] =	vst v5;
	(pc) =	sbr.rel @p0 .LBB2_6-.Ltmp2, $4  }
0x1b7: {  	s4 =	smov.u32 s1;
	v6 =	vmul.f32 $3.200000000e+01, v6;
	v5 =	vld [tilespmem:s1+$0x260];
	[tilespmem:s1+$0x270] =	vst v3;
	s1 =	sor.u32 s11, s13  }
0x1b8: {  	v3 =	vld [tilespmem:s1+$0x270];
	[tilespmem:s4+$0x200] =	vst v4;
	v10 =	vmul.f32 $3.200000000e+01, v10  }
0x1b9: {  	v4 =	vld [tilespmem:s1+$0x200];
	[tilespmem:s4+$0x210] =	vst v6;
	v9 =	vmul.f32 $3.200000000e+01, v9  }
0x1ba: {  	v6 =	vld [tilespmem:s1+$0x210];
	[tilespmem:s4+$0x220] =	vst v10;
	v8 =	vmul.f32 $3.200000000e+01, v8  }
0x1bb: {  	v10 =	vld [tilespmem:s1+$0x220];
	[tilespmem:s4+$0x230] =	vst v9;
	v7 =	vmul.f32 $3.200000000e+01, v7  }
0x1bc: {  	v9 =	vld [tilespmem:s1+$0x230];
	[tilespmem:s4+$0x240] =	vst v8;
	v5 =	vmul.f32 $3.200000000e+01, v5  }
0x1bd: {  	v8 =	vld [tilespmem:s1+$0x240];
	v3 =	vmul.f32 $3.200000000e+01, v3;
	[tilespmem:s4+$0x250] =	vst v7  }
0x1be: {  	v7 =	vld [tilespmem:s1+$0x250];
	v4 =	vmul.f32 $3.200000000e+01, v4;
	[tilespmem:s4+$0x260] =	vst v5  }
0x1bf: {  	v5 =	vmul.f32 $3.200000000e+01, v6;
	v6 =	vld [tilespmem:s1+$0x260];
	[tilespmem:s1+$0x270] =	vst v3  }
0x1c0: {  	[tilespmem:s1+$0x200] =	vst v4;
	v3 =	vmul.f32 $3.200000000e+01, v10  }
0x1c1: {  	v4 =	vmul.f32 $3.200000000e+01, v9;
	[tilespmem:s1+$0x210] =	vst v5  }
0x1c2: {  	[tilespmem:s1+$0x220] =	vst v3;
	v3 =	vmul.f32 $3.200000000e+01, v8  }
0x1c3: {  	[tilespmem:s1+$0x230] =	vst v4;
	v4 =	vmul.f32 $3.200000000e+01, v7  }
0x1c4: {  	[tilespmem:s1+$0x240] =	vst v3;
	v3 =	vmul.f32 $3.200000000e+01, v6  }
0x1c5: {  	[tilespmem:s1+$0x250] =	vst v4  }
0x1c6: {  	[tilespmem:s1+$0x260] =	vst v3  }
0x1c7: {  	s1 =	simm.s32 $0x0;
	s4 =	rddreg [dreg:$0x7]  }
0x1c8: {  	[hbm4b:s4+s1] =	stream.linear.scatter [tilespmem:s20], [sflag:$0x3], $0xE000, $0x38;
	[tilespmem:$0x1C200] =	vst v63  }
0x1c9: {  	_ =	swait.ge [sflag:s29], $0xE000  }
0x1ca: {  	[sflag:s29] =	ssyncset.done $0x0  }
0x1cb: {  	[sflag:s29] =	ssyncadd.s32 $0xFFFF2000  }
0x1cc: {  	v3 =	vld [tilespmem:$0xE0];
	_ =	sdelay $0x4  }
0x1cd: {  	v4 =	vshll.u32 v3, $0x3  }
0x1ce: {  	v3 =	vand.u32 $0x7, v3;
	v4 =	vand.u32 $0xFFFFFFC0, v4  }
0x1cf: {  	v3 =	vor.u32 v3, v4  }
0x1d0: {  	v4 =	vperm.xlane v3, v0;
	_ =	sdelay $0x1  }
0x1d1: {  	v4 =	vadd.s32 v1, v4;
	_ =	sdelay $0x4  }
0x1d2: {  	[tilespmem:s20], [sflag:$0x1] =	stream.indirect_vreg.gather [hbm4b:s2+s1], $0x80, v4, vm0, $0xb8;
	[tilespmem:$0x1C200] =	vst v63  }
0x1d3: {  	s13 =	simm.s32 $0xA00;
	v3 =	vperm.xlane v3, v2  }
0x1d4: {  	[tilespmem:s13], [sflag:$0x1] =	stream.indirect_vreg.gather [hbm4b:s5+s1], $0x80, v4, vm0, $0xb8;
	[tilespmem:$0x1C200] =	vst v63  }
0x1d5: {  	s9 =	simm.s32 $0x1200;
	v3 =	vadd.s32 v1, v3  }
0x1d6: {  	[tilespmem:s9], [sflag:$0x1] =	stream.indirect_vreg.gather [hbm4b:s6+s1], $0x80, v4, vm0, $0xb8;
	[tilespmem:$0x1C200] =	vst v63  }
0x1d7: {  	s10 =	simm.s32 $0x1A00  }
0x1d8: {  	[tilespmem:s10], [sflag:$0x1] =	stream.indirect_vreg.gather [hbm4b:s7+s1], $0x80, v4, vm0, $0xb8;
	[tilespmem:$0x1C200] =	vst v63  }
0x1d9: {  	s11 =	simm.s32 $0x2200  }
0x1da: {  	[tilespmem:s11], [sflag:$0x1] =	stream.indirect_vreg.gather [hbm4b:s2+s1], $0x80, v3, vm0, $0xb8;
	[tilespmem:$0x1C200] =	vst v63  }
0x1db: {  	s12 =	simm.s32 $0x2A00  }
0x1dc: {  	[tilespmem:s12], [sflag:$0x1] =	stream.indirect_vreg.gather [hbm4b:s5+s1], $0x80, v3, vm0, $0xb8;
	[tilespmem:$0x1C200] =	vst v63  }
0x1dd: {  	s13 =	simm.s32 $0x3200  }
0x1de: {  	[tilespmem:s13], [sflag:$0x1] =	stream.indirect_vreg.gather [hbm4b:s6+s1], $0x80, v3, vm0, $0xb8;
	[tilespmem:$0x1C200] =	vst v63  }
0x1df: {  	s9 =	simm.s32 $0x3A00  }
0x1e0: {  	[tilespmem:s9], [sflag:$0x1] =	stream.indirect_vreg.gather [hbm4b:s7+s1], $0x80, v3, vm0, $0xb8;
	[tilespmem:$0x1C200] =	vst v63  }
0x1e1: {  	v3 =	vld [tilespmem:$0xF0];
	_ =	sdelay $0x4  }
0x1e2: {  	v4 =	vshll.u32 v3, $0x3  }
0x1e3: {  	v3 =	vand.u32 $0x7, v3;
	v4 =	vand.u32 $0xFFFFFFC0, v4  }
0x1e4: {  	v3 =	vor.u32 v3, v4  }
0x1e5: {  	v4 =	vperm.xlane v3, v0;
	_ =	sdelay $0x1  }
0x1e6: {  	v4 =	vadd.s32 v1, v4;
	_ =	sdelay $0x3  }
0x1e7: {  	s10 =	simm.s32 $0x4200  }
0x1e8: {  	[tilespmem:s10], [sflag:$0x1] =	stream.indirect_vreg.gather [hbm4b:s2+s1], $0x80, v4, vm0, $0xb8;
	[tilespmem:$0x1C200] =	vst v63  }
0x1e9: {  	s11 =	simm.s32 $0x4A00;
	v3 =	vperm.xlane v3, v2  }
0x1ea: {  	[tilespmem:s11], [sflag:$0x1] =	stream.indirect_vreg.gather [hbm4b:s5+s1], $0x80, v4, vm0, $0xb8;
	[tilespmem:$0x1C200] =	vst v63  }
0x1eb: {  	s12 =	simm.s32 $0x5200;
	v3 =	vadd.s32 v1, v3  }
0x1ec: {  	[tilespmem:s12], [sflag:$0x1] =	stream.indirect_vreg.gather [hbm4b:s6+s1], $0x80, v4, vm0, $0xb8;
	[tilespmem:$0x1C200] =	vst v63  }
0x1ed: {  	s13 =	simm.s32 $0x5A00  }
0x1ee: {  	[tilespmem:s13], [sflag:$0x1] =	stream.indirect_vreg.gather [hbm4b:s7+s1], $0x80, v4, vm0, $0xb8;
	[tilespmem:$0x1C200] =	vst v63  }
0x1ef: {  	s9 =	simm.s32 $0x6200  }
0x1f0: {  	[tilespmem:s9], [sflag:$0x1] =	stream.indirect_vreg.gather [hbm4b:s2+s1], $0x80, v3, vm0, $0xb8;
	[tilespmem:$0x1C200] =	vst v63  }
0x1f1: {  	s10 =	simm.s32 $0x6A00  }
0x1f2: {  	[tilespmem:s10], [sflag:$0x1] =	stream.indirect_vreg.gather [hbm4b:s5+s1], $0x80, v3, vm0, $0xb8;
	[tilespmem:$0x1C200] =	vst v63  }
0x1f3: {  	s11 =	simm.s32 $0x7200  }
0x1f4: {  	[tilespmem:s11], [sflag:$0x1] =	stream.indirect_vreg.gather [hbm4b:s6+s1], $0x80, v3, vm0, $0xb8;
	[tilespmem:$0x1C200] =	vst v63  }
0x1f5: {  	s12 =	simm.s32 $0x7A00  }
0x1f6: {  	[tilespmem:s12], [sflag:$0x1] =	stream.indirect_vreg.gather [hbm4b:s7+s1], $0x80, v3, vm0, $0xb8;
	[tilespmem:$0x1C200] =	vst v63  }
0x1f7: {  	v3 =	vld [tilespmem:$0x100];
	_ =	sdelay $0x4  }
0x1f8: {  	v4 =	vshll.u32 v3, $0x3  }
0x1f9: {  	v3 =	vand.u32 $0x7, v3;
	v4 =	vand.u32 $0xFFFFFFC0, v4  }
0x1fa: {  	v3 =	vor.u32 v3, v4  }
0x1fb: {  	v4 =	vperm.xlane v3, v0;
	_ =	sdelay $0x1  }
0x1fc: {  	v4 =	vadd.s32 v1, v4;
	_ =	sdelay $0x3  }
0x1fd: {  	s13 =	simm.s32 $0x8200  }
0x1fe: {  	[tilespmem:s13], [sflag:$0x1] =	stream.indirect_vreg.gather [hbm4b:s2+s1], $0x80, v4, vm0, $0xb8;
	[tilespmem:$0x1C200] =	vst v63  }
0x1ff: {  	s9 =	simm.s32 $0x8A00;
	v3 =	vperm.xlane v3, v2  }
0x200: {  	[tilespmem:s9], [sflag:$0x1] =	stream.indirect_vreg.gather [hbm4b:s5+s1], $0x80, v4, vm0, $0xb8;
	[tilespmem:$0x1C200] =	vst v63  }
0x201: {  	s10 =	simm.s32 $0x9200;
	v3 =	vadd.s32 v1, v3  }
0x202: {  	[tilespmem:s10], [sflag:$0x1] =	stream.indirect_vreg.gather [hbm4b:s6+s1], $0x80, v4, vm0, $0xb8;
	[tilespmem:$0x1C200] =	vst v63  }
0x203: {  	_ = 	snop  }
0x204: {  	[tilespmem:s14], [sflag:$0x1] =	stream.indirect_vreg.gather [hbm4b:s7+s1], $0x80, v4, vm0, $0xb8;
	[tilespmem:$0x1C200] =	vst v63  }
0x205: {  	_ = 	snop  }
0x206: {  	[tilespmem:s15], [sflag:$0x1] =	stream.indirect_vreg.gather [hbm4b:s2+s1], $0x80, v3, vm0, $0xb8;
	[tilespmem:$0x1C200] =	vst v63  }
0x207: {  	_ = 	snop  }
0x208: {  	[tilespmem:s16], [sflag:$0x1] =	stream.indirect_vreg.gather [hbm4b:s5+s1], $0x80, v3, vm0, $0xb8;
	[tilespmem:$0x1C200] =	vst v63  }
0x209: {  	_ = 	snop  }
0x20a: {  	[tilespmem:s17], [sflag:$0x1] =	stream.indirect_vreg.gather [hbm4b:s6+s1], $0x80, v3, vm0, $0xb8;
	[tilespmem:$0x1C200] =	vst v63  }
0x20b: {  	_ = 	snop  }
0x20c: {  	[tilespmem:s18], [sflag:$0x1] =	stream.indirect_vreg.gather [hbm4b:s7+s1], $0x80, v3, vm0, $0xb8;
	[tilespmem:$0x1C200] =	vst v63  }
0x20d: {  	v3 =	vld.msk [tilespmem:$0x110], $0xff;
	_ =	sdelay $0x4  }
0x20e: {  	v4 =	vshll.u32 v3, $0x3  }
0x20f: {  	v3 =	vand.u32 $0x7, v3;
	v4 =	vand.u32 $0xFFFFFFC0, v4  }
0x210: {  	v3 =	vor.u32 v3, v4  }
0x211: {  	v3 =	vperm.xlane v3, v0;
	_ =	sdelay $0x1  }
0x212: {  	v3 =	vadd.s32 v1, v3;
	_ =	sdelay $0x4  }
0x213: {  	[tilespmem:s8], [sflag:$0x1] =	stream.indirect_vreg.gather [hbm4b:s2+s1], $0x80, v3, vm0, $0xb8;
	[tilespmem:$0x1C200] =	vst v63  }
0x214: {  	_ = 	snop  }
0x215: {  	[tilespmem:s19], [sflag:$0x1] =	stream.indirect_vreg.gather [hbm4b:s5+s1], $0x80, v3, vm0, $0xb8;
	[tilespmem:$0x1C200] =	vst v63  }
0x216: {  	s11 =	simm.s32 $0x0  }
0x217: {  	[tilespmem:s21], [sflag:$0x1] =	stream.indirect_vreg.gather [hbm4b:s6+s1], $0x80, v3, vm0, $0xb8;
	[tilespmem:$0x1C200] =	vst v63  }
0x218: {  	s4 =	sand.u32 $0xE000, s11  }
0x219: {  	[tilespmem:s22], [sflag:$0x1] =	stream.indirect_vreg.gather [hbm4b:s7+s1], $0x80, v3, vm0, $0xb8;
	[tilespmem:$0x1C200] =	vst v63  }
0x21a: {  	s9 =	simm.s32 $0x0;
	s1 =	sand.u32 $0x1C00, s1;
	_ =	swait.ge [sflag:s30], $0xE000  }
0x21b: {  	s9 =	sand.u32 $0x380, s9;
	s1 =	sor.u32 s1, s4;
	[sflag:s30] =	ssyncset.done $0x0  }
0x21c: {  	s4 =	sor.u32 s9, s1;
	[sflag:s30] =	ssyncadd.s32 $0xFFFF2000  }
0x21d: {  	v3 =	vld [tilespmem:s4+$0xE270]  }
0x21e: {  	v4 =	vld [tilespmem:s4+$0xE200]  }
0x21f: {  	v5 =	vld [tilespmem:s4+$0xE210]  }
0x220: {  	v6 =	vld [tilespmem:s4+$0xE220]  }
0x221: {  	s12 =	simm.s32 $0x80;
	s9 =	simm.s32 $0x400;
	v8 =	vld [tilespmem:s4+$0xE230]  }
0x222: {  	s11 =	simm.s32 $0x10;
	s1 =	sand.u32 $0xE000, s12;
	s10 =	sand.u32 $0x1C00, s9;
	v10 =	vld [tilespmem:s4+$0xE240];
	v3 =	vmul.f32 $3.200000000e+01, v3  }
0x223: {  	s13 =	sand.u32 $0x380, s11;
	s1 =	sor.u32 s10, s1;
	v7 =	vld [tilespmem:s4+$0xE250];
	v4 =	vmul.f32 $3.200000000e+01, v4  }
0x224: {  	s1 =	sor.u32 s13, s1;
	v9 =	vmul.f32 $3.200000000e+01, v5;
	v5 =	vld [tilespmem:s4+$0xE260];
	[tilespmem:s4+$0xE270] =	vst v3  }
0x225: {  	v11 =	vmul.f32 $3.200000000e+01, v6;
	v3 =	vld [tilespmem:s1+$0xE270];
	[tilespmem:s4+$0xE200] =	vst v4  }
0x226: {  	v4 =	vld [tilespmem:s1+$0xE200];
	[tilespmem:s4+$0xE210] =	vst v9;
	v9 =	vmul.f32 $3.200000000e+01, v8  }
0x227: {  	s10 =	simm.s32 $0x8;
	v6 =	vld [tilespmem:s1+$0xE210];
	[tilespmem:s4+$0xE220] =	vst v11;
	v8 =	vmul.f32 $3.200000000e+01, v10  }
.LBB2_8:
0x228: {  	s10 =	sadd.s32 $0x8, s10;
	v10 =	vld [tilespmem:s1+$0xE220];
	[tilespmem:s4+$0xE230] =	vst v9;
	v7 =	vmul.f32 $3.200000000e+01, v7  }
0x229: {  	s9 =	sadd.s32 $0x400, s9;
	s11 =	sshll.u32 s10, $0x4;
	p0 =	slt.u32 s10, $0xDF8;
	v9 =	vld [tilespmem:s1+$0xE230];
	[tilespmem:s4+$0xE240] =	vst v8;
	v5 =	vmul.f32 $3.200000000e+01, v5  }
0x22a: {  	s12 =	sand.u32 $0x1C00, s9;
	s13 =	sshll.u32 s10, $0x1;
	s11 =	sand.u32 $0xE000, s11;
	v8 =	vld [tilespmem:s1+$0xE240];
	v3 =	vmul.f32 $3.200000000e+01, v3;
	[tilespmem:s4+$0xE250] =	vst v7  }
.Ltmp3:
0x22b: {  	s13 =	sand.u32 $0x380, s13;
	s11 =	sor.u32 s12, s11;
	v4 =	vmul.f32 $3.200000000e+01, v4;
	v7 =	vld [tilespmem:s1+$0xE250];
	[tilespmem:s4+$0xE260] =	vst v5;
	(pc) =	sbr.rel @p0 .LBB2_8-.Ltmp3, $4  }
0x22c: {  	s4 =	smov.u32 s1;
	v6 =	vmul.f32 $3.200000000e+01, v6;
	v5 =	vld [tilespmem:s1+$0xE260];
	[tilespmem:s1+$0xE270] =	vst v3;
	s1 =	sor.u32 s13, s11  }
0x22d: {  	v3 =	vld [tilespmem:s1+$0xE270];
	[tilespmem:s4+$0xE200] =	vst v4;
	v10 =	vmul.f32 $3.200000000e+01, v10  }
0x22e: {  	v4 =	vld [tilespmem:s1+$0xE200];
	[tilespmem:s4+$0xE210] =	vst v6;
	v9 =	vmul.f32 $3.200000000e+01, v9  }
0x22f: {  	v6 =	vld [tilespmem:s1+$0xE210];
	[tilespmem:s4+$0xE220] =	vst v10;
	v8 =	vmul.f32 $3.200000000e+01, v8  }
0x230: {  	v10 =	vld [tilespmem:s1+$0xE220];
	[tilespmem:s4+$0xE230] =	vst v9;
	v7 =	vmul.f32 $3.200000000e+01, v7  }
0x231: {  	v9 =	vld [tilespmem:s1+$0xE230];
	[tilespmem:s4+$0xE240] =	vst v8;
	v5 =	vmul.f32 $3.200000000e+01, v5  }
0x232: {  	v8 =	vld [tilespmem:s1+$0xE240];
	v3 =	vmul.f32 $3.200000000e+01, v3;
	[tilespmem:s4+$0xE250] =	vst v7  }
0x233: {  	v7 =	vld [tilespmem:s1+$0xE250];
	v4 =	vmul.f32 $3.200000000e+01, v4;
	[tilespmem:s4+$0xE260] =	vst v5  }
0x234: {  	v5 =	vmul.f32 $3.200000000e+01, v6;
	v6 =	vld [tilespmem:s1+$0xE260];
	[tilespmem:s1+$0xE270] =	vst v3  }
0x235: {  	[tilespmem:s1+$0xE200] =	vst v4;
	v3 =	vmul.f32 $3.200000000e+01, v10  }
0x236: {  	v4 =	vmul.f32 $3.200000000e+01, v9;
	[tilespmem:s1+$0xE210] =	vst v5  }
0x237: {  	[tilespmem:s1+$0xE220] =	vst v3;
	v3 =	vmul.f32 $3.200000000e+01, v8  }
0x238: {  	[tilespmem:s1+$0xE230] =	vst v4;
	v4 =	vmul.f32 $3.200000000e+01, v7  }
0x239: {  	[tilespmem:s1+$0xE240] =	vst v3;
	v3 =	vmul.f32 $3.200000000e+01, v6  }
0x23a: {  	[tilespmem:s1+$0xE250] =	vst v4  }
0x23b: {  	[tilespmem:s1+$0xE260] =	vst v3  }
0x23c: {  	s1 =	simm.s32 $0x0;
	s4 =	rddreg [dreg:$0x8]  }
0x23d: {  	[hbm4b:s4+s1] =	stream.linear.scatter [tilespmem:s23], [sflag:$0x4], $0xE000, $0x38;
	[tilespmem:$0x1C200] =	vst v63  }
0x23e: {  	_ =	swait.ge [sflag:s31], $0xE000  }
0x23f: {  	[sflag:s31] =	ssyncset.done $0x0  }
0x240: {  	[sflag:s31] =	ssyncadd.s32 $0xFFFF2000  }
0x241: {  	v3 =	vld [tilespmem:$0x118];
	_ =	sdelay $0x4  }
0x242: {  	v4 =	vshll.u32 v3, $0x3  }
0x243: {  	v3 =	vand.u32 $0x7, v3;
	v4 =	vand.u32 $0xFFFFFFC0, v4  }
0x244: {  	v3 =	vor.u32 v3, v4  }
0x245: {  	v4 =	vperm.xlane v3, v0;
	_ =	sdelay $0x1  }
0x246: {  	v4 =	vadd.s32 v1, v4;
	_ =	sdelay $0x4  }
0x247: {  	[tilespmem:s23], [sflag:$0x2] =	stream.indirect_vreg.gather [hbm4b:s2+s1], $0x80, v4, vm0, $0xb8;
	[tilespmem:$0x1C200] =	vst v63  }
0x248: {  	v3 =	vperm.xlane v3, v2  }
0x249: {  	[tilespmem:s24], [sflag:$0x2] =	stream.indirect_vreg.gather [hbm4b:s5+s1], $0x80, v4, vm0, $0xb8;
	[tilespmem:$0x1C200] =	vst v63  }
0x24a: {  	v3 =	vadd.s32 v1, v3  }
0x24b: {  	[tilespmem:s25], [sflag:$0x2] =	stream.indirect_vreg.gather [hbm4b:s6+s1], $0x80, v4, vm0, $0xb8;
	[tilespmem:$0x1C200] =	vst v63  }
0x24c: {  	_ = 	snop  }
0x24d: {  	[tilespmem:s26], [sflag:$0x2] =	stream.indirect_vreg.gather [hbm4b:s7+s1], $0x80, v4, vm0, $0xb8;
	[tilespmem:$0x1C200] =	vst v63  }
0x24e: {  	s12 =	simm.s32 $0x10200  }
0x24f: {  	[tilespmem:s12], [sflag:$0x2] =	stream.indirect_vreg.gather [hbm4b:s2+s1], $0x80, v3, vm0, $0xb8;
	[tilespmem:$0x1C200] =	vst v63  }
0x250: {  	s13 =	simm.s32 $0x10A00  }
0x251: {  	[tilespmem:s13], [sflag:$0x2] =	stream.indirect_vreg.gather [hbm4b:s5+s1], $0x80, v3, vm0, $0xb8;
	[tilespmem:$0x1C200] =	vst v63  }
0x252: {  	s9 =	simm.s32 $0x11200  }
0x253: {  	[tilespmem:s9], [sflag:$0x2] =	stream.indirect_vreg.gather [hbm4b:s6+s1], $0x80, v3, vm0, $0xb8;
	[tilespmem:$0x1C200] =	vst v63  }
0x254: {  	s10 =	simm.s32 $0x11A00  }
0x255: {  	[tilespmem:s10], [sflag:$0x2] =	stream.indirect_vreg.gather [hbm4b:s7+s1], $0x80, v3, vm0, $0xb8;
	[tilespmem:$0x1C200] =	vst v63  }
0x256: {  	v3 =	vld [tilespmem:$0x128];
	_ =	sdelay $0x4  }
0x257: {  	v4 =	vshll.u32 v3, $0x3  }
0x258: {  	v3 =	vand.u32 $0x7, v3;
	v4 =	vand.u32 $0xFFFFFFC0, v4  }
0x259: {  	v3 =	vor.u32 v3, v4  }
0x25a: {  	v4 =	vperm.xlane v3, v0;
	_ =	sdelay $0x1  }
0x25b: {  	v4 =	vadd.s32 v1, v4;
	_ =	sdelay $0x3  }
0x25c: {  	s11 =	simm.s32 $0x12200  }
0x25d: {  	[tilespmem:s11], [sflag:$0x2] =	stream.indirect_vreg.gather [hbm4b:s2+s1], $0x80, v4, vm0, $0xb8;
	[tilespmem:$0x1C200] =	vst v63  }
0x25e: {  	s12 =	simm.s32 $0x12A00;
	v3 =	vperm.xlane v3, v2  }
0x25f: {  	[tilespmem:s12], [sflag:$0x2] =	stream.indirect_vreg.gather [hbm4b:s5+s1], $0x80, v4, vm0, $0xb8;
	[tilespmem:$0x1C200] =	vst v63  }
0x260: {  	s13 =	simm.s32 $0x13200;
	v3 =	vadd.s32 v1, v3  }
0x261: {  	[tilespmem:s13], [sflag:$0x2] =	stream.indirect_vreg.gather [hbm4b:s6+s1], $0x80, v4, vm0, $0xb8;
	[tilespmem:$0x1C200] =	vst v63  }
0x262: {  	s9 =	simm.s32 $0x13A00  }
0x263: {  	[tilespmem:s9], [sflag:$0x2] =	stream.indirect_vreg.gather [hbm4b:s7+s1], $0x80, v4, vm0, $0xb8;
	[tilespmem:$0x1C200] =	vst v63  }
0x264: {  	s10 =	simm.s32 $0x14200  }
0x265: {  	[tilespmem:s10], [sflag:$0x2] =	stream.indirect_vreg.gather [hbm4b:s2+s1], $0x80, v3, vm0, $0xb8;
	[tilespmem:$0x1C200] =	vst v63  }
0x266: {  	s11 =	simm.s32 $0x14A00  }
0x267: {  	[tilespmem:s11], [sflag:$0x2] =	stream.indirect_vreg.gather [hbm4b:s5+s1], $0x80, v3, vm0, $0xb8;
	[tilespmem:$0x1C200] =	vst v63  }
0x268: {  	s12 =	simm.s32 $0x15200  }
0x269: {  	[tilespmem:s12], [sflag:$0x2] =	stream.indirect_vreg.gather [hbm4b:s6+s1], $0x80, v3, vm0, $0xb8;
	[tilespmem:$0x1C200] =	vst v63  }
0x26a: {  	s13 =	simm.s32 $0x15A00  }
0x26b: {  	[tilespmem:s13], [sflag:$0x2] =	stream.indirect_vreg.gather [hbm4b:s7+s1], $0x80, v3, vm0, $0xb8;
	[tilespmem:$0x1C200] =	vst v63  }
0x26c: {  	v3 =	vld [tilespmem:$0x138];
	_ =	sdelay $0x4  }
0x26d: {  	v4 =	vshll.u32 v3, $0x3  }
0x26e: {  	v3 =	vand.u32 $0x7, v3;
	v4 =	vand.u32 $0xFFFFFFC0, v4  }
0x26f: {  	v3 =	vor.u32 v3, v4  }
0x270: {  	v4 =	vperm.xlane v3, v0;
	_ =	sdelay $0x1  }
0x271: {  	v4 =	vadd.s32 v1, v4;
	_ =	sdelay $0x3  }
0x272: {  	s9 =	simm.s32 $0x16200  }
0x273: {  	[tilespmem:s9], [sflag:$0x2] =	stream.indirect_vreg.gather [hbm4b:s2+s1], $0x80, v4, vm0, $0xb8;
	[tilespmem:$0x1C200] =	vst v63  }
0x274: {  	s10 =	simm.s32 $0x16A00;
	v3 =	vperm.xlane v3, v2  }
0x275: {  	[tilespmem:s10], [sflag:$0x2] =	stream.indirect_vreg.gather [hbm4b:s5+s1], $0x80, v4, vm0, $0xb8;
	[tilespmem:$0x1C200] =	vst v63  }
0x276: {  	s11 =	simm.s32 $0x17200;
	v3 =	vadd.s32 v1, v3  }
0x277: {  	[tilespmem:s11], [sflag:$0x2] =	stream.indirect_vreg.gather [hbm4b:s6+s1], $0x80, v4, vm0, $0xb8;
	[tilespmem:$0x1C200] =	vst v63  }
0x278: {  	s12 =	simm.s32 $0x17A00  }
0x279: {  	[tilespmem:s12], [sflag:$0x2] =	stream.indirect_vreg.gather [hbm4b:s7+s1], $0x80, v4, vm0, $0xb8;
	[tilespmem:$0x1C200] =	vst v63  }
0x27a: {  	s13 =	simm.s32 $0x18200  }
0x27b: {  	[tilespmem:s13], [sflag:$0x2] =	stream.indirect_vreg.gather [hbm4b:s2+s1], $0x80, v3, vm0, $0xb8;
	[tilespmem:$0x1C200] =	vst v63  }
0x27c: {  	s9 =	simm.s32 $0x18A00  }
0x27d: {  	[tilespmem:s9], [sflag:$0x2] =	stream.indirect_vreg.gather [hbm4b:s5+s1], $0x80, v3, vm0, $0xb8;
	[tilespmem:$0x1C200] =	vst v63  }
0x27e: {  	s10 =	simm.s32 $0x19200  }
0x27f: {  	[tilespmem:s10], [sflag:$0x2] =	stream.indirect_vreg.gather [hbm4b:s6+s1], $0x80, v3, vm0, $0xb8;
	[tilespmem:$0x1C200] =	vst v63  }
0x280: {  	s11 =	simm.s32 $0x19A00  }
0x281: {  	[tilespmem:s11], [sflag:$0x2] =	stream.indirect_vreg.gather [hbm4b:s7+s1], $0x80, v3, vm0, $0xb8;
	[tilespmem:$0x1C200] =	vst v63  }
0x282: {  	v3 =	vld.msk [tilespmem:$0x148], $0xff;
	_ =	sdelay $0x4  }
0x283: {  	v4 =	vshll.u32 v3, $0x3  }
0x284: {  	v3 =	vand.u32 $0x7, v3;
	v4 =	vand.u32 $0xFFFFFFC0, v4  }
0x285: {  	v3 =	vor.u32 v3, v4  }
0x286: {  	v3 =	vperm.xlane v3, v0;
	_ =	sdelay $0x1  }
0x287: {  	v3 =	vadd.s32 v1, v3;
	_ =	sdelay $0x3  }
0x288: {  	s12 =	simm.s32 $0x1A200  }
0x289: {  	[tilespmem:s12], [sflag:$0x2] =	stream.indirect_vreg.gather [hbm4b:s2+s1], $0x80, v3, vm0, $0xb8;
	[tilespmem:$0x1C200] =	vst v63  }
0x28a: {  	s13 =	simm.s32 $0x1AA00  }
0x28b: {  	[tilespmem:s13], [sflag:$0x2] =	stream.indirect_vreg.gather [hbm4b:s5+s1], $0x80, v3, vm0, $0xb8;
	[tilespmem:$0x1C200] =	vst v63  }
0x28c: {  	s9 =	simm.s32 $0x1B200;
	s11 =	simm.s32 $0x0  }
0x28d: {  	[tilespmem:s9], [sflag:$0x2] =	stream.indirect_vreg.gather [hbm4b:s6+s1], $0x80, v3, vm0, $0xb8;
	[tilespmem:$0x1C200] =	vst v63  }
0x28e: {  	s10 =	simm.s32 $0x1BA00;
	s4 =	sand.u32 $0xE000, s11  }
0x28f: {  	[tilespmem:s10], [sflag:$0x2] =	stream.indirect_vreg.gather [hbm4b:s7+s1], $0x80, v3, vm0, $0xb8;
	[tilespmem:$0x1C200] =	vst v63  }
0x290: {  	s9 =	simm.s32 $0x0;
	s1 =	sand.u32 $0x1C00, s1;
	_ =	swait.ge [sflag:s28], $0xE000  }
0x291: {  	s9 =	sand.u32 $0x380, s9;
	s1 =	sor.u32 s1, s4;
	[sflag:s28] =	ssyncset.done $0x0  }
0x292: {  	s4 =	sor.u32 s1, s9;
	[sflag:s28] =	ssyncadd.s32 $0xFFFF2000  }
0x293: {  	v3 =	vld [tilespmem:s4+$0x270]  }
0x294: {  	v4 =	vld [tilespmem:s4+$0x200]  }
0x295: {  	v5 =	vld [tilespmem:s4+$0x210]  }
0x296: {  	v6 =	vld [tilespmem:s4+$0x220]  }
0x297: {  	s12 =	simm.s32 $0x80;
	s9 =	simm.s32 $0x400;
	v8 =	vld [tilespmem:s4+$0x230]  }
0x298: {  	s11 =	simm.s32 $0x10;
	s1 =	sand.u32 $0xE000, s12;
	s10 =	sand.u32 $0x1C00, s9;
	v10 =	vld [tilespmem:s4+$0x240];
	v3 =	vmul.f32 $3.200000000e+01, v3  }
0x299: {  	s13 =	sand.u32 $0x380, s11;
	s1 =	sor.u32 s10, s1;
	v7 =	vld [tilespmem:s4+$0x250];
	v4 =	vmul.f32 $3.200000000e+01, v4  }
0x29a: {  	s1 =	sor.u32 s1, s13;
	v9 =	vmul.f32 $3.200000000e+01, v5;
	v5 =	vld [tilespmem:s4+$0x260];
	[tilespmem:s4+$0x270] =	vst v3  }
0x29b: {  	v11 =	vmul.f32 $3.200000000e+01, v6;
	v3 =	vld [tilespmem:s1+$0x270];
	[tilespmem:s4+$0x200] =	vst v4  }
0x29c: {  	v4 =	vld [tilespmem:s1+$0x200];
	[tilespmem:s4+$0x210] =	vst v9;
	v9 =	vmul.f32 $3.200000000e+01, v8  }
0x29d: {  	s10 =	simm.s32 $0x8;
	v6 =	vld [tilespmem:s1+$0x210];
	[tilespmem:s4+$0x220] =	vst v11;
	v8 =	vmul.f32 $3.200000000e+01, v10  }
.LBB2_10:
0x29e: {  	s10 =	sadd.s32 $0x8, s10;
	v10 =	vld [tilespmem:s1+$0x220];
	[tilespmem:s4+$0x230] =	vst v9;
	v7 =	vmul.f32 $3.200000000e+01, v7  }
0x29f: {  	s9 =	sadd.s32 $0x400, s9;
	s11 =	sshll.u32 s10, $0x4;
	p0 =	slt.u32 s10, $0xDF8;
	v9 =	vld [tilespmem:s1+$0x230];
	[tilespmem:s4+$0x240] =	vst v8;
	v5 =	vmul.f32 $3.200000000e+01, v5  }
0x2a0: {  	s12 =	sand.u32 $0x1C00, s9;
	s13 =	sshll.u32 s10, $0x1;
	s11 =	sand.u32 $0xE000, s11;
	v8 =	vld [tilespmem:s1+$0x240];
	v3 =	vmul.f32 $3.200000000e+01, v3;
	[tilespmem:s4+$0x250] =	vst v7  }
.Ltmp4:
0x2a1: {  	s13 =	sand.u32 $0x380, s13;
	s11 =	sor.u32 s12, s11;
	v4 =	vmul.f32 $3.200000000e+01, v4;
	v7 =	vld [tilespmem:s1+$0x250];
	[tilespmem:s4+$0x260] =	vst v5;
	(pc) =	sbr.rel @p0 .LBB2_10-.Ltmp4, $4  }
0x2a2: {  	s4 =	smov.u32 s1;
	v6 =	vmul.f32 $3.200000000e+01, v6;
	v5 =	vld [tilespmem:s1+$0x260];
	[tilespmem:s1+$0x270] =	vst v3;
	s1 =	sor.u32 s11, s13  }
0x2a3: {  	v3 =	vld [tilespmem:s1+$0x270];
	[tilespmem:s4+$0x200] =	vst v4;
	v10 =	vmul.f32 $3.200000000e+01, v10  }
0x2a4: {  	v4 =	vld [tilespmem:s1+$0x200];
	[tilespmem:s4+$0x210] =	vst v6;
	v9 =	vmul.f32 $3.200000000e+01, v9  }
0x2a5: {  	v6 =	vld [tilespmem:s1+$0x210];
	[tilespmem:s4+$0x220] =	vst v10;
	v8 =	vmul.f32 $3.200000000e+01, v8  }
0x2a6: {  	v10 =	vld [tilespmem:s1+$0x220];
	[tilespmem:s4+$0x230] =	vst v9;
	v7 =	vmul.f32 $3.200000000e+01, v7  }
0x2a7: {  	v9 =	vld [tilespmem:s1+$0x230];
	[tilespmem:s4+$0x240] =	vst v8;
	v5 =	vmul.f32 $3.200000000e+01, v5  }
0x2a8: {  	v8 =	vld [tilespmem:s1+$0x240];
	v3 =	vmul.f32 $3.200000000e+01, v3;
	[tilespmem:s4+$0x250] =	vst v7  }
0x2a9: {  	v7 =	vld [tilespmem:s1+$0x250];
	v4 =	vmul.f32 $3.200000000e+01, v4;
	[tilespmem:s4+$0x260] =	vst v5  }
0x2aa: {  	v5 =	vmul.f32 $3.200000000e+01, v6;
	v6 =	vld [tilespmem:s1+$0x260];
	[tilespmem:s1+$0x270] =	vst v3  }
0x2ab: {  	[tilespmem:s1+$0x200] =	vst v4;
	v3 =	vmul.f32 $3.200000000e+01, v10  }
0x2ac: {  	v4 =	vmul.f32 $3.200000000e+01, v9;
	[tilespmem:s1+$0x210] =	vst v5  }
0x2ad: {  	[tilespmem:s1+$0x220] =	vst v3;
	v3 =	vmul.f32 $3.200000000e+01, v8  }
0x2ae: {  	[tilespmem:s1+$0x230] =	vst v4;
	v4 =	vmul.f32 $3.200000000e+01, v7  }
0x2af: {  	[tilespmem:s1+$0x240] =	vst v3;
	v3 =	vmul.f32 $3.200000000e+01, v6  }
0x2b0: {  	[tilespmem:s1+$0x250] =	vst v4  }
0x2b1: {  	[tilespmem:s1+$0x260] =	vst v3  }
0x2b2: {  	s1 =	simm.s32 $0x0;
	s4 =	rddreg [dreg:$0x9]  }
0x2b3: {  	[hbm4b:s4+s1] =	stream.linear.scatter [tilespmem:s20], [sflag:$0x3], $0xE000, $0x38;
	[tilespmem:$0x1C200] =	vst v63  }
0x2b4: {  	_ =	swait.ge [sflag:s29], $0xE000  }
0x2b5: {  	[sflag:s29] =	ssyncset.done $0x0  }
0x2b6: {  	[sflag:s29] =	ssyncadd.s32 $0xFFFF2000  }
0x2b7: {  	v3 =	vld [tilespmem:$0x150];
	_ =	sdelay $0x4  }
0x2b8: {  	v4 =	vshll.u32 v3, $0x3  }
0x2b9: {  	v3 =	vand.u32 $0x7, v3;
	v4 =	vand.u32 $0xFFFFFFC0, v4  }
0x2ba: {  	v3 =	vor.u32 v3, v4  }
0x2bb: {  	v4 =	vperm.xlane v3, v0;
	_ =	sdelay $0x1  }
0x2bc: {  	v4 =	vadd.s32 v1, v4;
	_ =	sdelay $0x4  }
0x2bd: {  	[tilespmem:s20], [sflag:$0x1] =	stream.indirect_vreg.gather [hbm4b:s2+s1], $0x80, v4, vm0, $0xb8;
	[tilespmem:$0x1C200] =	vst v63  }
0x2be: {  	s13 =	simm.s32 $0xA00;
	v3 =	vperm.xlane v3, v2  }
0x2bf: {  	[tilespmem:s13], [sflag:$0x1] =	stream.indirect_vreg.gather [hbm4b:s5+s1], $0x80, v4, vm0, $0xb8;
	[tilespmem:$0x1C200] =	vst v63  }
0x2c0: {  	s9 =	simm.s32 $0x1200;
	v3 =	vadd.s32 v1, v3  }
0x2c1: {  	[tilespmem:s9], [sflag:$0x1] =	stream.indirect_vreg.gather [hbm4b:s6+s1], $0x80, v4, vm0, $0xb8;
	[tilespmem:$0x1C200] =	vst v63  }
0x2c2: {  	s10 =	simm.s32 $0x1A00  }
0x2c3: {  	[tilespmem:s10], [sflag:$0x1] =	stream.indirect_vreg.gather [hbm4b:s7+s1], $0x80, v4, vm0, $0xb8;
	[tilespmem:$0x1C200] =	vst v63  }
0x2c4: {  	s11 =	simm.s32 $0x2200  }
0x2c5: {  	[tilespmem:s11], [sflag:$0x1] =	stream.indirect_vreg.gather [hbm4b:s2+s1], $0x80, v3, vm0, $0xb8;
	[tilespmem:$0x1C200] =	vst v63  }
0x2c6: {  	s12 =	simm.s32 $0x2A00  }
0x2c7: {  	[tilespmem:s12], [sflag:$0x1] =	stream.indirect_vreg.gather [hbm4b:s5+s1], $0x80, v3, vm0, $0xb8;
	[tilespmem:$0x1C200] =	vst v63  }
0x2c8: {  	s13 =	simm.s32 $0x3200  }
0x2c9: {  	[tilespmem:s13], [sflag:$0x1] =	stream.indirect_vreg.gather [hbm4b:s6+s1], $0x80, v3, vm0, $0xb8;
	[tilespmem:$0x1C200] =	vst v63  }
0x2ca: {  	s9 =	simm.s32 $0x3A00  }
0x2cb: {  	[tilespmem:s9], [sflag:$0x1] =	stream.indirect_vreg.gather [hbm4b:s7+s1], $0x80, v3, vm0, $0xb8;
	[tilespmem:$0x1C200] =	vst v63  }
0x2cc: {  	v3 =	vld [tilespmem:$0x160];
	_ =	sdelay $0x4  }
0x2cd: {  	v4 =	vshll.u32 v3, $0x3  }
0x2ce: {  	v3 =	vand.u32 $0x7, v3;
	v4 =	vand.u32 $0xFFFFFFC0, v4  }
0x2cf: {  	v3 =	vor.u32 v3, v4  }
0x2d0: {  	v4 =	vperm.xlane v3, v0;
	_ =	sdelay $0x1  }
0x2d1: {  	v4 =	vadd.s32 v1, v4;
	_ =	sdelay $0x3  }
0x2d2: {  	s10 =	simm.s32 $0x4200  }
0x2d3: {  	[tilespmem:s10], [sflag:$0x1] =	stream.indirect_vreg.gather [hbm4b:s2+s1], $0x80, v4, vm0, $0xb8;
	[tilespmem:$0x1C200] =	vst v63  }
0x2d4: {  	s11 =	simm.s32 $0x4A00;
	v3 =	vperm.xlane v3, v2  }
0x2d5: {  	[tilespmem:s11], [sflag:$0x1] =	stream.indirect_vreg.gather [hbm4b:s5+s1], $0x80, v4, vm0, $0xb8;
	[tilespmem:$0x1C200] =	vst v63  }
0x2d6: {  	s12 =	simm.s32 $0x5200;
	v3 =	vadd.s32 v1, v3  }
0x2d7: {  	[tilespmem:s12], [sflag:$0x1] =	stream.indirect_vreg.gather [hbm4b:s6+s1], $0x80, v4, vm0, $0xb8;
	[tilespmem:$0x1C200] =	vst v63  }
0x2d8: {  	s13 =	simm.s32 $0x5A00  }
0x2d9: {  	[tilespmem:s13], [sflag:$0x1] =	stream.indirect_vreg.gather [hbm4b:s7+s1], $0x80, v4, vm0, $0xb8;
	[tilespmem:$0x1C200] =	vst v63  }
0x2da: {  	s9 =	simm.s32 $0x6200  }
0x2db: {  	[tilespmem:s9], [sflag:$0x1] =	stream.indirect_vreg.gather [hbm4b:s2+s1], $0x80, v3, vm0, $0xb8;
	[tilespmem:$0x1C200] =	vst v63  }
0x2dc: {  	s10 =	simm.s32 $0x6A00  }
0x2dd: {  	[tilespmem:s10], [sflag:$0x1] =	stream.indirect_vreg.gather [hbm4b:s5+s1], $0x80, v3, vm0, $0xb8;
	[tilespmem:$0x1C200] =	vst v63  }
0x2de: {  	s11 =	simm.s32 $0x7200  }
0x2df: {  	[tilespmem:s11], [sflag:$0x1] =	stream.indirect_vreg.gather [hbm4b:s6+s1], $0x80, v3, vm0, $0xb8;
	[tilespmem:$0x1C200] =	vst v63  }
0x2e0: {  	s12 =	simm.s32 $0x7A00  }
0x2e1: {  	[tilespmem:s12], [sflag:$0x1] =	stream.indirect_vreg.gather [hbm4b:s7+s1], $0x80, v3, vm0, $0xb8;
	[tilespmem:$0x1C200] =	vst v63  }
0x2e2: {  	v3 =	vld [tilespmem:$0x170];
	_ =	sdelay $0x4  }
0x2e3: {  	v4 =	vshll.u32 v3, $0x3  }
0x2e4: {  	v3 =	vand.u32 $0x7, v3;
	v4 =	vand.u32 $0xFFFFFFC0, v4  }
0x2e5: {  	v3 =	vor.u32 v3, v4  }
0x2e6: {  	v4 =	vperm.xlane v3, v0;
	_ =	sdelay $0x1  }
0x2e7: {  	v4 =	vadd.s32 v1, v4;
	_ =	sdelay $0x3  }
0x2e8: {  	s13 =	simm.s32 $0x8200  }
0x2e9: {  	[tilespmem:s13], [sflag:$0x1] =	stream.indirect_vreg.gather [hbm4b:s2+s1], $0x80, v4, vm0, $0xb8;
	[tilespmem:$0x1C200] =	vst v63  }
0x2ea: {  	s9 =	simm.s32 $0x8A00;
	v3 =	vperm.xlane v3, v2  }
0x2eb: {  	[tilespmem:s9], [sflag:$0x1] =	stream.indirect_vreg.gather [hbm4b:s5+s1], $0x80, v4, vm0, $0xb8;
	[tilespmem:$0x1C200] =	vst v63  }
0x2ec: {  	s10 =	simm.s32 $0x9200;
	v3 =	vadd.s32 v1, v3  }
0x2ed: {  	[tilespmem:s10], [sflag:$0x1] =	stream.indirect_vreg.gather [hbm4b:s6+s1], $0x80, v4, vm0, $0xb8;
	[tilespmem:$0x1C200] =	vst v63  }
0x2ee: {  	_ = 	snop  }
0x2ef: {  	[tilespmem:s14], [sflag:$0x1] =	stream.indirect_vreg.gather [hbm4b:s7+s1], $0x80, v4, vm0, $0xb8;
	[tilespmem:$0x1C200] =	vst v63  }
0x2f0: {  	_ = 	snop  }
0x2f1: {  	[tilespmem:s15], [sflag:$0x1] =	stream.indirect_vreg.gather [hbm4b:s2+s1], $0x80, v3, vm0, $0xb8;
	[tilespmem:$0x1C200] =	vst v63  }
0x2f2: {  	_ = 	snop  }
0x2f3: {  	[tilespmem:s16], [sflag:$0x1] =	stream.indirect_vreg.gather [hbm4b:s5+s1], $0x80, v3, vm0, $0xb8;
	[tilespmem:$0x1C200] =	vst v63  }
0x2f4: {  	_ = 	snop  }
0x2f5: {  	[tilespmem:s17], [sflag:$0x1] =	stream.indirect_vreg.gather [hbm4b:s6+s1], $0x80, v3, vm0, $0xb8;
	[tilespmem:$0x1C200] =	vst v63  }
0x2f6: {  	_ = 	snop  }
0x2f7: {  	[tilespmem:s18], [sflag:$0x1] =	stream.indirect_vreg.gather [hbm4b:s7+s1], $0x80, v3, vm0, $0xb8;
	[tilespmem:$0x1C200] =	vst v63  }
0x2f8: {  	v3 =	vld.msk [tilespmem:$0x180], $0xff;
	_ =	sdelay $0x4  }
0x2f9: {  	v4 =	vshll.u32 v3, $0x3  }
0x2fa: {  	v3 =	vand.u32 $0x7, v3;
	v4 =	vand.u32 $0xFFFFFFC0, v4  }
0x2fb: {  	v3 =	vor.u32 v3, v4  }
0x2fc: {  	v3 =	vperm.xlane v3, v0;
	_ =	sdelay $0x1  }
0x2fd: {  	v3 =	vadd.s32 v1, v3;
	_ =	sdelay $0x4  }
0x2fe: {  	[tilespmem:s8], [sflag:$0x1] =	stream.indirect_vreg.gather [hbm4b:s2+s1], $0x80, v3, vm0, $0xb8;
	[tilespmem:$0x1C200] =	vst v63  }
0x2ff: {  	_ = 	snop  }
0x300: {  	[tilespmem:s19], [sflag:$0x1] =	stream.indirect_vreg.gather [hbm4b:s5+s1], $0x80, v3, vm0, $0xb8;
	[tilespmem:$0x1C200] =	vst v63  }
0x301: {  	s11 =	simm.s32 $0x0  }
0x302: {  	[tilespmem:s21], [sflag:$0x1] =	stream.indirect_vreg.gather [hbm4b:s6+s1], $0x80, v3, vm0, $0xb8;
	[tilespmem:$0x1C200] =	vst v63  }
0x303: {  	s4 =	sand.u32 $0xE000, s11  }
0x304: {  	[tilespmem:s22], [sflag:$0x1] =	stream.indirect_vreg.gather [hbm4b:s7+s1], $0x80, v3, vm0, $0xb8;
	[tilespmem:$0x1C200] =	vst v63  }
0x305: {  	s9 =	simm.s32 $0x0;
	s1 =	sand.u32 $0x1C00, s1;
	_ =	swait.ge [sflag:s30], $0xE000  }
0x306: {  	s9 =	sand.u32 $0x380, s9;
	s1 =	sor.u32 s1, s4;
	[sflag:s30] =	ssyncset.done $0x0  }
0x307: {  	s4 =	sor.u32 s9, s1;
	[sflag:s30] =	ssyncadd.s32 $0xFFFF2000  }
0x308: {  	v3 =	vld [tilespmem:s4+$0xE270]  }
0x309: {  	v4 =	vld [tilespmem:s4+$0xE200]  }
0x30a: {  	v5 =	vld [tilespmem:s4+$0xE210]  }
0x30b: {  	v6 =	vld [tilespmem:s4+$0xE220]  }
0x30c: {  	s12 =	simm.s32 $0x80;
	s9 =	simm.s32 $0x400;
	v8 =	vld [tilespmem:s4+$0xE230]  }
0x30d: {  	s11 =	simm.s32 $0x10;
	s1 =	sand.u32 $0xE000, s12;
	s10 =	sand.u32 $0x1C00, s9;
	v10 =	vld [tilespmem:s4+$0xE240];
	v3 =	vmul.f32 $3.200000000e+01, v3  }
0x30e: {  	s13 =	sand.u32 $0x380, s11;
	s1 =	sor.u32 s10, s1;
	v7 =	vld [tilespmem:s4+$0xE250];
	v4 =	vmul.f32 $3.200000000e+01, v4  }
0x30f: {  	s1 =	sor.u32 s13, s1;
	v9 =	vmul.f32 $3.200000000e+01, v5;
	v5 =	vld [tilespmem:s4+$0xE260];
	[tilespmem:s4+$0xE270] =	vst v3  }
0x310: {  	v11 =	vmul.f32 $3.200000000e+01, v6;
	v3 =	vld [tilespmem:s1+$0xE270];
	[tilespmem:s4+$0xE200] =	vst v4  }
0x311: {  	v4 =	vld [tilespmem:s1+$0xE200];
	[tilespmem:s4+$0xE210] =	vst v9;
	v9 =	vmul.f32 $3.200000000e+01, v8  }
0x312: {  	s10 =	simm.s32 $0x8;
	v6 =	vld [tilespmem:s1+$0xE210];
	[tilespmem:s4+$0xE220] =	vst v11;
	v8 =	vmul.f32 $3.200000000e+01, v10  }
.LBB2_12:
0x313: {  	s10 =	sadd.s32 $0x8, s10;
	v10 =	vld [tilespmem:s1+$0xE220];
	[tilespmem:s4+$0xE230] =	vst v9;
	v7 =	vmul.f32 $3.200000000e+01, v7  }
0x314: {  	s9 =	sadd.s32 $0x400, s9;
	s11 =	sshll.u32 s10, $0x4;
	p0 =	slt.u32 s10, $0xDF8;
	v9 =	vld [tilespmem:s1+$0xE230];
	[tilespmem:s4+$0xE240] =	vst v8;
	v5 =	vmul.f32 $3.200000000e+01, v5  }
0x315: {  	s12 =	sand.u32 $0x1C00, s9;
	s13 =	sshll.u32 s10, $0x1;
	s11 =	sand.u32 $0xE000, s11;
	v8 =	vld [tilespmem:s1+$0xE240];
	v3 =	vmul.f32 $3.200000000e+01, v3;
	[tilespmem:s4+$0xE250] =	vst v7  }
.Ltmp5:
0x316: {  	s13 =	sand.u32 $0x380, s13;
	s11 =	sor.u32 s12, s11;
	v4 =	vmul.f32 $3.200000000e+01, v4;
	v7 =	vld [tilespmem:s1+$0xE250];
	[tilespmem:s4+$0xE260] =	vst v5;
	(pc) =	sbr.rel @p0 .LBB2_12-.Ltmp5, $4  }
0x317: {  	s4 =	smov.u32 s1;
	v6 =	vmul.f32 $3.200000000e+01, v6;
	v5 =	vld [tilespmem:s1+$0xE260];
	[tilespmem:s1+$0xE270] =	vst v3;
	s1 =	sor.u32 s13, s11  }
0x318: {  	v3 =	vld [tilespmem:s1+$0xE270];
	[tilespmem:s4+$0xE200] =	vst v4;
	v10 =	vmul.f32 $3.200000000e+01, v10  }
0x319: {  	v4 =	vld [tilespmem:s1+$0xE200];
	[tilespmem:s4+$0xE210] =	vst v6;
	v9 =	vmul.f32 $3.200000000e+01, v9  }
0x31a: {  	v6 =	vld [tilespmem:s1+$0xE210];
	[tilespmem:s4+$0xE220] =	vst v10;
	v8 =	vmul.f32 $3.200000000e+01, v8  }
0x31b: {  	v10 =	vld [tilespmem:s1+$0xE220];
	[tilespmem:s4+$0xE230] =	vst v9;
	v7 =	vmul.f32 $3.200000000e+01, v7  }
0x31c: {  	v9 =	vld [tilespmem:s1+$0xE230];
	[tilespmem:s4+$0xE240] =	vst v8;
	v5 =	vmul.f32 $3.200000000e+01, v5  }
0x31d: {  	v8 =	vld [tilespmem:s1+$0xE240];
	v3 =	vmul.f32 $3.200000000e+01, v3;
	[tilespmem:s4+$0xE250] =	vst v7  }
0x31e: {  	v7 =	vld [tilespmem:s1+$0xE250];
	v4 =	vmul.f32 $3.200000000e+01, v4;
	[tilespmem:s4+$0xE260] =	vst v5  }
0x31f: {  	v5 =	vmul.f32 $3.200000000e+01, v6;
	v6 =	vld [tilespmem:s1+$0xE260];
	[tilespmem:s1+$0xE270] =	vst v3  }
0x320: {  	[tilespmem:s1+$0xE200] =	vst v4;
	v3 =	vmul.f32 $3.200000000e+01, v10  }
0x321: {  	v4 =	vmul.f32 $3.200000000e+01, v9;
	[tilespmem:s1+$0xE210] =	vst v5  }
0x322: {  	[tilespmem:s1+$0xE220] =	vst v3;
	v3 =	vmul.f32 $3.200000000e+01, v8  }
0x323: {  	[tilespmem:s1+$0xE230] =	vst v4;
	v4 =	vmul.f32 $3.200000000e+01, v7  }
0x324: {  	[tilespmem:s1+$0xE240] =	vst v3;
	v3 =	vmul.f32 $3.200000000e+01, v6  }
0x325: {  	[tilespmem:s1+$0xE250] =	vst v4  }
0x326: {  	[tilespmem:s1+$0xE260] =	vst v3  }
0x327: {  	s1 =	simm.s32 $0x0;
	s4 =	rddreg [dreg:$0xa]  }
0x328: {  	[hbm4b:s4+s1] =	stream.linear.scatter [tilespmem:s23], [sflag:$0x4], $0xE000, $0x38;
	[tilespmem:$0x1C200] =	vst v63  }
0x329: {  	_ =	swait.ge [sflag:s31], $0xE000  }
0x32a: {  	[sflag:s31] =	ssyncset.done $0x0  }
0x32b: {  	[sflag:s31] =	ssyncadd.s32 $0xFFFF2000  }
0x32c: {  	v3 =	vld [tilespmem:$0x188];
	_ =	sdelay $0x4  }
0x32d: {  	v4 =	vshll.u32 v3, $0x3  }
0x32e: {  	v3 =	vand.u32 $0x7, v3;
	v4 =	vand.u32 $0xFFFFFFC0, v4  }
0x32f: {  	v3 =	vor.u32 v3, v4  }
0x330: {  	v4 =	vperm.xlane v3, v0;
	_ =	sdelay $0x1  }
0x331: {  	v4 =	vadd.s32 v1, v4;
	_ =	sdelay $0x4  }
0x332: {  	[tilespmem:s23], [sflag:$0x2] =	stream.indirect_vreg.gather [hbm4b:s2+s1], $0x80, v4, vm0, $0xb8;
	[tilespmem:$0x1C200] =	vst v63  }
0x333: {  	v3 =	vperm.xlane v3, v2  }
0x334: {  	[tilespmem:s24], [sflag:$0x2] =	stream.indirect_vreg.gather [hbm4b:s5+s1], $0x80, v4, vm0, $0xb8;
	[tilespmem:$0x1C200] =	vst v63  }
0x335: {  	v3 =	vadd.s32 v1, v3  }
0x336: {  	[tilespmem:s25], [sflag:$0x2] =	stream.indirect_vreg.gather [hbm4b:s6+s1], $0x80, v4, vm0, $0xb8;
	[tilespmem:$0x1C200] =	vst v63  }
0x337: {  	_ = 	snop  }
0x338: {  	[tilespmem:s26], [sflag:$0x2] =	stream.indirect_vreg.gather [hbm4b:s7+s1], $0x80, v4, vm0, $0xb8;
	[tilespmem:$0x1C200] =	vst v63  }
0x339: {  	s12 =	simm.s32 $0x10200  }
0x33a: {  	[tilespmem:s12], [sflag:$0x2] =	stream.indirect_vreg.gather [hbm4b:s2+s1], $0x80, v3, vm0, $0xb8;
	[tilespmem:$0x1C200] =	vst v63  }
0x33b: {  	s13 =	simm.s32 $0x10A00  }
0x33c: {  	[tilespmem:s13], [sflag:$0x2] =	stream.indirect_vreg.gather [hbm4b:s5+s1], $0x80, v3, vm0, $0xb8;
	[tilespmem:$0x1C200] =	vst v63  }
0x33d: {  	s9 =	simm.s32 $0x11200  }
0x33e: {  	[tilespmem:s9], [sflag:$0x2] =	stream.indirect_vreg.gather [hbm4b:s6+s1], $0x80, v3, vm0, $0xb8;
	[tilespmem:$0x1C200] =	vst v63  }
0x33f: {  	s10 =	simm.s32 $0x11A00  }
0x340: {  	[tilespmem:s10], [sflag:$0x2] =	stream.indirect_vreg.gather [hbm4b:s7+s1], $0x80, v3, vm0, $0xb8;
	[tilespmem:$0x1C200] =	vst v63  }
0x341: {  	v3 =	vld [tilespmem:$0x198];
	_ =	sdelay $0x4  }
0x342: {  	v4 =	vshll.u32 v3, $0x3  }
0x343: {  	v3 =	vand.u32 $0x7, v3;
	v4 =	vand.u32 $0xFFFFFFC0, v4  }
0x344: {  	v3 =	vor.u32 v3, v4  }
0x345: {  	v4 =	vperm.xlane v3, v0;
	_ =	sdelay $0x1  }
0x346: {  	v4 =	vadd.s32 v1, v4;
	_ =	sdelay $0x3  }
0x347: {  	s11 =	simm.s32 $0x12200  }
0x348: {  	[tilespmem:s11], [sflag:$0x2] =	stream.indirect_vreg.gather [hbm4b:s2+s1], $0x80, v4, vm0, $0xb8;
	[tilespmem:$0x1C200] =	vst v63  }
0x349: {  	s12 =	simm.s32 $0x12A00;
	v3 =	vperm.xlane v3, v2  }
0x34a: {  	[tilespmem:s12], [sflag:$0x2] =	stream.indirect_vreg.gather [hbm4b:s5+s1], $0x80, v4, vm0, $0xb8;
	[tilespmem:$0x1C200] =	vst v63  }
0x34b: {  	s13 =	simm.s32 $0x13200;
	v3 =	vadd.s32 v1, v3  }
0x34c: {  	[tilespmem:s13], [sflag:$0x2] =	stream.indirect_vreg.gather [hbm4b:s6+s1], $0x80, v4, vm0, $0xb8;
	[tilespmem:$0x1C200] =	vst v63  }
0x34d: {  	s9 =	simm.s32 $0x13A00  }
0x34e: {  	[tilespmem:s9], [sflag:$0x2] =	stream.indirect_vreg.gather [hbm4b:s7+s1], $0x80, v4, vm0, $0xb8;
	[tilespmem:$0x1C200] =	vst v63  }
0x34f: {  	s10 =	simm.s32 $0x14200  }
0x350: {  	[tilespmem:s10], [sflag:$0x2] =	stream.indirect_vreg.gather [hbm4b:s2+s1], $0x80, v3, vm0, $0xb8;
	[tilespmem:$0x1C200] =	vst v63  }
0x351: {  	s11 =	simm.s32 $0x14A00  }
0x352: {  	[tilespmem:s11], [sflag:$0x2] =	stream.indirect_vreg.gather [hbm4b:s5+s1], $0x80, v3, vm0, $0xb8;
	[tilespmem:$0x1C200] =	vst v63  }
0x353: {  	s12 =	simm.s32 $0x15200  }
0x354: {  	[tilespmem:s12], [sflag:$0x2] =	stream.indirect_vreg.gather [hbm4b:s6+s1], $0x80, v3, vm0, $0xb8;
	[tilespmem:$0x1C200] =	vst v63  }
0x355: {  	s13 =	simm.s32 $0x15A00  }
0x356: {  	[tilespmem:s13], [sflag:$0x2] =	stream.indirect_vreg.gather [hbm4b:s7+s1], $0x80, v3, vm0, $0xb8;
	[tilespmem:$0x1C200] =	vst v63  }
0x357: {  	v3 =	vld [tilespmem:$0x1A8];
	_ =	sdelay $0x4  }
0x358: {  	v4 =	vshll.u32 v3, $0x3  }
0x359: {  	v3 =	vand.u32 $0x7, v3;
	v4 =	vand.u32 $0xFFFFFFC0, v4  }
0x35a: {  	v3 =	vor.u32 v3, v4  }
0x35b: {  	v4 =	vperm.xlane v3, v0;
	_ =	sdelay $0x1  }
0x35c: {  	v4 =	vadd.s32 v1, v4;
	_ =	sdelay $0x3  }
0x35d: {  	s9 =	simm.s32 $0x16200  }
0x35e: {  	[tilespmem:s9], [sflag:$0x2] =	stream.indirect_vreg.gather [hbm4b:s2+s1], $0x80, v4, vm0, $0xb8;
	[tilespmem:$0x1C200] =	vst v63  }
0x35f: {  	s10 =	simm.s32 $0x16A00;
	v3 =	vperm.xlane v3, v2  }
0x360: {  	[tilespmem:s10], [sflag:$0x2] =	stream.indirect_vreg.gather [hbm4b:s5+s1], $0x80, v4, vm0, $0xb8;
	[tilespmem:$0x1C200] =	vst v63  }
0x361: {  	s11 =	simm.s32 $0x17200;
	v3 =	vadd.s32 v1, v3  }
0x362: {  	[tilespmem:s11], [sflag:$0x2] =	stream.indirect_vreg.gather [hbm4b:s6+s1], $0x80, v4, vm0, $0xb8;
	[tilespmem:$0x1C200] =	vst v63  }
0x363: {  	s12 =	simm.s32 $0x17A00  }
0x364: {  	[tilespmem:s12], [sflag:$0x2] =	stream.indirect_vreg.gather [hbm4b:s7+s1], $0x80, v4, vm0, $0xb8;
	[tilespmem:$0x1C200] =	vst v63  }
0x365: {  	s13 =	simm.s32 $0x18200  }
0x366: {  	[tilespmem:s13], [sflag:$0x2] =	stream.indirect_vreg.gather [hbm4b:s2+s1], $0x80, v3, vm0, $0xb8;
	[tilespmem:$0x1C200] =	vst v63  }
0x367: {  	s9 =	simm.s32 $0x18A00  }
0x368: {  	[tilespmem:s9], [sflag:$0x2] =	stream.indirect_vreg.gather [hbm4b:s5+s1], $0x80, v3, vm0, $0xb8;
	[tilespmem:$0x1C200] =	vst v63  }
0x369: {  	s10 =	simm.s32 $0x19200  }
0x36a: {  	[tilespmem:s10], [sflag:$0x2] =	stream.indirect_vreg.gather [hbm4b:s6+s1], $0x80, v3, vm0, $0xb8;
	[tilespmem:$0x1C200] =	vst v63  }
0x36b: {  	s11 =	simm.s32 $0x19A00  }
0x36c: {  	[tilespmem:s11], [sflag:$0x2] =	stream.indirect_vreg.gather [hbm4b:s7+s1], $0x80, v3, vm0, $0xb8;
	[tilespmem:$0x1C200] =	vst v63  }
0x36d: {  	v3 =	vld.msk [tilespmem:$0x1B8], $0xff;
	_ =	sdelay $0x4  }
0x36e: {  	v4 =	vshll.u32 v3, $0x3  }
0x36f: {  	v3 =	vand.u32 $0x7, v3;
	v4 =	vand.u32 $0xFFFFFFC0, v4  }
0x370: {  	v3 =	vor.u32 v3, v4  }
0x371: {  	v3 =	vperm.xlane v3, v0;
	_ =	sdelay $0x1  }
0x372: {  	v3 =	vadd.s32 v1, v3;
	_ =	sdelay $0x3  }
0x373: {  	s12 =	simm.s32 $0x1A200  }
0x374: {  	[tilespmem:s12], [sflag:$0x2] =	stream.indirect_vreg.gather [hbm4b:s2+s1], $0x80, v3, vm0, $0xb8;
	[tilespmem:$0x1C200] =	vst v63  }
0x375: {  	s13 =	simm.s32 $0x1AA00  }
0x376: {  	[tilespmem:s13], [sflag:$0x2] =	stream.indirect_vreg.gather [hbm4b:s5+s1], $0x80, v3, vm0, $0xb8;
	[tilespmem:$0x1C200] =	vst v63  }
0x377: {  	s9 =	simm.s32 $0x1B200;
	s11 =	simm.s32 $0x0  }
0x378: {  	[tilespmem:s9], [sflag:$0x2] =	stream.indirect_vreg.gather [hbm4b:s6+s1], $0x80, v3, vm0, $0xb8;
	[tilespmem:$0x1C200] =	vst v63  }
0x379: {  	s10 =	simm.s32 $0x1BA00;
	s4 =	sand.u32 $0xE000, s11  }
0x37a: {  	[tilespmem:s10], [sflag:$0x2] =	stream.indirect_vreg.gather [hbm4b:s7+s1], $0x80, v3, vm0, $0xb8;
	[tilespmem:$0x1C200] =	vst v63  }
0x37b: {  	s9 =	simm.s32 $0x0;
	s1 =	sand.u32 $0x1C00, s1;
	_ =	swait.ge [sflag:s28], $0xE000  }
0x37c: {  	s9 =	sand.u32 $0x380, s9;
	s1 =	sor.u32 s1, s4;
	[sflag:s28] =	ssyncset.done $0x0  }
0x37d: {  	s4 =	sor.u32 s1, s9;
	[sflag:s28] =	ssyncadd.s32 $0xFFFF2000  }
0x37e: {  	v3 =	vld [tilespmem:s4+$0x270]  }
0x37f: {  	v4 =	vld [tilespmem:s4+$0x200]  }
0x380: {  	v5 =	vld [tilespmem:s4+$0x210]  }
0x381: {  	v6 =	vld [tilespmem:s4+$0x220]  }
0x382: {  	s12 =	simm.s32 $0x80;
	s9 =	simm.s32 $0x400;
	v8 =	vld [tilespmem:s4+$0x230]  }
0x383: {  	s11 =	simm.s32 $0x10;
	s1 =	sand.u32 $0xE000, s12;
	s10 =	sand.u32 $0x1C00, s9;
	v10 =	vld [tilespmem:s4+$0x240];
	v3 =	vmul.f32 $3.200000000e+01, v3  }
0x384: {  	s13 =	sand.u32 $0x380, s11;
	s1 =	sor.u32 s10, s1;
	v7 =	vld [tilespmem:s4+$0x250];
	v4 =	vmul.f32 $3.200000000e+01, v4  }
0x385: {  	s1 =	sor.u32 s1, s13;
	v9 =	vmul.f32 $3.200000000e+01, v5;
	v5 =	vld [tilespmem:s4+$0x260];
	[tilespmem:s4+$0x270] =	vst v3  }
0x386: {  	v11 =	vmul.f32 $3.200000000e+01, v6;
	v3 =	vld [tilespmem:s1+$0x270];
	[tilespmem:s4+$0x200] =	vst v4  }
0x387: {  	v4 =	vld [tilespmem:s1+$0x200];
	[tilespmem:s4+$0x210] =	vst v9;
	v9 =	vmul.f32 $3.200000000e+01, v8  }
0x388: {  	s10 =	simm.s32 $0x8;
	v6 =	vld [tilespmem:s1+$0x210];
	[tilespmem:s4+$0x220] =	vst v11;
	v8 =	vmul.f32 $3.200000000e+01, v10  }
.LBB2_14:
0x389: {  	s10 =	sadd.s32 $0x8, s10;
	v10 =	vld [tilespmem:s1+$0x220];
	[tilespmem:s4+$0x230] =	vst v9;
	v7 =	vmul.f32 $3.200000000e+01, v7  }
0x38a: {  	s9 =	sadd.s32 $0x400, s9;
	s11 =	sshll.u32 s10, $0x4;
	p0 =	slt.u32 s10, $0xDF8;
	v9 =	vld [tilespmem:s1+$0x230];
	[tilespmem:s4+$0x240] =	vst v8;
	v5 =	vmul.f32 $3.200000000e+01, v5  }
0x38b: {  	s12 =	sand.u32 $0x1C00, s9;
	s13 =	sshll.u32 s10, $0x1;
	s11 =	sand.u32 $0xE000, s11;
	v8 =	vld [tilespmem:s1+$0x240];
	v3 =	vmul.f32 $3.200000000e+01, v3;
	[tilespmem:s4+$0x250] =	vst v7  }
.Ltmp6:
0x38c: {  	s13 =	sand.u32 $0x380, s13;
	s11 =	sor.u32 s12, s11;
	v4 =	vmul.f32 $3.200000000e+01, v4;
	v7 =	vld [tilespmem:s1+$0x250];
	[tilespmem:s4+$0x260] =	vst v5;
	(pc) =	sbr.rel @p0 .LBB2_14-.Ltmp6, $4  }
0x38d: {  	s4 =	smov.u32 s1;
	v6 =	vmul.f32 $3.200000000e+01, v6;
	v5 =	vld [tilespmem:s1+$0x260];
	[tilespmem:s1+$0x270] =	vst v3;
	s1 =	sor.u32 s11, s13  }
0x38e: {  	v3 =	vld [tilespmem:s1+$0x270];
	[tilespmem:s4+$0x200] =	vst v4;
	v10 =	vmul.f32 $3.200000000e+01, v10  }
0x38f: {  	v4 =	vld [tilespmem:s1+$0x200];
	[tilespmem:s4+$0x210] =	vst v6;
	v9 =	vmul.f32 $3.200000000e+01, v9  }
0x390: {  	v6 =	vld [tilespmem:s1+$0x210];
	[tilespmem:s4+$0x220] =	vst v10;
	v8 =	vmul.f32 $3.200000000e+01, v8  }
0x391: {  	v10 =	vld [tilespmem:s1+$0x220];
	[tilespmem:s4+$0x230] =	vst v9;
	v7 =	vmul.f32 $3.200000000e+01, v7  }
0x392: {  	v9 =	vld [tilespmem:s1+$0x230];
	[tilespmem:s4+$0x240] =	vst v8;
	v5 =	vmul.f32 $3.200000000e+01, v5  }
0x393: {  	v8 =	vld [tilespmem:s1+$0x240];
	v3 =	vmul.f32 $3.200000000e+01, v3;
	[tilespmem:s4+$0x250] =	vst v7  }
0x394: {  	v7 =	vld [tilespmem:s1+$0x250];
	v4 =	vmul.f32 $3.200000000e+01, v4;
	[tilespmem:s4+$0x260] =	vst v5  }
0x395: {  	v5 =	vmul.f32 $3.200000000e+01, v6;
	v6 =	vld [tilespmem:s1+$0x260];
	[tilespmem:s1+$0x270] =	vst v3  }
0x396: {  	[tilespmem:s1+$0x200] =	vst v4;
	v3 =	vmul.f32 $3.200000000e+01, v10  }
0x397: {  	v4 =	vmul.f32 $3.200000000e+01, v9;
	[tilespmem:s1+$0x210] =	vst v5  }
0x398: {  	[tilespmem:s1+$0x220] =	vst v3;
	v3 =	vmul.f32 $3.200000000e+01, v8  }
0x399: {  	[tilespmem:s1+$0x230] =	vst v4;
	v4 =	vmul.f32 $3.200000000e+01, v7  }
0x39a: {  	[tilespmem:s1+$0x240] =	vst v3;
	v3 =	vmul.f32 $3.200000000e+01, v6  }
0x39b: {  	[tilespmem:s1+$0x250] =	vst v4  }
0x39c: {  	[tilespmem:s1+$0x260] =	vst v3  }
0x39d: {  	s1 =	simm.s32 $0x0;
	s4 =	rddreg [dreg:$0xb]  }
0x39e: {  	[hbm4b:s4+s1] =	stream.linear.scatter [tilespmem:s20], [sflag:$0x3], $0xE000, $0x38;
	[tilespmem:$0x1C200] =	vst v63  }
0x39f: {  	_ =	swait.ge [sflag:s29], $0xE000  }
0x3a0: {  	[sflag:s29] =	ssyncset.done $0x0  }
0x3a1: {  	[sflag:s29] =	ssyncadd.s32 $0xFFFF2000  }
0x3a2: {  	v3 =	vld [tilespmem:$0x1C0];
	_ =	sdelay $0x4  }
0x3a3: {  	v4 =	vshll.u32 v3, $0x3  }
0x3a4: {  	v3 =	vand.u32 $0x7, v3;
	v4 =	vand.u32 $0xFFFFFFC0, v4  }
0x3a5: {  	v3 =	vor.u32 v3, v4  }
0x3a6: {  	v4 =	vperm.xlane v3, v0;
	_ =	sdelay $0x1  }
0x3a7: {  	v4 =	vadd.s32 v1, v4;
	_ =	sdelay $0x4  }
0x3a8: {  	[tilespmem:s20], [sflag:$0x1] =	stream.indirect_vreg.gather [hbm4b:s2+s1], $0x80, v4, vm0, $0xb8;
	[tilespmem:$0x1C200] =	vst v63  }
0x3a9: {  	s13 =	simm.s32 $0xA00;
	v3 =	vperm.xlane v3, v2  }
0x3aa: {  	[tilespmem:s13], [sflag:$0x1] =	stream.indirect_vreg.gather [hbm4b:s5+s1], $0x80, v4, vm0, $0xb8;
	[tilespmem:$0x1C200] =	vst v63  }
0x3ab: {  	s9 =	simm.s32 $0x1200;
	v3 =	vadd.s32 v1, v3  }
0x3ac: {  	[tilespmem:s9], [sflag:$0x1] =	stream.indirect_vreg.gather [hbm4b:s6+s1], $0x80, v4, vm0, $0xb8;
	[tilespmem:$0x1C200] =	vst v63  }
0x3ad: {  	s10 =	simm.s32 $0x1A00  }
0x3ae: {  	[tilespmem:s10], [sflag:$0x1] =	stream.indirect_vreg.gather [hbm4b:s7+s1], $0x80, v4, vm0, $0xb8;
	[tilespmem:$0x1C200] =	vst v63  }
0x3af: {  	s11 =	simm.s32 $0x2200  }
0x3b0: {  	[tilespmem:s11], [sflag:$0x1] =	stream.indirect_vreg.gather [hbm4b:s2+s1], $0x80, v3, vm0, $0xb8;
	[tilespmem:$0x1C200] =	vst v63  }
0x3b1: {  	s12 =	simm.s32 $0x2A00  }
0x3b2: {  	[tilespmem:s12], [sflag:$0x1] =	stream.indirect_vreg.gather [hbm4b:s5+s1], $0x80, v3, vm0, $0xb8;
	[tilespmem:$0x1C200] =	vst v63  }
0x3b3: {  	s13 =	simm.s32 $0x3200  }
0x3b4: {  	[tilespmem:s13], [sflag:$0x1] =	stream.indirect_vreg.gather [hbm4b:s6+s1], $0x80, v3, vm0, $0xb8;
	[tilespmem:$0x1C200] =	vst v63  }
0x3b5: {  	s9 =	simm.s32 $0x3A00  }
0x3b6: {  	[tilespmem:s9], [sflag:$0x1] =	stream.indirect_vreg.gather [hbm4b:s7+s1], $0x80, v3, vm0, $0xb8;
	[tilespmem:$0x1C200] =	vst v63  }
0x3b7: {  	v3 =	vld [tilespmem:$0x1D0];
	_ =	sdelay $0x4  }
0x3b8: {  	v4 =	vshll.u32 v3, $0x3  }
0x3b9: {  	v3 =	vand.u32 $0x7, v3;
	v4 =	vand.u32 $0xFFFFFFC0, v4  }
0x3ba: {  	v3 =	vor.u32 v3, v4  }
0x3bb: {  	v4 =	vperm.xlane v3, v0;
	_ =	sdelay $0x1  }
0x3bc: {  	v4 =	vadd.s32 v1, v4;
	_ =	sdelay $0x3  }
0x3bd: {  	s10 =	simm.s32 $0x4200  }
0x3be: {  	[tilespmem:s10], [sflag:$0x1] =	stream.indirect_vreg.gather [hbm4b:s2+s1], $0x80, v4, vm0, $0xb8;
	[tilespmem:$0x1C200] =	vst v63  }
0x3bf: {  	s11 =	simm.s32 $0x4A00;
	v3 =	vperm.xlane v3, v2  }
0x3c0: {  	[tilespmem:s11], [sflag:$0x1] =	stream.indirect_vreg.gather [hbm4b:s5+s1], $0x80, v4, vm0, $0xb8;
	[tilespmem:$0x1C200] =	vst v63  }
0x3c1: {  	s12 =	simm.s32 $0x5200;
	v3 =	vadd.s32 v1, v3  }
0x3c2: {  	[tilespmem:s12], [sflag:$0x1] =	stream.indirect_vreg.gather [hbm4b:s6+s1], $0x80, v4, vm0, $0xb8;
	[tilespmem:$0x1C200] =	vst v63  }
0x3c3: {  	s13 =	simm.s32 $0x5A00  }
0x3c4: {  	[tilespmem:s13], [sflag:$0x1] =	stream.indirect_vreg.gather [hbm4b:s7+s1], $0x80, v4, vm0, $0xb8;
	[tilespmem:$0x1C200] =	vst v63  }
0x3c5: {  	s9 =	simm.s32 $0x6200  }
0x3c6: {  	[tilespmem:s9], [sflag:$0x1] =	stream.indirect_vreg.gather [hbm4b:s2+s1], $0x80, v3, vm0, $0xb8;
	[tilespmem:$0x1C200] =	vst v63  }
0x3c7: {  	s10 =	simm.s32 $0x6A00  }
0x3c8: {  	[tilespmem:s10], [sflag:$0x1] =	stream.indirect_vreg.gather [hbm4b:s5+s1], $0x80, v3, vm0, $0xb8;
	[tilespmem:$0x1C200] =	vst v63  }
0x3c9: {  	s11 =	simm.s32 $0x7200  }
0x3ca: {  	[tilespmem:s11], [sflag:$0x1] =	stream.indirect_vreg.gather [hbm4b:s6+s1], $0x80, v3, vm0, $0xb8;
	[tilespmem:$0x1C200] =	vst v63  }
0x3cb: {  	s12 =	simm.s32 $0x7A00  }
0x3cc: {  	[tilespmem:s12], [sflag:$0x1] =	stream.indirect_vreg.gather [hbm4b:s7+s1], $0x80, v3, vm0, $0xb8;
	[tilespmem:$0x1C200] =	vst v63  }
0x3cd: {  	v3 =	vld [tilespmem:$0x1E0];
	_ =	sdelay $0x4  }
0x3ce: {  	v4 =	vshll.u32 v3, $0x3  }
0x3cf: {  	v3 =	vand.u32 $0x7, v3;
	v4 =	vand.u32 $0xFFFFFFC0, v4  }
0x3d0: {  	v3 =	vor.u32 v3, v4  }
0x3d1: {  	v4 =	vperm.xlane v3, v0;
	_ =	sdelay $0x1  }
0x3d2: {  	v4 =	vadd.s32 v1, v4;
	_ =	sdelay $0x3  }
0x3d3: {  	s13 =	simm.s32 $0x8200  }
0x3d4: {  	[tilespmem:s13], [sflag:$0x1] =	stream.indirect_vreg.gather [hbm4b:s2+s1], $0x80, v4, vm0, $0xb8;
	[tilespmem:$0x1C200] =	vst v63  }
0x3d5: {  	s9 =	simm.s32 $0x8A00;
	v3 =	vperm.xlane v3, v2  }
0x3d6: {  	[tilespmem:s9], [sflag:$0x1] =	stream.indirect_vreg.gather [hbm4b:s5+s1], $0x80, v4, vm0, $0xb8;
	[tilespmem:$0x1C200] =	vst v63  }
0x3d7: {  	s10 =	simm.s32 $0x9200;
	v3 =	vadd.s32 v1, v3  }
0x3d8: {  	[tilespmem:s10], [sflag:$0x1] =	stream.indirect_vreg.gather [hbm4b:s6+s1], $0x80, v4, vm0, $0xb8;
	[tilespmem:$0x1C200] =	vst v63  }
0x3d9: {  	_ = 	snop  }
0x3da: {  	[tilespmem:s14], [sflag:$0x1] =	stream.indirect_vreg.gather [hbm4b:s7+s1], $0x80, v4, vm0, $0xb8;
	[tilespmem:$0x1C200] =	vst v63  }
0x3db: {  	_ = 	snop  }
0x3dc: {  	[tilespmem:s15], [sflag:$0x1] =	stream.indirect_vreg.gather [hbm4b:s2+s1], $0x80, v3, vm0, $0xb8;
	[tilespmem:$0x1C200] =	vst v63  }
0x3dd: {  	_ = 	snop  }
0x3de: {  	[tilespmem:s16], [sflag:$0x1] =	stream.indirect_vreg.gather [hbm4b:s5+s1], $0x80, v3, vm0, $0xb8;
	[tilespmem:$0x1C200] =	vst v63  }
0x3df: {  	_ = 	snop  }
0x3e0: {  	[tilespmem:s17], [sflag:$0x1] =	stream.indirect_vreg.gather [hbm4b:s6+s1], $0x80, v3, vm0, $0xb8;
	[tilespmem:$0x1C200] =	vst v63  }
0x3e1: {  	_ = 	snop  }
0x3e2: {  	[tilespmem:s18], [sflag:$0x1] =	stream.indirect_vreg.gather [hbm4b:s7+s1], $0x80, v3, vm0, $0xb8;
	[tilespmem:$0x1C200] =	vst v63  }
0x3e3: {  	v3 =	vld.msk [tilespmem:$0x1F0], $0xff;
	_ =	sdelay $0x4  }
0x3e4: {  	v4 =	vshll.u32 v3, $0x3  }
0x3e5: {  	v3 =	vand.u32 $0x7, v3;
	v4 =	vand.u32 $0xFFFFFFC0, v4  }
0x3e6: {  	v3 =	vor.u32 v3, v4  }
0x3e7: {  	v3 =	vperm.xlane v3, v0;
	_ =	sdelay $0x1  }
0x3e8: {  	v3 =	vadd.s32 v1, v3;
	_ =	sdelay $0x4  }
0x3e9: {  	[tilespmem:s8], [sflag:$0x1] =	stream.indirect_vreg.gather [hbm4b:s2+s1], $0x80, v3, vm0, $0xb8;
	[tilespmem:$0x1C200] =	vst v63  }
0x3ea: {  	_ = 	snop  }
0x3eb: {  	[tilespmem:s19], [sflag:$0x1] =	stream.indirect_vreg.gather [hbm4b:s5+s1], $0x80, v3, vm0, $0xb8;
	[tilespmem:$0x1C200] =	vst v63  }
0x3ec: {  	s11 =	simm.s32 $0x0  }
0x3ed: {  	[tilespmem:s21], [sflag:$0x1] =	stream.indirect_vreg.gather [hbm4b:s6+s1], $0x80, v3, vm0, $0xb8;
	[tilespmem:$0x1C200] =	vst v63  }
0x3ee: {  	s4 =	sand.u32 $0xE000, s11  }
0x3ef: {  	[tilespmem:s22], [sflag:$0x1] =	stream.indirect_vreg.gather [hbm4b:s7+s1], $0x80, v3, vm0, $0xb8;
	[tilespmem:$0x1C200] =	vst v63  }
0x3f0: {  	s9 =	simm.s32 $0x0;
	s1 =	sand.u32 $0x1C00, s1;
	_ =	swait.ge [sflag:s30], $0xE000  }
0x3f1: {  	s9 =	sand.u32 $0x380, s9;
	s1 =	sor.u32 s1, s4;
	[sflag:s30] =	ssyncset.done $0x0  }
0x3f2: {  	s4 =	sor.u32 s9, s1;
	[sflag:s30] =	ssyncadd.s32 $0xFFFF2000  }
0x3f3: {  	v3 =	vld [tilespmem:s4+$0xE270]  }
0x3f4: {  	v4 =	vld [tilespmem:s4+$0xE200]  }
0x3f5: {  	v5 =	vld [tilespmem:s4+$0xE210]  }
0x3f6: {  	v6 =	vld [tilespmem:s4+$0xE220]  }
0x3f7: {  	s12 =	simm.s32 $0x80;
	s9 =	simm.s32 $0x400;
	v8 =	vld [tilespmem:s4+$0xE230]  }
0x3f8: {  	s11 =	simm.s32 $0x10;
	s1 =	sand.u32 $0xE000, s12;
	s10 =	sand.u32 $0x1C00, s9;
	v10 =	vld [tilespmem:s4+$0xE240];
	v3 =	vmul.f32 $3.200000000e+01, v3  }
0x3f9: {  	s13 =	sand.u32 $0x380, s11;
	s1 =	sor.u32 s10, s1;
	v7 =	vld [tilespmem:s4+$0xE250];
	v4 =	vmul.f32 $3.200000000e+01, v4  }
0x3fa: {  	s1 =	sor.u32 s13, s1;
	v9 =	vmul.f32 $3.200000000e+01, v5;
	v5 =	vld [tilespmem:s4+$0xE260];
	[tilespmem:s4+$0xE270] =	vst v3  }
0x3fb: {  	v11 =	vmul.f32 $3.200000000e+01, v6;
	v3 =	vld [tilespmem:s1+$0xE270];
	[tilespmem:s4+$0xE200] =	vst v4  }
0x3fc: {  	v4 =	vld [tilespmem:s1+$0xE200];
	[tilespmem:s4+$0xE210] =	vst v9;
	v9 =	vmul.f32 $3.200000000e+01, v8  }
0x3fd: {  	s10 =	simm.s32 $0x8;
	v6 =	vld [tilespmem:s1+$0xE210];
	[tilespmem:s4+$0xE220] =	vst v11;
	v8 =	vmul.f32 $3.200000000e+01, v10  }
.LBB2_16:
0x3fe: {  	s10 =	sadd.s32 $0x8, s10;
	v10 =	vld [tilespmem:s1+$0xE220];
	[tilespmem:s4+$0xE230] =	vst v9;
	v7 =	vmul.f32 $3.200000000e+01, v7  }
0x3ff: {  	s9 =	sadd.s32 $0x400, s9;
	s11 =	sshll.u32 s10, $0x4;
	p0 =	slt.u32 s10, $0xDF8;
	v9 =	vld [tilespmem:s1+$0xE230];
	[tilespmem:s4+$0xE240] =	vst v8;
	v5 =	vmul.f32 $3.200000000e+01, v5  }
0x400: {  	s12 =	sand.u32 $0x1C00, s9;
	s13 =	sshll.u32 s10, $0x1;
	s11 =	sand.u32 $0xE000, s11;
	v8 =	vld [tilespmem:s1+$0xE240];
	v3 =	vmul.f32 $3.200000000e+01, v3;
	[tilespmem:s4+$0xE250] =	vst v7  }
.Ltmp7:
0x401: {  	s13 =	sand.u32 $0x380, s13;
	s11 =	sor.u32 s12, s11;
	v4 =	vmul.f32 $3.200000000e+01, v4;
	v7 =	vld [tilespmem:s1+$0xE250];
	[tilespmem:s4+$0xE260] =	vst v5;
	(pc) =	sbr.rel @p0 .LBB2_16-.Ltmp7, $4  }
0x402: {  	s4 =	smov.u32 s1;
	v6 =	vmul.f32 $3.200000000e+01, v6;
	v5 =	vld [tilespmem:s1+$0xE260];
	[tilespmem:s1+$0xE270] =	vst v3;
	s1 =	sor.u32 s13, s11  }
0x403: {  	v3 =	vld [tilespmem:s1+$0xE270];
	[tilespmem:s4+$0xE200] =	vst v4;
	v10 =	vmul.f32 $3.200000000e+01, v10  }
0x404: {  	v4 =	vld [tilespmem:s1+$0xE200];
	[tilespmem:s4+$0xE210] =	vst v6;
	v9 =	vmul.f32 $3.200000000e+01, v9  }
0x405: {  	v6 =	vld [tilespmem:s1+$0xE210];
	[tilespmem:s4+$0xE220] =	vst v10;
	v8 =	vmul.f32 $3.200000000e+01, v8  }
0x406: {  	v10 =	vld [tilespmem:s1+$0xE220];
	[tilespmem:s4+$0xE230] =	vst v9;
	v7 =	vmul.f32 $3.200000000e+01, v7  }
0x407: {  	v9 =	vld [tilespmem:s1+$0xE230];
	[tilespmem:s4+$0xE240] =	vst v8;
	v5 =	vmul.f32 $3.200000000e+01, v5  }
0x408: {  	v8 =	vld [tilespmem:s1+$0xE240];
	v3 =	vmul.f32 $3.200000000e+01, v3;
	[tilespmem:s4+$0xE250] =	vst v7  }
0x409: {  	v7 =	vld [tilespmem:s1+$0xE250];
	v4 =	vmul.f32 $3.200000000e+01, v4;
	[tilespmem:s4+$0xE260] =	vst v5  }
0x40a: {  	v5 =	vmul.f32 $3.200000000e+01, v6;
	v6 =	vld [tilespmem:s1+$0xE260];
	[tilespmem:s1+$0xE270] =	vst v3  }
0x40b: {  	[tilespmem:s1+$0xE200] =	vst v4;
	v3 =	vmul.f32 $3.200000000e+01, v10  }
0x40c: {  	v4 =	vmul.f32 $3.200000000e+01, v9;
	[tilespmem:s1+$0xE210] =	vst v5  }
0x40d: {  	[tilespmem:s1+$0xE220] =	vst v3;
	v3 =	vmul.f32 $3.200000000e+01, v8  }
0x40e: {  	[tilespmem:s1+$0xE230] =	vst v4;
	v4 =	vmul.f32 $3.200000000e+01, v7  }
0x40f: {  	[tilespmem:s1+$0xE240] =	vst v3;
	v3 =	vmul.f32 $3.200000000e+01, v6  }
0x410: {  	[tilespmem:s1+$0xE250] =	vst v4  }
0x411: {  	[tilespmem:s1+$0xE260] =	vst v3  }
0x412: {  	s11 =	simm.s32 $0x0;
	s4 =	rddreg [dreg:$0xc]  }
0x413: {  	[hbm4b:s4+s11] =	stream.linear.scatter [tilespmem:s23], [sflag:$0x4], $0xE000, $0x38;
	[tilespmem:$0x1C200] =	vst v63  }
0x414: {  	_ =	swait.ge [sflag:s31], $0xE000  }
0x415: {  	[sflag:s31] =	ssyncset.done $0x0  }
0x416: {  	[sflag:s31] =	ssyncadd.s32 $0xFFFF2000  }
0x417: {  	v3 =	vld.msk [tilespmem:$0x1F8], $0xff;
	_ =	sdelay $0x4  }
0x418: {  	v4 =	vshll.u32 v3, $0x3  }
0x419: {  	v3 =	vand.u32 $0x7, v3;
	v4 =	vand.u32 $0xFFFFFFC0, v4  }
0x41a: {  	v3 =	vor.u32 v3, v4  }
0x41b: {  	v3 =	vperm.xlane v3, v0;
	_ =	sdelay $0x1  }
0x41c: {  	v3 =	vadd.s32 v1, v3;
	_ =	sdelay $0x4  }
0x41d: {  	[tilespmem:s23], [sflag:$0x2] =	stream.indirect_vreg.gather [hbm4b:s2+s11], $0x80, v3, vm0, $0xb8;
	[tilespmem:$0x1C200] =	vst v63  }
0x41e: {  	_ = 	snop  }
0x41f: {  	[tilespmem:s24], [sflag:$0x2] =	stream.indirect_vreg.gather [hbm4b:s5+s11], $0x80, v3, vm0, $0xb8;
	[tilespmem:$0x1C200] =	vst v63  }
0x420: {  	_ = 	snop  }
0x421: {  	[tilespmem:s25], [sflag:$0x2] =	stream.indirect_vreg.gather [hbm4b:s6+s11], $0x80, v3, vm0, $0xb8;
	[tilespmem:$0x1C200] =	vst v63  }
0x422: {  	s12 =	simm.s32 $0x0;
	s9 =	simm.s32 $0x0  }
0x423: {  	[tilespmem:s26], [sflag:$0x2] =	stream.indirect_vreg.gather [hbm4b:s7+s11], $0x80, v3, vm0, $0xb8;
	[tilespmem:$0x1C200] =	vst v63  }
0x424: {  	s1 =	sand.u32 $0x1C00, s11;
	s4 =	sand.u32 $0xE000, s12;
	_ =	swait.ge [sflag:s28], $0xE000  }
0x425: {  	s9 =	sand.u32 $0x380, s9;
	s1 =	sor.u32 s1, s4;
	[sflag:s28] =	ssyncset.done $0x0  }
0x426: {  	s4 =	sor.u32 s1, s9;
	[sflag:s28] =	ssyncadd.s32 $0xFFFF2000  }
0x427: {  	v3 =	vld [tilespmem:s4+$0x270]  }
0x428: {  	v4 =	vld [tilespmem:s4+$0x200]  }
0x429: {  	v5 =	vld [tilespmem:s4+$0x210]  }
0x42a: {  	v6 =	vld [tilespmem:s4+$0x220]  }
0x42b: {  	s13 =	simm.s32 $0x80;
	s9 =	simm.s32 $0x400;
	v8 =	vld [tilespmem:s4+$0x230]  }
0x42c: {  	s1 =	sand.u32 $0xE000, s13;
	s10 =	sand.u32 $0x1C00, s9;
	s11 =	simm.s32 $0x10;
	v10 =	vld [tilespmem:s4+$0x240];
	v3 =	vmul.f32 $3.200000000e+01, v3  }
0x42d: {  	s1 =	sor.u32 s10, s1;
	s11 =	sand.u32 $0x380, s11;
	v7 =	vld [tilespmem:s4+$0x250];
	v4 =	vmul.f32 $3.200000000e+01, v4  }
0x42e: {  	s1 =	sor.u32 s1, s11;
	v9 =	vmul.f32 $3.200000000e+01, v5;
	v5 =	vld [tilespmem:s4+$0x260];
	[tilespmem:s4+$0x270] =	vst v3  }
0x42f: {  	v11 =	vmul.f32 $3.200000000e+01, v6;
	v3 =	vld [tilespmem:s1+$0x270];
	[tilespmem:s4+$0x200] =	vst v4  }
0x430: {  	v4 =	vld [tilespmem:s1+$0x200];
	[tilespmem:s4+$0x210] =	vst v9;
	v9 =	vmul.f32 $3.200000000e+01, v8  }
0x431: {  	s10 =	simm.s32 $0x8;
	v6 =	vld [tilespmem:s1+$0x210];
	[tilespmem:s4+$0x220] =	vst v11;
	v8 =	vmul.f32 $3.200000000e+01, v10  }
.LBB2_18:
0x432: {  	s10 =	sadd.s32 $0x8, s10;
	v10 =	vld [tilespmem:s1+$0x220];
	[tilespmem:s4+$0x230] =	vst v9;
	v7 =	vmul.f32 $3.200000000e+01, v7  }
0x433: {  	s9 =	sadd.s32 $0x400, s9;
	s11 =	sshll.u32 s10, $0x4;
	p0 =	slt.u32 s10, $0xDF8;
	v9 =	vld [tilespmem:s1+$0x230];
	[tilespmem:s4+$0x240] =	vst v8;
	v5 =	vmul.f32 $3.200000000e+01, v5  }
0x434: {  	s12 =	sand.u32 $0x1C00, s9;
	s13 =	sshll.u32 s10, $0x1;
	s11 =	sand.u32 $0xE000, s11;
	v8 =	vld [tilespmem:s1+$0x240];
	v3 =	vmul.f32 $3.200000000e+01, v3;
	[tilespmem:s4+$0x250] =	vst v7  }
.Ltmp8:
0x435: {  	s13 =	sand.u32 $0x380, s13;
	s11 =	sor.u32 s12, s11;
	v4 =	vmul.f32 $3.200000000e+01, v4;
	v7 =	vld [tilespmem:s1+$0x250];
	[tilespmem:s4+$0x260] =	vst v5;
	(pc) =	sbr.rel @p0 .LBB2_18-.Ltmp8, $4  }
0x436: {  	s4 =	smov.u32 s1;
	v6 =	vmul.f32 $3.200000000e+01, v6;
	v5 =	vld [tilespmem:s1+$0x260];
	[tilespmem:s1+$0x270] =	vst v3;
	s1 =	sor.u32 s11, s13  }
0x437: {  	v3 =	vld [tilespmem:s1+$0x270];
	[tilespmem:s4+$0x200] =	vst v4;
	v10 =	vmul.f32 $3.200000000e+01, v10  }
0x438: {  	v4 =	vld [tilespmem:s1+$0x200];
	[tilespmem:s4+$0x210] =	vst v6;
	v9 =	vmul.f32 $3.200000000e+01, v9  }
0x439: {  	v6 =	vld [tilespmem:s1+$0x210];
	[tilespmem:s4+$0x220] =	vst v10;
	v8 =	vmul.f32 $3.200000000e+01, v8  }
0x43a: {  	v10 =	vld [tilespmem:s1+$0x220];
	[tilespmem:s4+$0x230] =	vst v9;
	v7 =	vmul.f32 $3.200000000e+01, v7  }
0x43b: {  	v9 =	vld [tilespmem:s1+$0x230];
	[tilespmem:s4+$0x240] =	vst v8;
	v5 =	vmul.f32 $3.200000000e+01, v5  }
0x43c: {  	v8 =	vld [tilespmem:s1+$0x240];
	v3 =	vmul.f32 $3.200000000e+01, v3;
	[tilespmem:s4+$0x250] =	vst v7  }
0x43d: {  	v7 =	vld [tilespmem:s1+$0x250];
	v4 =	vmul.f32 $3.200000000e+01, v4;
	[tilespmem:s4+$0x260] =	vst v5  }
0x43e: {  	v5 =	vmul.f32 $3.200000000e+01, v6;
	v6 =	vld [tilespmem:s1+$0x260];
	[tilespmem:s1+$0x270] =	vst v3  }
0x43f: {  	[tilespmem:s1+$0x200] =	vst v4;
	v3 =	vmul.f32 $3.200000000e+01, v10  }
0x440: {  	v4 =	vmul.f32 $3.200000000e+01, v9;
	[tilespmem:s1+$0x210] =	vst v5  }
0x441: {  	[tilespmem:s1+$0x220] =	vst v3;
	v3 =	vmul.f32 $3.200000000e+01, v8  }
0x442: {  	[tilespmem:s1+$0x230] =	vst v4;
	v4 =	vmul.f32 $3.200000000e+01, v7  }
0x443: {  	[tilespmem:s1+$0x240] =	vst v3;
	v3 =	vmul.f32 $3.200000000e+01, v6  }
0x444: {  	[tilespmem:s1+$0x250] =	vst v4  }
0x445: {  	[tilespmem:s1+$0x260] =	vst v3  }
0x446: {  	s11 =	simm.s32 $0x0;
	s4 =	rddreg [dreg:$0xd]  }
0x447: {  	[hbm4b:s4+s11] =	stream.linear.scatter [tilespmem:s20], [sflag:$0x3], $0xE000, $0x38;
	[tilespmem:$0x1C200] =	vst v63  }
0x448: {  	_ =	swait.ge [sflag:s30], $0x2000  }
0x449: {  	s12 =	sand.u32 $0x1C00, s11;
	s1 =	sand.u32 $0x380, s11;
	[sflag:s30] =	ssyncset.done $0x0  }
0x44a: {  	s4 =	sor.u32 s1, s12;
	[sflag:s30] =	ssyncadd.s32 $0xFFFFE000  }
0x44b: {  	v3 =	vld [tilespmem:s4+$0xE270]  }
0x44c: {  	v4 =	vld [tilespmem:s4+$0xE200]  }
0x44d: {  	v5 =	vld [tilespmem:s4+$0xE210]  }
0x44e: {  	v10 =	vld [tilespmem:s4+$0xE250]  }
0x44f: {  	v6 =	vld [tilespmem:s4+$0xE220]  }
0x450: {  	s13 =	simm.s32 $0x400;
	s9 =	simm.s32 $0x10;
	v8 =	vld [tilespmem:s4+$0xE230];
	v3 =	vmul.f32 $3.200000000e+01, v3  }
0x451: {  	s9 =	sand.u32 $0x380, s9;
	s1 =	sand.u32 $0x1C00, s13;
	v9 =	vld [tilespmem:s4+$0xE240];
	v4 =	vmul.f32 $3.200000000e+01, v4  }
0x452: {  	s1 =	sor.u32 s9, s1;
	v11 =	vld [tilespmem:s4+$0xE260];
	v5 =	vmul.f32 $3.200000000e+01, v5;
	[tilespmem:s4+$0xE270] =	vst v3  }
0x453: {  	v12 =	vld [tilespmem:s1+$0xE270];
	v10 =	vmul.f32 $3.200000000e+01, v10;
	[tilespmem:s4+$0xE200] =	vst v4  }
0x454: {  	v7 =	vld [tilespmem:s1+$0xE200];
	v3 =	vmul.f32 $3.200000000e+01, v6;
	[tilespmem:s4+$0xE210] =	vst v5  }
0x455: {  	v4 =	vmul.f32 $3.200000000e+01, v8;
	v6 =	vld [tilespmem:s1+$0xE210];
	[tilespmem:s4+$0xE250] =	vst v10  }
0x456: {  	v5 =	vmul.f32 $3.200000000e+01, v9;
	[tilespmem:s4+$0xE220] =	vst v3;
	v3 =	vld [tilespmem:s1+$0xE220]  }
0x457: {  	v9 =	vmul.f32 $3.200000000e+01, v11;
	[tilespmem:s4+$0xE230] =	vst v4;
	v4 =	vld [tilespmem:s1+$0xE230]  }
0x458: {  	s10 =	simm.s32 $0x800;
	s11 =	simm.s32 $0x20;
	s9 =	simm.s32 $0x8;
	v8 =	vmul.f32 $3.200000000e+01, v12;
	[tilespmem:s4+$0xE240] =	vst v5;
	v5 =	vld [tilespmem:s1+$0xE240]  }
.LBB2_20:
0x459: {  	s12 =	sand.u32 $0x1C00, s10;
	s13 =	sand.u32 $0x380, s11;
	s9 =	sadd.s32 $0x8, s9;
	v7 =	vmul.f32 $3.200000000e+01, v7;
	v10 =	vld [tilespmem:s1+$0xE250];
	[tilespmem:s4+$0xE260] =	vst v9  }
0x45a: {  	s4 =	smov.u32 s1;
	p0 =	slt.u32 s9, $0x1F8;
	v6 =	vmul.f32 $3.200000000e+01, v6;
	v9 =	vld [tilespmem:s1+$0xE260];
	[tilespmem:s1+$0xE270] =	vst v8;
	s1 =	sor.u32 s13, s12  }
0x45b: {  	v8 =	vld [tilespmem:s1+$0xE270];
	[tilespmem:s4+$0xE200] =	vst v7;
	v3 =	vmul.f32 $3.200000000e+01, v3  }
.Ltmp9:
0x45c: {  	v7 =	vld [tilespmem:s1+$0xE200];
	[tilespmem:s4+$0xE210] =	vst v6;
	v4 =	vmul.f32 $3.200000000e+01, v4;
	(pc) =	sbr.rel @p0 .LBB2_20-.Ltmp9, $4  }
0x45d: {  	v6 =	vld [tilespmem:s1+$0xE210];
	[tilespmem:s4+$0xE220] =	vst v3;
	v5 =	vmul.f32 $3.200000000e+01, v5  }
0x45e: {  	v3 =	vld [tilespmem:s1+$0xE220];
	[tilespmem:s4+$0xE230] =	vst v4;
	v10 =	vmul.f32 $3.200000000e+01, v10  }
0x45f: {  	v4 =	vld [tilespmem:s1+$0xE230];
	[tilespmem:s4+$0xE240] =	vst v5;
	v9 =	vmul.f32 $3.200000000e+01, v9  }
0x460: {  	s10 =	sadd.s32 $0x400, s10;
	s11 =	sadd.s32 $0x10, s11;
	v5 =	vld [tilespmem:s1+$0xE240];
	v8 =	vmul.f32 $3.200000000e+01, v8;
	[tilespmem:s4+$0xE250] =	vst v10  }
0x461: {  	v7 =	vmul.f32 $3.200000000e+01, v7;
	v10 =	vld [tilespmem:s1+$0xE250];
	[tilespmem:s4+$0xE260] =	vst v9  }
0x462: {  	v62 =	vld [tilespmem:s1+$0xE260];
	v6 =	vmul.f32 $3.200000000e+01, v6;
	[tilespmem:s1+$0xE270] =	vst v8  }
0x463: {  	[tilespmem:s1+$0xE200] =	vst v7;
	v3 =	vmul.f32 $3.200000000e+01, v3  }
0x464: {  	[tilespmem:s1+$0xE210] =	vst v6;
	v4 =	vmul.f32 $3.200000000e+01, v4  }
0x465: {  	[tilespmem:s1+$0xE220] =	vst v3;
	v3 =	vmul.f32 $3.200000000e+01, v5  }
0x466: {  	[tilespmem:s1+$0xE230] =	vst v4;
	v63 =	vmul.f32 $3.200000000e+01, v10  }
0x467: {  	[tilespmem:s1+$0xE240] =	vst v3;
	v3 =	vmul.f32 $3.200000000e+01, v62  }
0x468: {  	[tilespmem:s1+$0xE250] =	vst v63  }
0x469: {  	[tilespmem:s1+$0xE260] =	vst v3  }
0x46a: {  	s1 =	rddreg [dreg:$0xe]  }
0x46b: {  	[hbm4b:s1+s3] =	stream.linear.scatter [tilespmem:s23], [sflag:$0x4], $0x2000, $0x38;
	[tilespmem:$0x1C200] =	vst v63  }
0x46c: {  	_ =	swait.ge [sflag:s29], $0xE000  }
0x46d: {  	[sflag:s29] =	ssyncset.done $0x0  }
0x46e: {  	[sflag:s29] =	ssyncadd.s32 $0xFFFF2000  }
0x46f: {  	_ =	swait.ge [sflag:s31], $0x2000  }
0x470: {  	s0 =	sadd.s32 $0x1, s0;
	s13 =	rddreg [dreg:$0xf]  }
0x471: {  	p0 =	sne.s32 s0, s13  }
.Ltmp10:
0x472: {  	_ = 	snop;
	(pc) =	sbr.rel @p0 .LBB2_1-.Ltmp10, $3  }
0x473: {  	_ =	sdelay $0x1  }
0x474: {  	[sflag:s31] =	ssyncset.done $0x0  }
0x475: {  	[sflag:s31] =	ssyncadd.s32 $0xFFFFE000  }
0x476: {  	_ =	sfence.sel $0x180000  }
0x477: {  	[bflag:$0x0] =	sbarrier.arrive $0xFFFF  }
0x478: {  	_ =	strace $0x90000047  }
0x479: {  	s0 =	stileid.u32;
	[bflag:$0x2] =	sbarrier.arrive $0xFFFF  }
0x47a: {  	p0 =	sne.s32 s0, $0x0;
	s0 =	rddreg [dreg:$0x3]  }
0x47b: {  	s0 =	sadd.s32 @!p0 $0x100000, s0  }
0x47c: {  	[sflag:s0] =	ssyncadd.tile.s32 @!p0 $0x1;
	_ =	shalt  }
.Lfunc_end2:
_tile_overlayer_lowered:
.L_overlay_start_2:
0x47d: {  	(tag) =	ssettag $0x2  }
0x47e: {  	s0 =	rddreg [dreg:$0x0];
	s2 =	stileid.u32  }
0x47f: {  	s1 =	rddreg [dreg:$0x1];
	p0 =	sne.s32 s2, $0x0  }
0x480: {  	s3 =	rddreg [dreg:$0x2];
	[bflag:$0x3] =	sbarrier.arrive $0xFFFF;
	s2 =	simm.s32 @!p0 $0x1C05  }
0x481: {  	[timem:s3], [sflag:s2] =	dma.local @!p0 [hbm:s0], s1  }
0x482: {  	s0 =	simm.s32 @!p0 $0x5  }
0x483: {  	_ =	swait.ge @!p0 [sflag:s0], s1  }
0x484: {  	s1 =	ssub.s32 @!p0 $0x0, s1;
	[sflag:s0] =	ssyncset.done @!p0 $0x0  }
0x485: {  	[sflag:s0] =	ssyncadd.s32 @!p0 s1  }
0x486: {  	[bflag:$0x3] =	sbarrier.arrive $0xFFFF  }
0x487: {  	_ =	shalt  }

</sc_bundles>
